<compile_context>
chip_gen: v7x
topology: tpu7x:2x2x1
jax: 0.10.2.dev20260603
libtpu: 0.0.44.dev20260713+nightly
codegen_flags: <defaults>
</compile_context>

<pallas_src>
import functools

import jax
import jax.numpy as jnp
from jax import lax
from jax.experimental import pallas as pl
from jax.experimental.pallas import tpu as pltpu
from jax.experimental.pallas import tpu_sc as plsc

N = 2048
B = 4
D = 128
E = 65536

TS = 1024
NT = N // TS


_NW = 32
_EPW = E // _NW
_G = 128
_NCH = _EPW // _G
_R = N // 16


def _sc_mesh():
    return plsc.VectorSubcoreMesh(core_axis_name="c", subcore_axis_name="s")


def _sc_seg_sum(yflat, idx_w, zeros_rows, ones_rows, *, gather, F=D, G=_G):
    nb = idx_w.shape[0]
    nch = _EPW // G
    P = F // 128
    row_shape = (N, 128) if P == 1 else (N, P, 128)
    buf_shape = (G, 128) if P == 1 else (G, P, 128)
    out_shape = (2, nb) + row_shape

    @functools.partial(
        pl.kernel,
        mesh=_sc_mesh(),
        out_type=jax.ShapeDtypeStruct(out_shape, jnp.float32),
        scratch_types=[
            pltpu.VMEM_SHARED(row_shape, jnp.float32),
            pltpu.VMEM(buf_shape, jnp.float32),
            pltpu.VMEM(buf_shape, jnp.float32),
            pltpu.VMEM((2, G), jnp.int32),
            pltpu.VMEM((2, G), jnp.int32),
            pltpu.SemaphoreType.DMA,
            pltpu.SemaphoreType.DMA,
        ],
    )
    def kern(y_hbm, idx_hbm, zero_hbm, ones_hbm, out_hbm,
             acc, rows0, rows1, idx0, idx1, sem0, sem1):
        ci = lax.axis_index("c")
        si = lax.axis_index("s")
        wid = ci * 16 + si
        if not gather:
            pltpu.sync_copy(ones_hbm, rows0)
        for b in range(nb):
            pltpu.sync_copy(zero_hbm, acc.at[pl.ds(si * _R, _R)])
            plsc.subcore_barrier()
            if gather:
                pltpu.sync_copy(idx_hbm.at[b, wid, 0], idx0)
                pltpu.async_copy(y_hbm.at[idx0.at[0]], rows0, sem0)

                def pair(k, carry):
                    c = 2 * k
                    pltpu.sync_copy(idx_hbm.at[b, wid, c + 1], idx1)
                    pltpu.async_copy(y_hbm.at[idx1.at[0]], rows1, sem1)
                    pltpu.make_async_copy(
                        y_hbm.at[idx0.at[0]], rows0, sem0).wait()
                    pltpu.sync_copy(rows0, acc.at[idx0.at[1]], add=True)

                    @pl.when(k < nch // 2 - 1)
                    def _():
                        pltpu.sync_copy(idx_hbm.at[b, wid, c + 2], idx0)
                        pltpu.async_copy(y_hbm.at[idx0.at[0]], rows0, sem0)

                    pltpu.make_async_copy(
                        y_hbm.at[idx1.at[0]], rows1, sem1).wait()
                    pltpu.sync_copy(rows1, acc.at[idx1.at[1]], add=True)
                    return carry

                lax.fori_loop(0, nch // 2, pair, 0)
            else:
                def chunk(c, carry):
                    pltpu.sync_copy(idx_hbm.at[b, wid, c], idx0)
                    pltpu.sync_copy(rows0, acc.at[idx0.at[1]], add=True)
                    return carry

                lax.fori_loop(0, nch, chunk, 0)
            plsc.subcore_barrier()
            pltpu.sync_copy(acc.at[pl.ds(si * _R, _R)],
                            out_hbm.at[ci, b, pl.ds(si * _R, _R)])

    return kern(yflat, idx_w, zeros_rows, ones_rows)



def _edge_finalize(acc, y, dinv, bias_row, *, relu):
    nb = y.shape[0]

    def body(a_ref, y_ref, d_ref, b_ref, o_ref):
        for b in range(nb):
            z = a_ref[0, b] + a_ref[1, b] + y_ref[b]
            z = d_ref[...] * z + b_ref[...]
            if relu:
                z = jnp.maximum(z, 0.0)
            o_ref[b] = z

    return pl.pallas_call(
        body,
        grid=(NT,),
        in_specs=[
            pl.BlockSpec((2, nb, TS, D), lambda i: (0, 0, i, 0)),
            pl.BlockSpec((nb, TS, D), lambda i: (0, i, 0)),
            pl.BlockSpec((TS, 1), lambda i: (i, 0)),
            pl.BlockSpec((1, D), lambda i: (0, 0)),
        ],
        out_specs=pl.BlockSpec((nb, TS, D), lambda i: (0, i, 0)),
        out_shape=jax.ShapeDtypeStruct((nb, N, D), jnp.float32),
    )(acc, y, dinv, bias_row)



def _linear_rowscale(x, wt, scale):
    M = x.shape[0]
    TM = 1024

    def body(x_ref, w_ref, s_ref, o_ref):
        o_ref[...] = s_ref[...] * jnp.dot(
            x_ref[...], w_ref[...], preferred_element_type=jnp.float32)

    return pl.pallas_call(
        body,
        grid=(M // TM,),
        in_specs=[
            pl.BlockSpec((TM, D), lambda i: (i, 0)),
            pl.BlockSpec((D, D), lambda i: (0, 0)),
            pl.BlockSpec((TM, 1), lambda i: (i, 0)),
        ],
        out_specs=pl.BlockSpec((TM, D), lambda i: (i, 0)),
        out_shape=jax.ShapeDtypeStruct((M, D), jnp.float32),
    )(x, wt, scale)



def _adj_stats(x, xt, wfc, bfc_col):
    def body(x_ref, xt_ref, w_ref, bf_ref, acc_ref):
        j = pl.program_id(1)
        i = pl.program_id(2)
        xtb = xt_ref[0]
        pt = jnp.dot(w_ref[...], xtb, preferred_element_type=jnp.float32)
        pt = jnp.maximum(pt + bf_ref[...], 0.0)
        xj = x_ref[0]
        rn = lax.rsqrt(jnp.sum(xj * xj, axis=1, keepdims=True))
        cn = lax.rsqrt(jnp.sum(xtb * xtb, axis=0, keepdims=True))
        sim = rn * jnp.dot(xj, xtb, preferred_element_type=jnp.float32) * cn
        s2 = jnp.sum(pt * pt)
        mx = jnp.max(pt)
        c1 = jnp.sum(pt * sim)
        c2 = jnp.sum(sim * sim)
        lane = lax.broadcasted_iota(jnp.int32, (1, 8, 128), 2)
        sumc = jnp.where(lane == 0, s2,
                         jnp.where(lane == 2, c1,
                                   jnp.where(lane == 3, c2, 0.0)))
        mxc = jnp.where(lane == 1, mx, 0.0)
        first = jnp.logical_and(j == 0, i == 0)
        prev = jnp.where(first, 0.0, acc_ref[...])
        acc_ref[...] = jnp.where(lane == 1, jnp.maximum(prev, mxc),
                                 prev + sumc)

    return pl.pallas_call(
        body,
        grid=(B, NT, NT),
        in_specs=[
            pl.BlockSpec((1, TS, D), lambda b, j, i: (b, j, 0)),
            pl.BlockSpec((1, D, TS), lambda b, j, i: (b, 0, i)),
            pl.BlockSpec((TS, D), lambda b, j, i: (j, 0)),
            pl.BlockSpec((TS, 1), lambda b, j, i: (j, 0)),
        ],
        out_specs=pl.BlockSpec((1, 8, 128), lambda b, j, i: (b, 0, 0)),
        out_shape=jax.ShapeDtypeStruct((B, 8, 128), jnp.float32),
    )(x, xt, wfc, bfc_col)


def _adj_tile(w_ref, xt_ref, bf_ref, th_ref, eye_ref, j, i):
    pt = jnp.dot(w_ref[...], xt_ref[0], preferred_element_type=jnp.float32)
    pt = jnp.maximum(pt + bf_ref[...], 0.0)
    a = (pt >= th_ref[0, 0, 0]).astype(jnp.float32)
    sel = jnp.where(j == i, 1.0, 0.0)
    return jnp.maximum(a, eye_ref[...] * sel)



def _mask_deg(xt, wfc, bfc_col, thresh, eye):
    def body(xt_ref, w_ref, bf_ref, th_ref, eye_ref, deg_ref):
        j = pl.program_id(1)
        i = pl.program_id(2)
        a = _adj_tile(w_ref, xt_ref, bf_ref, th_ref, eye_ref, j, i)
        contrib = jnp.sum(a, axis=1, keepdims=True)

        @pl.when(i == 0)
        def _():
            deg_ref[...] = contrib

        @pl.when(i > 0)
        def _():
            deg_ref[...] += contrib

    return pl.pallas_call(
        body,
        grid=(B, NT, NT),
        in_specs=[
            pl.BlockSpec((1, D, TS), lambda b, j, i: (b, 0, i)),
            pl.BlockSpec((TS, D), lambda b, j, i: (j, 0)),
            pl.BlockSpec((TS, 1), lambda b, j, i: (j, 0)),
            pl.BlockSpec((1, 1, 1), lambda b, j, i: (b, 0, 0)),
            pl.BlockSpec((TS, TS), lambda b, j, i: (0, 0)),
        ],
        out_specs=pl.BlockSpec((TS, 1), lambda b, j, i: (b * NT + j, 0)),
        out_shape=jax.ShapeDtypeStruct((B * N, 1), jnp.float32),
    )(xt, wfc, bfc_col, thresh, eye)



def _mask_agg(xt, wfc, bfc_col, thresh, eye, y, dinv_col, bias_row, *, relu):
    def body(xt_ref, w_ref, bf_ref, th_ref, eye_ref, y_ref, d_ref, b_ref, o_ref):
        j = pl.program_id(1)
        i = pl.program_id(2)
        a = _adj_tile(w_ref, xt_ref, bf_ref, th_ref, eye_ref, j, i)
        contrib = jnp.dot(a, y_ref[0], preferred_element_type=jnp.float32)

        @pl.when(i == 0)
        def _():
            o_ref[0] = contrib

        @pl.when(i > 0)
        def _():
            o_ref[0] += contrib

        @pl.when(i == NT - 1)
        def _():
            z = d_ref[...] * o_ref[0] + b_ref[...]
            if relu:
                z = jnp.maximum(z, 0.0)
            o_ref[0] = z

    return pl.pallas_call(
        body,
        grid=(B, NT, NT),
        in_specs=[
            pl.BlockSpec((1, D, TS), lambda b, j, i: (b, 0, i)),
            pl.BlockSpec((TS, D), lambda b, j, i: (j, 0)),
            pl.BlockSpec((TS, 1), lambda b, j, i: (j, 0)),
            pl.BlockSpec((1, 1, 1), lambda b, j, i: (b, 0, 0)),
            pl.BlockSpec((TS, TS), lambda b, j, i: (0, 0)),
            pl.BlockSpec((1, TS, D), lambda b, j, i: (b, i, 0)),
            pl.BlockSpec((TS, 1), lambda b, j, i: (b * NT + j, 0)),
            pl.BlockSpec((1, D), lambda b, j, i: (0, 0)),
        ],
        out_specs=pl.BlockSpec((1, TS, D), lambda b, j, i: (b, j, 0)),
        out_shape=jax.ShapeDtypeStruct((B, N, D), jnp.float32),
    )(xt, wfc, bfc_col, thresh, eye, y, dinv_col, bias_row)



def _final_readout(agg0, y4, b4_row, wr_pad, br_pad):
    TT = 512
    NB0 = N // TT

    def body(a_ref, y_ref, b4_ref, wr_ref, br_ref, o_ref):
        i = pl.program_id(0)
        x4 = jnp.where(i < NB0, a_ref[...], y_ref[...] + b4_ref[...])
        o_ref[...] = jnp.dot(x4, wr_ref[...],
                             preferred_element_type=jnp.float32) + br_ref[...]

    return pl.pallas_call(
        body,
        grid=(B * N // TT,),
        in_specs=[
            pl.BlockSpec((TT, D), lambda i: (i % (N // TT), 0)),
            pl.BlockSpec((TT, D), lambda i: (i, 0)),
            pl.BlockSpec((1, D), lambda i: (0, 0)),
            pl.BlockSpec((D, 128), lambda i: (0, 0)),
            pl.BlockSpec((1, 128), lambda i: (0, 0)),
        ],
        out_specs=pl.BlockSpec((TT, 128), lambda i: (i, 0)),
        out_shape=jax.ShapeDtypeStruct((B * N, 128), jnp.float32),
    )(agg0, y4, b4_row, wr_pad, br_pad)



def _adjacency_scalars(acc3):
    acc = acc3[:, 0, :]
    s2, mx, c1, c2 = acc[:, 0], acc[:, 1], acc[:, 2], acc[:, 3]
    rs2 = jnp.sqrt(s2)
    gmax = jnp.max(mx / rs2)
    thresh = (0.5 * gmax) * rs2
    loss = jnp.mean(1.0 - 2.0 * (c1 / rs2) + c2)
    return thresh.reshape(B, 1, 1), loss


def kernel(inputs, std_edge, W1, b1, W2, b2, W3, b3, W4, b4, Wfc, bfc, Wr, br):
    x0 = inputs.astype(jnp.float32)
    src = std_edge[0]
    dst = std_edge[1]

    dst_w = dst.reshape(_NW, _NCH, _G)
    zrows0 = jnp.zeros((_R, D), jnp.float32)
    ones_rows = jnp.ones((_G, D), jnp.float32)
    idx_deg = jnp.stack([dst_w, dst_w], axis=-2)[None]
    degp = _sc_seg_sum(ones_rows, idx_deg, zrows0, ones_rows, gather=False)
    deg_std = degp[0, 0, :, 0] + degp[1, 0, :, 0] + 1.0
    dinv_std = (deg_std ** -0.5).reshape(N, 1)
    dinv_std_b = jnp.tile(dinv_std, (B, 1))

    bfc_col = bfc.reshape(N, 1)
    eye_ts = jnp.eye(TS, dtype=jnp.float32)
    zrows = zrows0

    y1 = _linear_rowscale(x0.reshape(B * N, D), W1.T, dinv_std_b)
    offs = (jnp.arange(B, dtype=src.dtype) * N)[:, None]
    src_wb = (src[None, :] + offs).reshape(B, _NW, _NCH, _G)
    idx1_w = jnp.stack(
        [src_wb, jnp.broadcast_to(dst_w[None], src_wb.shape)], axis=-2)
    macc1 = _sc_seg_sum(y1, idx1_w, zrows, ones_rows, gather=True)
    x1 = _edge_finalize(macc1, y1.reshape(B, N, D), dinv_std,
                        b1.reshape(1, D), relu=True)

    xt1 = x1.transpose(0, 2, 1)
    acc1 = _adj_stats(x1, xt1, Wfc, bfc_col)
    thresh1, loss1 = _adjacency_scalars(acc1)
    deg2 = _mask_deg(xt1, Wfc, bfc_col, thresh1, eye_ts)
    dinv2 = deg2 ** -0.5
    y2 = _linear_rowscale(x1.reshape(B * N, D), W2.T, dinv2)
    x2 = _mask_agg(xt1, Wfc, bfc_col, thresh1, eye_ts, y2.reshape(B, N, D),
                   dinv2, b2.reshape(1, D), relu=True)

    xt2 = x2.transpose(0, 2, 1)
    acc2 = _adj_stats(x2, xt2, Wfc, bfc_col)
    thresh2, loss2 = _adjacency_scalars(acc2)
    deg3 = _mask_deg(xt2, Wfc, bfc_col, thresh2, eye_ts)
    dinv3 = deg3 ** -0.5
    y3 = _linear_rowscale(x2.reshape(B * N, D), W3.T, dinv3)
    x3 = _mask_agg(xt2, Wfc, bfc_col, thresh2, eye_ts, y3.reshape(B, N, D),
                   dinv3, b3.reshape(1, D), relu=True)

    scale4 = jnp.concatenate(
        [dinv_std, jnp.ones(((B - 1) * N, 1), jnp.float32)], axis=0)
    y4 = _linear_rowscale(x3.reshape(B * N, D), W4.T, scale4)
    idx4_w = jnp.stack([src.reshape(_NW, _NCH, _G), dst_w], axis=-2)[None]
    macc4 = _sc_seg_sum(y4[:N], idx4_w, zrows, ones_rows, gather=True)
    agg0 = _edge_finalize(macc4, y4[:N].reshape(1, N, D), dinv_std,
                          b4.reshape(1, D), relu=False)[0]

    wr_pad = jnp.zeros((D, 128), jnp.float32).at[:, :2].set(Wr.T)
    br_pad = jnp.zeros((1, 128), jnp.float32).at[0, :2].set(br)
    ro = _final_readout(agg0, y4, b4.reshape(1, D), wr_pad, br_pad)
    out = ro[:, :2].reshape(B, N, 2)
    return out, loss1 + loss2

# --- scband reference (transcript-rebuilt; emitter-appended) ---
"""Pipeline reference for scband-gcnmodel-13108240187969 (READ-ONLY COPY).

The authoritative reference and input builder live on the scoring server;
editing this copy changes nothing except your own understanding.
"""

import jax, jax.numpy as jnp
import numpy as np

NUM_NODES = 2048
NUM_BRANCHES = 4
D = 128
EPB = 65536


def setup_inputs(seed: int = 0):
    key = jax.random.key(seed)
    ks = jax.random.split(key, 16)
    inputs = jax.random.normal(ks[0], (NUM_BRANCHES, NUM_NODES, D), dtype=jnp.float32)
    src = jax.random.randint(ks[1], (EPB,), 0, NUM_NODES)
    dst = jax.random.randint(ks[2], (EPB,), 0, NUM_NODES)
    dst = jnp.where(dst == src, (dst + 1) % NUM_NODES, dst)
    std_edge = jnp.stack([src, dst]).astype(jnp.int32)

    def lin(k, shape, fan_in):
        b = 1.0 / np.sqrt(fan_in)
        return jax.random.uniform(k, shape, jnp.float32, -b, b)

    W1 = lin(ks[3], (D, D), D); b1 = lin(ks[4], (D,), D)
    W2 = lin(ks[5], (D, D), D); b2 = lin(ks[6], (D,), D)
    W3 = lin(ks[7], (D, D), D); b3 = lin(ks[8], (D,), D)
    W4 = lin(ks[9], (D, D), D); b4 = lin(ks[10], (D,), D)
    Wfc = lin(ks[11], (NUM_NODES, D), D); bfc = lin(ks[12], (NUM_NODES,), D)
    Wr = lin(ks[13], (2, D), D); br = lin(ks[14], (2,), D)
    return {'inputs': inputs, 'std_edge': std_edge, 'W1': W1, 'b1': b1, 'W2': W2, 'b2': b2,
            'W3': W3, 'b3': b3, 'W4': W4, 'b4': b4, 'Wfc': Wfc, 'bfc': bfc, 'Wr': Wr, 'br': br}


def gcn_edges(x, W, b, src, dst, n):
    # GCNConv with edge list: add self-loops, symmetric deg normalization (deg over dst)
    xw = x @ W.T
    loop = jnp.arange(n, dtype=src.dtype)
    s = jnp.concatenate([src, loop])
    t = jnp.concatenate([dst, loop])
    deg = jnp.zeros((n,), xw.dtype).at[t].add(1.0)
    dinv = jnp.where(deg > 0, deg ** -0.5, 0.0)
    norm = dinv[s] * dinv[t]
    out = jnp.zeros_like(xw).at[t].add(norm[:, None] * xw[s])
    return out + b


def gcn_dense(x, W, b, adj_mask):
    # GCNConv where the edge set is the nonzero pattern of the thresholded adjacency
    # (block-diagonal over branches) with unit edge weights. Dense equivalent.
    xw = (x @ W.T).reshape(NUM_BRANCHES, NUM_NODES, -1)
    eye = jnp.eye(NUM_NODES, dtype=xw.dtype)
    A = jnp.maximum(adj_mask, eye[None, :, :])  # remaining self-loops -> diag = 1
    deg = jnp.sum(A, axis=1)  # degree over dst (column sums), [B, N]
    dinv = deg ** -0.5
    out = dinv[..., None] * jnp.einsum('brc,brd->bcd', A, dinv[..., None] * xw)
    return out.reshape(NUM_BRANCHES * NUM_NODES, -1) + b


def adjacency_net(x, Wfc, bfc):
    x3 = x.reshape(NUM_BRANCHES, NUM_NODES, D)
    adj = jax.nn.relu(x3 @ Wfc.T + bfc)
    adj = adj / jnp.sqrt(jnp.sum(adj * adj, axis=(1, 2), keepdims=True))
    node_norm = jnp.sqrt(jnp.sum(x3 * x3, axis=2, keepdims=True))
    xn = x3 / node_norm
    sim = jnp.einsum('bnd,bmd->bnm', xn, xn)
    adj_loss = jnp.mean(jnp.sum(jnp.square(adj - sim), axis=(1, 2)))
    # get_edge_index: zero entries < 0.5 * global max, edges = nonzero entries
    mask = jax.lax.stop_gradient((adj >= 0.5 * jnp.max(adj)).astype(adj.dtype))
    return mask, adj_loss


def reference(inputs, std_edge, W1, b1, W2, b2, W3, b3, W4, b4, Wfc, bfc, Wr, br):
    B, N, d = inputs.shape
    n_total = B * N
    x = inputs.reshape(-1, d)
    # tile std_edge across branches with per-branch node offsets
    offs = (jnp.arange(B * EPB, dtype=std_edge.dtype) // EPB) * N
    src1 = jnp.tile(std_edge[0], B) + offs
    dst1 = jnp.tile(std_edge[1], B) + offs
    x = jax.nn.relu(gcn_edges(x, W1, b1, src1, dst1, n_total))
    mask, loss1 = adjacency_net(x, Wfc, bfc)
    x = jax.nn.relu(gcn_dense(x, W2, b2, mask))
    mask2, loss2 = adjacency_net(x, Wfc, bfc)
    x = jax.nn.relu(gcn_dense(x, W3, b3, mask2))
    # gcn4 uses untiled std_edge on the flattened node set (faithful to original)
    x = gcn_edges(x, W4, b4, std_edge[0], std_edge[1], n_total)
    x = x.reshape(B, N, d)
    out = jnp.einsum('bnd,od->bno', x, Wr) + br  # Conv1d kernel=1 readout
    return out, loss1 + loss2

if __name__ == "__main__":
    import jax
    _d = setup_inputs()
    print(jax.jit(kernel)(*tuple(_d.values())))

</pallas_src>

<mosaic_0001>
#map = affine_map<(d0, d1) -> (0, 0)>
#map1 = affine_map<(d0, d1) -> (0, 0, 0, 0, 0)>
#map2 = affine_map<(d0, d1) -> (0, 0, 0, 0)>
module attributes {stable_mosaic.version = 14 : i64} {
  func.func @kern(%arg0: i32, %arg1: i32, %arg2: memref<128x128xf32, #tpu.memory_space<hbm>>, %arg3: memref<1x32x16x2x128xi32, #tpu.memory_space<hbm>>, %arg4: memref<128x128xf32, #tpu.memory_space<hbm>>, %arg5: memref<128x128xf32, #tpu.memory_space<hbm>>, %arg6: memref<2x1x2048x128xf32, #tpu.memory_space<hbm>>, %arg7: memref<2048x128xf32, #tpu.memory_space<vmem_shared>>, %arg8: memref<128x128xf32, #tpu.memory_space<vmem>>, %arg9: memref<128x128xf32, #tpu.memory_space<vmem>>, %arg10: memref<2x128xi32, #tpu.memory_space<vmem>>, %arg11: memref<2x128xi32, #tpu.memory_space<vmem>>, %arg12: memref<!tpu.dma_semaphore, #tpu.memory_space<semaphore_mem>>, %arg13: memref<!tpu.dma_semaphore, #tpu.memory_space<semaphore_mem>>) attributes {dimension_semantics = [#tpu.dimension_semantics<core_parallel>, #tpu.dimension_semantics<subcore_parallel>], iteration_bounds = array<i64: 2, 16>, scalar_prefetch = 0 : i64, scratch_operands = 7 : i64, tpu.core_type = #tpu.core_type<sc_vector_subcore>, window_params = [{transform_indices = #map}, {transform_indices = #map1}, {transform_indices = #map}, {transform_indices = #map}, {transform_indices = #map2}]} {
    %mul3A = arith.constant 16 : i32
    %mul3A_0 = arith.muli %arg0, %mul3A : i32
    %add3A = arith.addi %mul3A_0, %arg1 : i32
    "tpu.region"() ({
      %run_scoped3A_13 = tpu.sem_alloc : memref<!tpu.dma_semaphore, #tpu.memory_space<semaphore_mem>>
      tpu.enqueue_dma source(%arg5 : memref<128x128xf32, #tpu.memory_space<hbm>>) target(%arg8 : memref<128x128xf32, #tpu.memory_space<vmem>>) target_semaphore(%run_scoped3A_13 : memref<!tpu.dma_semaphore, #tpu.memory_space<semaphore_mem>>)
      tpu.wait_dma2 semaphore(%run_scoped3A_13 : memref<!tpu.dma_semaphore, #tpu.memory_space<semaphore_mem>>) src(%arg5 : memref<128x128xf32, #tpu.memory_space<hbm>>) dst(%arg8 : memref<128x128xf32, #tpu.memory_space<vmem>>)
      tpu.yield
    }) : () -> ()
    %mul3A_1 = arith.constant 128 : i32
    %mul3A_2 = arith.muli %arg1, %mul3A_1 : i32
    "tpu.region"() ({
      %run_scoped3A_13 = tpu.sem_alloc : memref<!tpu.dma_semaphore, #tpu.memory_space<semaphore_mem>>
      %dma_start3A = arith.constant 0 : i32
      %dma_start3A_14 = tpu.memref_slice %arg7[%mul3A_2, %dma_start3A] : memref<2048x128xf32, #tpu.memory_space<vmem_shared>> -> memref<128x128xf32, #tpu.memory_space<vmem_shared>>
      tpu.enqueue_dma source(%arg4 : memref<128x128xf32, #tpu.memory_space<hbm>>) target(%dma_start3A_14 : memref<128x128xf32, #tpu.memory_space<vmem_shared>>) target_semaphore(%run_scoped3A_13 : memref<!tpu.dma_semaphore, #tpu.memory_space<semaphore_mem>>)
      %dma_wait3A = arith.constant 0 : i32
      %dma_wait3A_15 = tpu.memref_slice %arg7[%mul3A_2, %dma_wait3A] : memref<2048x128xf32, #tpu.memory_space<vmem_shared>> -> memref<128x128xf32, #tpu.memory_space<vmem_shared>>
      tpu.wait_dma2 semaphore(%run_scoped3A_13 : memref<!tpu.dma_semaphore, #tpu.memory_space<semaphore_mem>>) src(%arg4 : memref<128x128xf32, #tpu.memory_space<hbm>>) dst(%dma_wait3A_15 : memref<128x128xf32, #tpu.memory_space<vmem_shared>>)
      tpu.yield
    }) : () -> ()
    %barrier3A = arith.constant 0 : index
    tpu.barrier barrier_id(%barrier3A)
    %scan3A = arith.constant 0 : i32
    %scan3A_3 = arith.constant 0 : i32
    %scan3A_4 = arith.constant 16 : i32
    %scan3A_5 = arith.addi %scan3A_3, %scan3A_4 : i32
    %scan3A_6 = arith.constant 1 : i32
    scf.for %scan3A_13 = %scan3A_3 to %scan3A_5 step %scan3A_6  : i32 {
      %run_scoped3A_14 = arith.constant 0 : i32
      "tpu.region"() ({
        %run_scoped3A_16 = tpu.sem_alloc : memref<!tpu.dma_semaphore, #tpu.memory_space<semaphore_mem>>
        %dma_start3A = arith.constant 0 : i32
        %dma_start3A_17 = arith.constant 0 : i32
        %dma_start3A_18 = tpu.memref_slice %arg3[%run_scoped3A_14, %add3A, %scan3A_13, %dma_start3A, %dma_start3A_17] : memref<1x32x16x2x128xi32, #tpu.memory_space<hbm>> -> memref<1x1x1x2x128xi32, #tpu.memory_space<hbm>>
        %dma_start3A_19 = tpu.memref_squeeze %dma_start3A_18 : memref<1x1x1x2x128xi32, #tpu.memory_space<hbm>> -> memref<2x128xi32, #tpu.memory_space<hbm>>
        %dma_start3A_20 = arith.constant 0 : i32
        %dma_start3A_21 = arith.constant 0 : i32
        %dma_start3A_22 = tpu.memref_slice %arg3[%run_scoped3A_14, %add3A, %scan3A_13, %dma_start3A_20, %dma_start3A_21] : memref<1x32x16x2x128xi32, #tpu.memory_space<hbm>> -> memref<1x1x1x2x128xi32, #tpu.memory_space<hbm>>
        %dma_start3A_23 = tpu.memref_squeeze %dma_start3A_22 : memref<1x1x1x2x128xi32, #tpu.memory_space<hbm>> -> memref<2x128xi32, #tpu.memory_space<hbm>>
        tpu.enqueue_dma source(%dma_start3A_23 : memref<2x128xi32, #tpu.memory_space<hbm>>) target(%arg10 : memref<2x128xi32, #tpu.memory_space<vmem>>) target_semaphore(%run_scoped3A_16 : memref<!tpu.dma_semaphore, #tpu.memory_space<semaphore_mem>>)
        %dma_wait3A = arith.constant 0 : i32
        %dma_wait3A_24 = arith.constant 0 : i32
        %dma_wait3A_25 = tpu.memref_slice %arg3[%run_scoped3A_14, %add3A, %scan3A_13, %dma_wait3A, %dma_wait3A_24] : memref<1x32x16x2x128xi32, #tpu.memory_space<hbm>> -> memref<1x1x1x2x128xi32, #tpu.memory_space<hbm>>
        %dma_wait3A_26 = tpu.memref_squeeze %dma_wait3A_25 : memref<1x1x1x2x128xi32, #tpu.memory_space<hbm>> -> memref<2x128xi32, #tpu.memory_space<hbm>>
        %dma_wait3A_27 = arith.constant 0 : i32
        %dma_wait3A_28 = arith.constant 0 : i32
        %dma_wait3A_29 = tpu.memref_slice %arg3[%run_scoped3A_14, %add3A, %scan3A_13, %dma_wait3A_27, %dma_wait3A_28] : memref<1x32x16x2x128xi32, #tpu.memory_space<hbm>> -> memref<1x1x1x2x128xi32, #tpu.memory_space<hbm>>
        %dma_wait3A_30 = tpu.memref_squeeze %dma_wait3A_29 : memref<1x1x1x2x128xi32, #tpu.memory_space<hbm>> -> memref<2x128xi32, #tpu.memory_space<hbm>>
        tpu.wait_dma2 semaphore(%run_scoped3A_16 : memref<!tpu.dma_semaphore, #tpu.memory_space<semaphore_mem>>) src(%dma_wait3A_30 : memref<2x128xi32, #tpu.memory_space<hbm>>) dst(%arg10 : memref<2x128xi32, #tpu.memory_space<vmem>>)
        tpu.yield
      }) : () -> ()
      %run_scoped3A_15 = arith.constant 1 : i32
      "tpu.region"() ({
        %run_scoped3A_16 = tpu.sem_alloc : memref<!tpu.dma_semaphore, #tpu.memory_space<semaphore_mem>>
        %dma_start3A = arith.constant 0 : i32
        %dma_start3A_17 = tpu.memref_slice %arg10[%run_scoped3A_15, %dma_start3A] : memref<2x128xi32, #tpu.memory_space<vmem>> -> memref<1x128xi32, #tpu.memory_space<vmem>>
        %dma_start3A_18 = tpu.memref_squeeze %dma_start3A_17 : memref<1x128xi32, #tpu.memory_space<vmem>> -> memref<128xi32, #tpu.memory_space<vmem>>
        %dma_start3A_19 = arith.constant 0 : i32
        %dma_start3A_20 = arith.constant 0 : i32
        %dma_start3A_21 = tpu.memref_slice %arg7[%dma_start3A_19, %dma_start3A_20] : memref<2048x128xf32, #tpu.memory_space<vmem_shared>> -> memref<2048x128xf32, #tpu.memory_space<vmem_shared>>
        tpu.enqueue_indirect_dma source(%arg8 : memref<128x128xf32, #tpu.memory_space<vmem>>) target(%dma_start3A_21 : memref<2048x128xf32, #tpu.memory_space<vmem_shared>>) offsets(%dma_start3A_18 : memref<128xi32, #tpu.memory_space<vmem>>) semaphore(%run_scoped3A_16 : memref<!tpu.dma_semaphore, #tpu.memory_space<semaphore_mem>>) {add = true}
        %dma_wait3A = arith.constant 0 : i32
        %dma_wait3A_22 = tpu.memref_slice %arg10[%run_scoped3A_15, %dma_wait3A] : memref<2x128xi32, #tpu.memory_space<vmem>> -> memref<1x128xi32, #tpu.memory_space<vmem>>
        %dma_wait3A_23 = tpu.memref_squeeze %dma_wait3A_22 : memref<1x128xi32, #tpu.memory_space<vmem>> -> memref<128xi32, #tpu.memory_space<vmem>>
        %dma_wait3A_24 = arith.constant 0 : i32
        %dma_wait3A_25 = arith.constant 0 : i32
        %dma_wait3A_26 = tpu.memref_slice %arg7[%dma_wait3A_24, %dma_wait3A_25] : memref<2048x128xf32, #tpu.memory_space<vmem_shared>> -> memref<2048x128xf32, #tpu.memory_space<vmem_shared>>
        tpu.wait_indirect_dma semaphore(%run_scoped3A_16 : memref<!tpu.dma_semaphore, #tpu.memory_space<semaphore_mem>>) src(%arg8 : memref<128x128xf32, #tpu.memory_space<vmem>>) dst(%dma_wait3A_26 : memref<2048x128xf32, #tpu.memory_space<vmem_shared>>)
        tpu.yield
      }) : () -> ()
    }
    %scan3A_7 = arith.constant 16 : i32
    %barrier3A_8 = arith.constant 0 : index
    tpu.barrier barrier_id(%barrier3A_8)
    %mul3A_9 = arith.constant 128 : i32
    %mul3A_10 = arith.muli %arg1, %mul3A_9 : i32
    %mul3A_11 = arith.constant 128 : i32
    %mul3A_12 = arith.muli %arg1, %mul3A_11 : i32
    %run_scoped3A = arith.constant 0 : i32
    "tpu.region"() ({
      %run_scoped3A_13 = tpu.sem_alloc : memref<!tpu.dma_semaphore, #tpu.memory_space<semaphore_mem>>
      %dma_start3A = arith.constant 0 : i32
      %dma_start3A_14 = tpu.memref_slice %arg6[%arg0, %run_scoped3A, %mul3A_12, %dma_start3A] : memref<2x1x2048x128xf32, #tpu.memory_space<hbm>> -> memref<1x1x128x128xf32, #tpu.memory_space<hbm>>
      %dma_start3A_15 = tpu.memref_squeeze %dma_start3A_14 : memref<1x1x128x128xf32, #tpu.memory_space<hbm>> -> memref<128x128xf32, #tpu.memory_space<hbm>>
      %dma_start3A_16 = arith.constant 0 : i32
      %dma_start3A_17 = tpu.memref_slice %arg7[%mul3A_10, %dma_start3A_16] : memref<2048x128xf32, #tpu.memory_space<vmem_shared>> -> memref<128x128xf32, #tpu.memory_space<vmem_shared>>
      tpu.enqueue_dma source(%dma_start3A_17 : memref<128x128xf32, #tpu.memory_space<vmem_shared>>) target(%dma_start3A_15 : memref<128x128xf32, #tpu.memory_space<hbm>>) target_semaphore(%run_scoped3A_13 : memref<!tpu.dma_semaphore, #tpu.memory_space<semaphore_mem>>)
      %dma_wait3A = arith.constant 0 : i32
      %dma_wait3A_18 = tpu.memref_slice %arg6[%arg0, %run_scoped3A, %mul3A_12, %dma_wait3A] : memref<2x1x2048x128xf32, #tpu.memory_space<hbm>> -> memref<1x1x128x128xf32, #tpu.memory_space<hbm>>
      %dma_wait3A_19 = tpu.memref_squeeze %dma_wait3A_18 : memref<1x1x128x128xf32, #tpu.memory_space<hbm>> -> memref<128x128xf32, #tpu.memory_space<hbm>>
      %dma_wait3A_20 = arith.constant 0 : i32
      %dma_wait3A_21 = tpu.memref_slice %arg7[%mul3A_10, %dma_wait3A_20] : memref<2048x128xf32, #tpu.memory_space<vmem_shared>> -> memref<128x128xf32, #tpu.memory_space<vmem_shared>>
      tpu.wait_dma2 semaphore(%run_scoped3A_13 : memref<!tpu.dma_semaphore, #tpu.memory_space<semaphore_mem>>) src(%dma_wait3A_21 : memref<128x128xf32, #tpu.memory_space<vmem_shared>>) dst(%dma_wait3A_19 : memref<128x128xf32, #tpu.memory_space<hbm>>)
      tpu.yield
    }) : () -> ()
    return
  }
}

#map = affine_map<(d0, d1) -> (0, 0)>
#map1 = affine_map<(d0, d1) -> (0, 0, 0, 0, 0)>
#map2 = affine_map<(d0, d1) -> (0, 0, 0, 0)>
module attributes {stable_mosaic.version = 14 : i64} {
  func.func @kern(%arg0: i32, %arg1: i32, %arg2: memref<2048x128xf32, #tpu.memory_space<hbm>>, %arg3: memref<1x32x16x2x128xi32, #tpu.memory_space<hbm>>, %arg4: memref<128x128xf32, #tpu.memory_space<hbm>>, %arg5: memref<128x128xf32, #tpu.memory_space<hbm>>, %arg6: memref<2x1x2048x128xf32, #tpu.memory_space<hbm>>, %arg7: memref<2048x128xf32, #tpu.memory_space<vmem_shared>>, %arg8: memref<128x128xf32, #tpu.memory_space<vmem>>, %arg9: memref<128x128xf32, #tpu.memory_space<vmem>>, %arg10: memref<2x128xi32, #tpu.memory_space<vmem>>, %arg11: memref<2x128xi32, #tpu.memory_space<vmem>>, %arg12: memref<!tpu.dma_semaphore, #tpu.memory_space<semaphore_mem>>, %arg13: memref<!tpu.dma_semaphore, #tpu.memory_space<semaphore_mem>>) attributes {dimension_semantics = [#tpu.dimension_semantics<core_parallel>, #tpu.dimension_semantics<subcore_parallel>], iteration_bounds = array<i64: 2, 16>, scalar_prefetch = 0 : i64, scratch_operands = 7 : i64, tpu.core_type = #tpu.core_type<sc_vector_subcore>, window_params = [{transform_indices = #map}, {transform_indices = #map1}, {transform_indices = #map}, {transform_indices = #map}, {transform_indices = #map2}]} {
    %mul3A = arith.constant 16 : i32
    %mul3A_0 = arith.muli %arg0, %mul3A : i32
    %add3A = arith.addi %mul3A_0, %arg1 : i32
    %mul3A_1 = arith.constant 128 : i32
    %mul3A_2 = arith.muli %arg1, %mul3A_1 : i32
    "tpu.region"() ({
      %run_scoped3A_21 = tpu.sem_alloc : memref<!tpu.dma_semaphore, #tpu.memory_space<semaphore_mem>>
      %dma_start3A_22 = arith.constant 0 : i32
      %dma_start3A_23 = tpu.memref_slice %arg7[%mul3A_2, %dma_start3A_22] : memref<2048x128xf32, #tpu.memory_space<vmem_shared>> -> memref<128x128xf32, #tpu.memory_space<vmem_shared>>
      tpu.enqueue_dma source(%arg4 : memref<128x128xf32, #tpu.memory_space<hbm>>) target(%dma_start3A_23 : memref<128x128xf32, #tpu.memory_space<vmem_shared>>) target_semaphore(%run_scoped3A_21 : memref<!tpu.dma_semaphore, #tpu.memory_space<semaphore_mem>>)
      %dma_wait3A = arith.constant 0 : i32
      %dma_wait3A_24 = tpu.memref_slice %arg7[%mul3A_2, %dma_wait3A] : memref<2048x128xf32, #tpu.memory_space<vmem_shared>> -> memref<128x128xf32, #tpu.memory_space<vmem_shared>>
      tpu.wait_dma2 semaphore(%run_scoped3A_21 : memref<!tpu.dma_semaphore, #tpu.memory_space<semaphore_mem>>) src(%arg4 : memref<128x128xf32, #tpu.memory_space<hbm>>) dst(%dma_wait3A_24 : memref<128x128xf32, #tpu.memory_space<vmem_shared>>)
      tpu.yield
    }) : () -> ()
    %barrier3A = arith.constant 0 : index
    tpu.barrier barrier_id(%barrier3A)
    %run_scoped3A = arith.constant 0 : i32
    %run_scoped3A_3 = arith.constant 0 : i32
    "tpu.region"() ({
      %run_scoped3A_21 = tpu.sem_alloc : memref<!tpu.dma_semaphore, #tpu.memory_space<semaphore_mem>>
      %dma_start3A_22 = arith.constant 0 : i32
      %dma_start3A_23 = arith.constant 0 : i32
      %dma_start3A_24 = tpu.memref_slice %arg3[%run_scoped3A, %add3A, %run_scoped3A_3, %dma_start3A_22, %dma_start3A_23] : memref<1x32x16x2x128xi32, #tpu.memory_space<hbm>> -> memref<1x1x1x2x128xi32, #tpu.memory_space<hbm>>
      %dma_start3A_25 = tpu.memref_squeeze %dma_start3A_24 : memref<1x1x1x2x128xi32, #tpu.memory_space<hbm>> -> memref<2x128xi32, #tpu.memory_space<hbm>>
      %dma_start3A_26 = arith.constant 0 : i32
      %dma_start3A_27 = arith.constant 0 : i32
      %dma_start3A_28 = tpu.memref_slice %arg3[%run_scoped3A, %add3A, %run_scoped3A_3, %dma_start3A_26, %dma_start3A_27] : memref<1x32x16x2x128xi32, #tpu.memory_space<hbm>> -> memref<1x1x1x2x128xi32, #tpu.memory_space<hbm>>
      %dma_start3A_29 = tpu.memref_squeeze %dma_start3A_28 : memref<1x1x1x2x128xi32, #tpu.memory_space<hbm>> -> memref<2x128xi32, #tpu.memory_space<hbm>>
      tpu.enqueue_dma source(%dma_start3A_29 : memref<2x128xi32, #tpu.memory_space<hbm>>) target(%arg10 : memref<2x128xi32, #tpu.memory_space<vmem>>) target_semaphore(%run_scoped3A_21 : memref<!tpu.dma_semaphore, #tpu.memory_space<semaphore_mem>>)
      %dma_wait3A = arith.constant 0 : i32
      %dma_wait3A_30 = arith.constant 0 : i32
      %dma_wait3A_31 = tpu.memref_slice %arg3[%run_scoped3A, %add3A, %run_scoped3A_3, %dma_wait3A, %dma_wait3A_30] : memref<1x32x16x2x128xi32, #tpu.memory_space<hbm>> -> memref<1x1x1x2x128xi32, #tpu.memory_space<hbm>>
      %dma_wait3A_32 = tpu.memref_squeeze %dma_wait3A_31 : memref<1x1x1x2x128xi32, #tpu.memory_space<hbm>> -> memref<2x128xi32, #tpu.memory_space<hbm>>
      %dma_wait3A_33 = arith.constant 0 : i32
      %dma_wait3A_34 = arith.constant 0 : i32
      %dma_wait3A_35 = tpu.memref_slice %arg3[%run_scoped3A, %add3A, %run_scoped3A_3, %dma_wait3A_33, %dma_wait3A_34] : memref<1x32x16x2x128xi32, #tpu.memory_space<hbm>> -> memref<1x1x1x2x128xi32, #tpu.memory_space<hbm>>
      %dma_wait3A_36 = tpu.memref_squeeze %dma_wait3A_35 : memref<1x1x1x2x128xi32, #tpu.memory_space<hbm>> -> memref<2x128xi32, #tpu.memory_space<hbm>>
      tpu.wait_dma2 semaphore(%run_scoped3A_21 : memref<!tpu.dma_semaphore, #tpu.memory_space<semaphore_mem>>) src(%dma_wait3A_36 : memref<2x128xi32, #tpu.memory_space<hbm>>) dst(%arg10 : memref<2x128xi32, #tpu.memory_space<vmem>>)
      tpu.yield
    }) : () -> ()
    %dma_start3A = arith.constant 0 : i32
    %dma_start3A_4 = arith.constant 0 : i32
    %dma_start3A_5 = tpu.memref_slice %arg10[%dma_start3A, %dma_start3A_4] : memref<2x128xi32, #tpu.memory_space<vmem>> -> memref<1x128xi32, #tpu.memory_space<vmem>>
    %dma_start3A_6 = tpu.memref_squeeze %dma_start3A_5 : memref<1x128xi32, #tpu.memory_space<vmem>> -> memref<128xi32, #tpu.memory_space<vmem>>
    %dma_start3A_7 = arith.constant 0 : i32
    %dma_start3A_8 = arith.constant 0 : i32
    %dma_start3A_9 = tpu.memref_slice %arg2[%dma_start3A_7, %dma_start3A_8] : memref<2048x128xf32, #tpu.memory_space<hbm>> -> memref<2048x128xf32, #tpu.memory_space<hbm>>
    tpu.enqueue_indirect_dma source(%dma_start3A_9 : memref<2048x128xf32, #tpu.memory_space<hbm>>) target(%arg8 : memref<128x128xf32, #tpu.memory_space<vmem>>) offsets(%dma_start3A_6 : memref<128xi32, #tpu.memory_space<vmem>>) semaphore(%arg12 : memref<!tpu.dma_semaphore, #tpu.memory_space<semaphore_mem>>)
    %scan3A = arith.constant 0 : i32
    %scan3A_10 = arith.constant 0 : i32
    %scan3A_11 = arith.constant 8 : i32
    %scan3A_12 = arith.addi %scan3A_10, %scan3A_11 : i32
    %scan3A_13 = arith.constant 1 : i32
    scf.for %scan3A_21 = %scan3A_10 to %scan3A_12 step %scan3A_13  : i32 {
      %mul3A_22 = arith.constant 2 : i32
      %mul3A_23 = arith.muli %mul3A_22, %scan3A_21 : i32
      %add3A_24 = arith.constant 1 : i32
      %add3A_25 = arith.addi %mul3A_23, %add3A_24 : i32
      %run_scoped3A_26 = arith.constant 0 : i32
      "tpu.region"() ({
        %run_scoped3A_51 = tpu.sem_alloc : memref<!tpu.dma_semaphore, #tpu.memory_space<semaphore_mem>>
        %dma_start3A_52 = arith.constant 0 : i32
        %dma_start3A_53 = arith.constant 0 : i32
        %dma_start3A_54 = tpu.memref_slice %arg3[%run_scoped3A_26, %add3A, %add3A_25, %dma_start3A_52, %dma_start3A_53] : memref<1x32x16x2x128xi32, #tpu.memory_space<hbm>> -> memref<1x1x1x2x128xi32, #tpu.memory_space<hbm>>
        %dma_start3A_55 = tpu.memref_squeeze %dma_start3A_54 : memref<1x1x1x2x128xi32, #tpu.memory_space<hbm>> -> memref<2x128xi32, #tpu.memory_space<hbm>>
        %dma_start3A_56 = arith.constant 0 : i32
        %dma_start3A_57 = arith.constant 0 : i32
        %dma_start3A_58 = tpu.memref_slice %arg3[%run_scoped3A_26, %add3A, %add3A_25, %dma_start3A_56, %dma_start3A_57] : memref<1x32x16x2x128xi32, #tpu.memory_space<hbm>> -> memref<1x1x1x2x128xi32, #tpu.memory_space<hbm>>
        %dma_start3A_59 = tpu.memref_squeeze %dma_start3A_58 : memref<1x1x1x2x128xi32, #tpu.memory_space<hbm>> -> memref<2x128xi32, #tpu.memory_space<hbm>>
        tpu.enqueue_dma source(%dma_start3A_59 : memref<2x128xi32, #tpu.memory_space<hbm>>) target(%arg11 : memref<2x128xi32, #tpu.memory_space<vmem>>) target_semaphore(%run_scoped3A_51 : memref<!tpu.dma_semaphore, #tpu.memory_space<semaphore_mem>>)
        %dma_wait3A_60 = arith.constant 0 : i32
        %dma_wait3A_61 = arith.constant 0 : i32
        %dma_wait3A_62 = tpu.memref_slice %arg3[%run_scoped3A_26, %add3A, %add3A_25, %dma_wait3A_60, %dma_wait3A_61] : memref<1x32x16x2x128xi32, #tpu.memory_space<hbm>> -> memref<1x1x1x2x128xi32, #tpu.memory_space<hbm>>
        %dma_wait3A_63 = tpu.memref_squeeze %dma_wait3A_62 : memref<1x1x1x2x128xi32, #tpu.memory_space<hbm>> -> memref<2x128xi32, #tpu.memory_space<hbm>>
        %dma_wait3A_64 = arith.constant 0 : i32
        %dma_wait3A_65 = arith.constant 0 : i32
        %dma_wait3A_66 = tpu.memref_slice %arg3[%run_scoped3A_26, %add3A, %add3A_25, %dma_wait3A_64, %dma_wait3A_65] : memref<1x32x16x2x128xi32, #tpu.memory_space<hbm>> -> memref<1x1x1x2x128xi32, #tpu.memory_space<hbm>>
        %dma_wait3A_67 = tpu.memref_squeeze %dma_wait3A_66 : memref<1x1x1x2x128xi32, #tpu.memory_space<hbm>> -> memref<2x128xi32, #tpu.memory_space<hbm>>
        tpu.wait_dma2 semaphore(%run_scoped3A_51 : memref<!tpu.dma_semaphore, #tpu.memory_space<semaphore_mem>>) src(%dma_wait3A_67 : memref<2x128xi32, #tpu.memory_space<hbm>>) dst(%arg11 : memref<2x128xi32, #tpu.memory_space<vmem>>)
        tpu.yield
      }) : () -> ()
      %dma_start3A_27 = arith.constant 0 : i32
      %dma_start3A_28 = arith.constant 0 : i32
      %dma_start3A_29 = tpu.memref_slice %arg11[%dma_start3A_27, %dma_start3A_28] : memref<2x128xi32, #tpu.memory_space<vmem>> -> memref<1x128xi32, #tpu.memory_space<vmem>>
      %dma_start3A_30 = tpu.memref_squeeze %dma_start3A_29 : memref<1x128xi32, #tpu.memory_space<vmem>> -> memref<128xi32, #tpu.memory_space<vmem>>
      %dma_start3A_31 = arith.constant 0 : i32
      %dma_start3A_32 = arith.constant 0 : i32
      %dma_start3A_33 = tpu.memref_slice %arg2[%dma_start3A_31, %dma_start3A_32] : memref<2048x128xf32, #tpu.memory_space<hbm>> -> memref<2048x128xf32, #tpu.memory_space<hbm>>
      tpu.enqueue_indirect_dma source(%dma_start3A_33 : memref<2048x128xf32, #tpu.memory_space<hbm>>) target(%arg9 : memref<128x128xf32, #tpu.memory_space<vmem>>) offsets(%dma_start3A_30 : memref<128xi32, #tpu.memory_space<vmem>>) semaphore(%arg13 : memref<!tpu.dma_semaphore, #tpu.memory_space<semaphore_mem>>)
      %dma_wait3A = arith.constant 0 : i32
      %dma_wait3A_34 = arith.constant 0 : i32
      %dma_wait3A_35 = tpu.memref_slice %arg10[%dma_wait3A, %dma_wait3A_34] : memref<2x128xi32, #tpu.memory_space<vmem>> -> memref<1x128xi32, #tpu.memory_space<vmem>>
      %dma_wait3A_36 = tpu.memref_squeeze %dma_wait3A_35 : memref<1x128xi32, #tpu.memory_space<vmem>> -> memref<128xi32, #tpu.memory_space<vmem>>
      %dma_wait3A_37 = arith.constant 0 : i32
      %dma_wait3A_38 = arith.constant 0 : i32
      %dma_wait3A_39 = tpu.memref_slice %arg2[%dma_wait3A_37, %dma_wait3A_38] : memref<2048x128xf32, #tpu.memory_space<hbm>> -> memref<2048x128xf32, #tpu.memory_space<hbm>>
      tpu.wait_indirect_dma semaphore(%arg12 : memref<!tpu.dma_semaphore, #tpu.memory_space<semaphore_mem>>) src(%dma_wait3A_39 : memref<2048x128xf32, #tpu.memory_space<hbm>>) dst(%arg8 : memref<128x128xf32, #tpu.memory_space<vmem>>)
      %run_scoped3A_40 = arith.constant 1 : i32
      "tpu.region"() ({
        %run_scoped3A_51 = tpu.sem_alloc : memref<!tpu.dma_semaphore, #tpu.memory_space<semaphore_mem>>
        %dma_start3A_52 = arith.constant 0 : i32
        %dma_start3A_53 = tpu.memref_slice %arg10[%run_scoped3A_40, %dma_start3A_52] : memref<2x128xi32, #tpu.memory_space<vmem>> -> memref<1x128xi32, #tpu.memory_space<vmem>>
        %dma_start3A_54 = tpu.memref_squeeze %dma_start3A_53 : memref<1x128xi32, #tpu.memory_space<vmem>> -> memref<128xi32, #tpu.memory_space<vmem>>
        %dma_start3A_55 = arith.constant 0 : i32
        %dma_start3A_56 = arith.constant 0 : i32
        %dma_start3A_57 = tpu.memref_slice %arg7[%dma_start3A_55, %dma_start3A_56] : memref<2048x128xf32, #tpu.memory_space<vmem_shared>> -> memref<2048x128xf32, #tpu.memory_space<vmem_shared>>
        tpu.enqueue_indirect_dma source(%arg8 : memref<128x128xf32, #tpu.memory_space<vmem>>) target(%dma_start3A_57 : memref<2048x128xf32, #tpu.memory_space<vmem_shared>>) offsets(%dma_start3A_54 : memref<128xi32, #tpu.memory_space<vmem>>) semaphore(%run_scoped3A_51 : memref<!tpu.dma_semaphore, #tpu.memory_space<semaphore_mem>>) {add = true}
        %dma_wait3A_58 = arith.constant 0 : i32
        %dma_wait3A_59 = tpu.memref_slice %arg10[%run_scoped3A_40, %dma_wait3A_58] : memref<2x128xi32, #tpu.memory_space<vmem>> -> memref<1x128xi32, #tpu.memory_space<vmem>>
        %dma_wait3A_60 = tpu.memref_squeeze %dma_wait3A_59 : memref<1x128xi32, #tpu.memory_space<vmem>> -> memref<128xi32, #tpu.memory_space<vmem>>
        %dma_wait3A_61 = arith.constant 0 : i32
        %dma_wait3A_62 = arith.constant 0 : i32
        %dma_wait3A_63 = tpu.memref_slice %arg7[%dma_wait3A_61, %dma_wait3A_62] : memref<2048x128xf32, #tpu.memory_space<vmem_shared>> -> memref<2048x128xf32, #tpu.memory_space<vmem_shared>>
        tpu.wait_indirect_dma semaphore(%run_scoped3A_51 : memref<!tpu.dma_semaphore, #tpu.memory_space<semaphore_mem>>) src(%arg8 : memref<128x128xf32, #tpu.memory_space<vmem>>) dst(%dma_wait3A_63 : memref<2048x128xf32, #tpu.memory_space<vmem_shared>>)
        tpu.yield
      }) : () -> ()
      %lt3A = arith.constant 7 : i32
      %lt3A_41 = arith.cmpi slt, %scan3A_21, %lt3A : i32
      %convert_element_type3A = arith.extui %lt3A_41 : i1 to i32
      %cond3A = arith.constant 0 : i32
      %cond3A_42 = arith.cmpi ne, %convert_element_type3A, %cond3A : i32
      scf.if %cond3A_42 {
        %add3A_51 = arith.constant 2 : i32
        %add3A_52 = arith.addi %mul3A_23, %add3A_51 : i32
        %run_scoped3A_53 = arith.constant 0 : i32
        "tpu.region"() ({
          %run_scoped3A_61 = tpu.sem_alloc : memref<!tpu.dma_semaphore, #tpu.memory_space<semaphore_mem>>
          %dma_start3A_62 = arith.constant 0 : i32
          %dma_start3A_63 = arith.constant 0 : i32
          %dma_start3A_64 = tpu.memref_slice %arg3[%run_scoped3A_53, %add3A, %add3A_52, %dma_start3A_62, %dma_start3A_63] : memref<1x32x16x2x128xi32, #tpu.memory_space<hbm>> -> memref<1x1x1x2x128xi32, #tpu.memory_space<hbm>>
          %dma_start3A_65 = tpu.memref_squeeze %dma_start3A_64 : memref<1x1x1x2x128xi32, #tpu.memory_space<hbm>> -> memref<2x128xi32, #tpu.memory_space<hbm>>
          %dma_start3A_66 = arith.constant 0 : i32
          %dma_start3A_67 = arith.constant 0 : i32
          %dma_start3A_68 = tpu.memref_slice %arg3[%run_scoped3A_53, %add3A, %add3A_52, %dma_start3A_66, %dma_start3A_67] : memref<1x32x16x2x128xi32, #tpu.memory_space<hbm>> -> memref<1x1x1x2x128xi32, #tpu.memory_space<hbm>>
          %dma_start3A_69 = tpu.memref_squeeze %dma_start3A_68 : memref<1x1x1x2x128xi32, #tpu.memory_space<hbm>> -> memref<2x128xi32, #tpu.memory_space<hbm>>
          tpu.enqueue_dma source(%dma_start3A_69 : memref<2x128xi32, #tpu.memory_space<hbm>>) target(%arg10 : memref<2x128xi32, #tpu.memory_space<vmem>>) target_semaphore(%run_scoped3A_61 : memref<!tpu.dma_semaphore, #tpu.memory_space<semaphore_mem>>)
          %dma_wait3A_70 = arith.constant 0 : i32
          %dma_wait3A_71 = arith.constant 0 : i32
          %dma_wait3A_72 = tpu.memref_slice %arg3[%run_scoped3A_53, %add3A, %add3A_52, %dma_wait3A_70, %dma_wait3A_71] : memref<1x32x16x2x128xi32, #tpu.memory_space<hbm>> -> memref<1x1x1x2x128xi32, #tpu.memory_space<hbm>>
          %dma_wait3A_73 = tpu.memref_squeeze %dma_wait3A_72 : memref<1x1x1x2x128xi32, #tpu.memory_space<hbm>> -> memref<2x128xi32, #tpu.memory_space<hbm>>
          %dma_wait3A_74 = arith.constant 0 : i32
          %dma_wait3A_75 = arith.constant 0 : i32
          %dma_wait3A_76 = tpu.memref_slice %arg3[%run_scoped3A_53, %add3A, %add3A_52, %dma_wait3A_74, %dma_wait3A_75] : memref<1x32x16x2x128xi32, #tpu.memory_space<hbm>> -> memref<1x1x1x2x128xi32, #tpu.memory_space<hbm>>
          %dma_wait3A_77 = tpu.memref_squeeze %dma_wait3A_76 : memref<1x1x1x2x128xi32, #tpu.memory_space<hbm>> -> memref<2x128xi32, #tpu.memory_space<hbm>>
          tpu.wait_dma2 semaphore(%run_scoped3A_61 : memref<!tpu.dma_semaphore, #tpu.memory_space<semaphore_mem>>) src(%dma_wait3A_77 : memref<2x128xi32, #tpu.memory_space<hbm>>) dst(%arg10 : memref<2x128xi32, #tpu.memory_space<vmem>>)
          tpu.yield
        }) : () -> ()
        %dma_start3A_54 = arith.constant 0 : i32
        %dma_start3A_55 = arith.constant 0 : i32
        %dma_start3A_56 = tpu.memref_slice %arg10[%dma_start3A_54, %dma_start3A_55] : memref<2x128xi32, #tpu.memory_space<vmem>> -> memref<1x128xi32, #tpu.memory_space<vmem>>
        %dma_start3A_57 = tpu.memref_squeeze %dma_start3A_56 : memref<1x128xi32, #tpu.memory_space<vmem>> -> memref<128xi32, #tpu.memory_space<vmem>>
        %dma_start3A_58 = arith.constant 0 : i32
        %dma_start3A_59 = arith.constant 0 : i32
        %dma_start3A_60 = tpu.memref_slice %arg2[%dma_start3A_58, %dma_start3A_59] : memref<2048x128xf32, #tpu.memory_space<hbm>> -> memref<2048x128xf32, #tpu.memory_space<hbm>>
        tpu.enqueue_indirect_dma source(%dma_start3A_60 : memref<2048x128xf32, #tpu.memory_space<hbm>>) target(%arg8 : memref<128x128xf32, #tpu.memory_space<vmem>>) offsets(%dma_start3A_57 : memref<128xi32, #tpu.memory_space<vmem>>) semaphore(%arg12 : memref<!tpu.dma_semaphore, #tpu.memory_space<semaphore_mem>>)
      } else {
      }
      %dma_wait3A_43 = arith.constant 0 : i32
      %dma_wait3A_44 = arith.constant 0 : i32
      %dma_wait3A_45 = tpu.memref_slice %arg11[%dma_wait3A_43, %dma_wait3A_44] : memref<2x128xi32, #tpu.memory_space<vmem>> -> memref<1x128xi32, #tpu.memory_space<vmem>>
      %dma_wait3A_46 = tpu.memref_squeeze %dma_wait3A_45 : memref<1x128xi32, #tpu.memory_space<vmem>> -> memref<128xi32, #tpu.memory_space<vmem>>
      %dma_wait3A_47 = arith.constant 0 : i32
      %dma_wait3A_48 = arith.constant 0 : i32
      %dma_wait3A_49 = tpu.memref_slice %arg2[%dma_wait3A_47, %dma_wait3A_48] : memref<2048x128xf32, #tpu.memory_space<hbm>> -> memref<2048x128xf32, #tpu.memory_space<hbm>>
      tpu.wait_indirect_dma semaphore(%arg13 : memref<!tpu.dma_semaphore, #tpu.memory_space<semaphore_mem>>) src(%dma_wait3A_49 : memref<2048x128xf32, #tpu.memory_space<hbm>>) dst(%arg9 : memref<128x128xf32, #tpu.memory_space<vmem>>)
      %run_scoped3A_50 = arith.constant 1 : i32
      "tpu.region"() ({
        %run_scoped3A_51 = tpu.sem_alloc : memref<!tpu.dma_semaphore, #tpu.memory_space<semaphore_mem>>
        %dma_start3A_52 = arith.constant 0 : i32
        %dma_start3A_53 = tpu.memref_slice %arg11[%run_scoped3A_50, %dma_start3A_52] : memref<2x128xi32, #tpu.memory_space<vmem>> -> memref<1x128xi32, #tpu.memory_space<vmem>>
        %dma_start3A_54 = tpu.memref_squeeze %dma_start3A_53 : memref<1x128xi32, #tpu.memory_space<vmem>> -> memref<128xi32, #tpu.memory_space<vmem>>
        %dma_start3A_55 = arith.constant 0 : i32
        %dma_start3A_56 = arith.constant 0 : i32
        %dma_start3A_57 = tpu.memref_slice %arg7[%dma_start3A_55, %dma_start3A_56] : memref<2048x128xf32, #tpu.memory_space<vmem_shared>> -> memref<2048x128xf32, #tpu.memory_space<vmem_shared>>
        tpu.enqueue_indirect_dma source(%arg9 : memref<128x128xf32, #tpu.memory_space<vmem>>) target(%dma_start3A_57 : memref<2048x128xf32, #tpu.memory_space<vmem_shared>>) offsets(%dma_start3A_54 : memref<128xi32, #tpu.memory_space<vmem>>) semaphore(%run_scoped3A_51 : memref<!tpu.dma_semaphore, #tpu.memory_space<semaphore_mem>>) {add = true}
        %dma_wait3A_58 = arith.constant 0 : i32
        %dma_wait3A_59 = tpu.memref_slice %arg11[%run_scoped3A_50, %dma_wait3A_58] : memref<2x128xi32, #tpu.memory_space<vmem>> -> memref<1x128xi32, #tpu.memory_space<vmem>>
        %dma_wait3A_60 = tpu.memref_squeeze %dma_wait3A_59 : memref<1x128xi32, #tpu.memory_space<vmem>> -> memref<128xi32, #tpu.memory_space<vmem>>
        %dma_wait3A_61 = arith.constant 0 : i32
        %dma_wait3A_62 = arith.constant 0 : i32
        %dma_wait3A_63 = tpu.memref_slice %arg7[%dma_wait3A_61, %dma_wait3A_62] : memref<2048x128xf32, #tpu.memory_space<vmem_shared>> -> memref<2048x128xf32, #tpu.memory_space<vmem_shared>>
        tpu.wait_indirect_dma semaphore(%run_scoped3A_51 : memref<!tpu.dma_semaphore, #tpu.memory_space<semaphore_mem>>) src(%arg9 : memref<128x128xf32, #tpu.memory_space<vmem>>) dst(%dma_wait3A_63 : memref<2048x128xf32, #tpu.memory_space<vmem_shared>>)
        tpu.yield
      }) : () -> ()
    }
    %scan3A_14 = arith.constant 8 : i32
    %barrier3A_15 = arith.constant 0 : index
    tpu.barrier barrier_id(%barrier3A_15)
    %mul3A_16 = arith.constant 128 : i32
    %mul3A_17 = arith.muli %arg1, %mul3A_16 : i32
    %mul3A_18 = arith.constant 128 : i32
    %mul3A_19 = arith.muli %arg1, %mul3A_18 : i32
    %run_scoped3A_20 = arith.constant 0 : i32
    "tpu.region"() ({
      %run_scoped3A_21 = tpu.sem_alloc : memref<!tpu.dma_semaphore, #tpu.memory_space<semaphore_mem>>
      %dma_start3A_22 = arith.constant 0 : i32
      %dma_start3A_23 = tpu.memref_slice %arg6[%arg0, %run_scoped3A_20, %mul3A_19, %dma_start3A_22] : memref<2x1x2048x128xf32, #tpu.memory_space<hbm>> -> memref<1x1x128x128xf32, #tpu.memory_space<hbm>>
      %dma_start3A_24 = tpu.memref_squeeze %dma_start3A_23 : memref<1x1x128x128xf32, #tpu.memory_space<hbm>> -> memref<128x128xf32, #tpu.memory_space<hbm>>
      %dma_start3A_25 = arith.constant 0 : i32
      %dma_start3A_26 = tpu.memref_slice %arg7[%mul3A_17, %dma_start3A_25] : memref<2048x128xf32, #tpu.memory_space<vmem_shared>> -> memref<128x128xf32, #tpu.memory_space<vmem_shared>>
      tpu.enqueue_dma source(%dma_start3A_26 : memref<128x128xf32, #tpu.memory_space<vmem_shared>>) target(%dma_start3A_24 : memref<128x128xf32, #tpu.memory_space<hbm>>) target_semaphore(%run_scoped3A_21 : memref<!tpu.dma_semaphore, #tpu.memory_space<semaphore_mem>>)
      %dma_wait3A = arith.constant 0 : i32
      %dma_wait3A_27 = tpu.memref_slice %arg6[%arg0, %run_scoped3A_20, %mul3A_19, %dma_wait3A] : memref<2x1x2048x128xf32, #tpu.memory_space<hbm>> -> memref<1x1x128x128xf32, #tpu.memory_space<hbm>>
      %dma_wait3A_28 = tpu.memref_squeeze %dma_wait3A_27 : memref<1x1x128x128xf32, #tpu.memory_space<hbm>> -> memref<128x128xf32, #tpu.memory_space<hbm>>
      %dma_wait3A_29 = arith.constant 0 : i32
      %dma_wait3A_30 = tpu.memref_slice %arg7[%mul3A_17, %dma_wait3A_29] : memref<2048x128xf32, #tpu.memory_space<vmem_shared>> -> memref<128x128xf32, #tpu.memory_space<vmem_shared>>
      tpu.wait_dma2 semaphore(%run_scoped3A_21 : memref<!tpu.dma_semaphore, #tpu.memory_space<semaphore_mem>>) src(%dma_wait3A_30 : memref<128x128xf32, #tpu.memory_space<vmem_shared>>) dst(%dma_wait3A_28 : memref<128x128xf32, #tpu.memory_space<hbm>>)
      tpu.yield
    }) : () -> ()
    return
  }
}

#map = affine_map<(d0, d1) -> (0, 0)>
#map1 = affine_map<(d0, d1) -> (0, 0, 0, 0, 0)>
#map2 = affine_map<(d0, d1) -> (0, 0, 0, 0)>
module attributes {stable_mosaic.version = 14 : i64} {
  func.func @kern(%arg0: i32, %arg1: i32, %arg2: memref<8192x128xf32, #tpu.memory_space<hbm>>, %arg3: memref<4x32x16x2x128xi32, #tpu.memory_space<hbm>>, %arg4: memref<128x128xf32, #tpu.memory_space<hbm>>, %arg5: memref<128x128xf32, #tpu.memory_space<hbm>>, %arg6: memref<2x4x2048x128xf32, #tpu.memory_space<hbm>>, %arg7: memref<2048x128xf32, #tpu.memory_space<vmem_shared>>, %arg8: memref<128x128xf32, #tpu.memory_space<vmem>>, %arg9: memref<128x128xf32, #tpu.memory_space<vmem>>, %arg10: memref<2x128xi32, #tpu.memory_space<vmem>>, %arg11: memref<2x128xi32, #tpu.memory_space<vmem>>, %arg12: memref<!tpu.dma_semaphore, #tpu.memory_space<semaphore_mem>>, %arg13: memref<!tpu.dma_semaphore, #tpu.memory_space<semaphore_mem>>) attributes {dimension_semantics = [#tpu.dimension_semantics<core_parallel>, #tpu.dimension_semantics<subcore_parallel>], iteration_bounds = array<i64: 2, 16>, scalar_prefetch = 0 : i64, scratch_operands = 7 : i64, tpu.core_type = #tpu.core_type<sc_vector_subcore>, window_params = [{transform_indices = #map}, {transform_indices = #map1}, {transform_indices = #map}, {transform_indices = #map}, {transform_indices = #map2}]} {
    %mul3A = arith.constant 16 : i32
    %mul3A_0 = arith.muli %arg0, %mul3A : i32
    %add3A = arith.addi %mul3A_0, %arg1 : i32
    %mul3A_1 = arith.constant 128 : i32
    %mul3A_2 = arith.muli %arg1, %mul3A_1 : i32
    "tpu.region"() ({
      %run_scoped3A_93 = tpu.sem_alloc : memref<!tpu.dma_semaphore, #tpu.memory_space<semaphore_mem>>
      %dma_start3A_94 = arith.constant 0 : i32
      %dma_start3A_95 = tpu.memref_slice %arg7[%mul3A_2, %dma_start3A_94] : memref<2048x128xf32, #tpu.memory_space<vmem_shared>> -> memref<128x128xf32, #tpu.memory_space<vmem_shared>>
      tpu.enqueue_dma source(%arg4 : memref<128x128xf32, #tpu.memory_space<hbm>>) target(%dma_start3A_95 : memref<128x128xf32, #tpu.memory_space<vmem_shared>>) target_semaphore(%run_scoped3A_93 : memref<!tpu.dma_semaphore, #tpu.memory_space<semaphore_mem>>)
      %dma_wait3A = arith.constant 0 : i32
      %dma_wait3A_96 = tpu.memref_slice %arg7[%mul3A_2, %dma_wait3A] : memref<2048x128xf32, #tpu.memory_space<vmem_shared>> -> memref<128x128xf32, #tpu.memory_space<vmem_shared>>
      tpu.wait_dma2 semaphore(%run_scoped3A_93 : memref<!tpu.dma_semaphore, #tpu.memory_space<semaphore_mem>>) src(%arg4 : memref<128x128xf32, #tpu.memory_space<hbm>>) dst(%dma_wait3A_96 : memref<128x128xf32, #tpu.memory_space<vmem_shared>>)
      tpu.yield
    }) : () -> ()
    %barrier3A = arith.constant 0 : index
    tpu.barrier barrier_id(%barrier3A)
    %run_scoped3A = arith.constant 0 : i32
    %run_scoped3A_3 = arith.constant 0 : i32
    "tpu.region"() ({
      %run_scoped3A_93 = tpu.sem_alloc : memref<!tpu.dma_semaphore, #tpu.memory_space<semaphore_mem>>
      %dma_start3A_94 = arith.constant 0 : i32
      %dma_start3A_95 = arith.constant 0 : i32
      %dma_start3A_96 = tpu.memref_slice %arg3[%run_scoped3A, %add3A, %run_scoped3A_3, %dma_start3A_94, %dma_start3A_95] : memref<4x32x16x2x128xi32, #tpu.memory_space<hbm>> -> memref<1x1x1x2x128xi32, #tpu.memory_space<hbm>>
      %dma_start3A_97 = tpu.memref_squeeze %dma_start3A_96 : memref<1x1x1x2x128xi32, #tpu.memory_space<hbm>> -> memref<2x128xi32, #tpu.memory_space<hbm>>
      %dma_start3A_98 = arith.constant 0 : i32
      %dma_start3A_99 = arith.constant 0 : i32
      %dma_start3A_100 = tpu.memref_slice %arg3[%run_scoped3A, %add3A, %run_scoped3A_3, %dma_start3A_98, %dma_start3A_99] : memref<4x32x16x2x128xi32, #tpu.memory_space<hbm>> -> memref<1x1x1x2x128xi32, #tpu.memory_space<hbm>>
      %dma_start3A_101 = tpu.memref_squeeze %dma_start3A_100 : memref<1x1x1x2x128xi32, #tpu.memory_space<hbm>> -> memref<2x128xi32, #tpu.memory_space<hbm>>
      tpu.enqueue_dma source(%dma_start3A_101 : memref<2x128xi32, #tpu.memory_space<hbm>>) target(%arg10 : memref<2x128xi32, #tpu.memory_space<vmem>>) target_semaphore(%run_scoped3A_93 : memref<!tpu.dma_semaphore, #tpu.memory_space<semaphore_mem>>)
      %dma_wait3A = arith.constant 0 : i32
      %dma_wait3A_102 = arith.constant 0 : i32
      %dma_wait3A_103 = tpu.memref_slice %arg3[%run_scoped3A, %add3A, %run_scoped3A_3, %dma_wait3A, %dma_wait3A_102] : memref<4x32x16x2x128xi32, #tpu.memory_space<hbm>> -> memref<1x1x1x2x128xi32, #tpu.memory_space<hbm>>
      %dma_wait3A_104 = tpu.memref_squeeze %dma_wait3A_103 : memref<1x1x1x2x128xi32, #tpu.memory_space<hbm>> -> memref<2x128xi32, #tpu.memory_space<hbm>>
      %dma_wait3A_105 = arith.constant 0 : i32
      %dma_wait3A_106 = arith.constant 0 : i32
      %dma_wait3A_107 = tpu.memref_slice %arg3[%run_scoped3A, %add3A, %run_scoped3A_3, %dma_wait3A_105, %dma_wait3A_106] : memref<4x32x16x2x128xi32, #tpu.memory_space<hbm>> -> memref<1x1x1x2x128xi32, #tpu.memory_space<hbm>>
      %dma_wait3A_108 = tpu.memref_squeeze %dma_wait3A_107 : memref<1x1x1x2x128xi32, #tpu.memory_space<hbm>> -> memref<2x128xi32, #tpu.memory_space<hbm>>
      tpu.wait_dma2 semaphore(%run_scoped3A_93 : memref<!tpu.dma_semaphore, #tpu.memory_space<semaphore_mem>>) src(%dma_wait3A_108 : memref<2x128xi32, #tpu.memory_space<hbm>>) dst(%arg10 : memref<2x128xi32, #tpu.memory_space<vmem>>)
      tpu.yield
    }) : () -> ()
    %dma_start3A = arith.constant 0 : i32
    %dma_start3A_4 = arith.constant 0 : i32
    %dma_start3A_5 = tpu.memref_slice %arg10[%dma_start3A, %dma_start3A_4] : memref<2x128xi32, #tpu.memory_space<vmem>> -> memref<1x128xi32, #tpu.memory_space<vmem>>
    %dma_start3A_6 = tpu.memref_squeeze %dma_start3A_5 : memref<1x128xi32, #tpu.memory_space<vmem>> -> memref<128xi32, #tpu.memory_space<vmem>>
    %dma_start3A_7 = arith.constant 0 : i32
    %dma_start3A_8 = arith.constant 0 : i32
    %dma_start3A_9 = tpu.memref_slice %arg2[%dma_start3A_7, %dma_start3A_8] : memref<8192x128xf32, #tpu.memory_space<hbm>> -> memref<8192x128xf32, #tpu.memory_space<hbm>>
    tpu.enqueue_indirect_dma source(%dma_start3A_9 : memref<8192x128xf32, #tpu.memory_space<hbm>>) target(%arg8 : memref<128x128xf32, #tpu.memory_space<vmem>>) offsets(%dma_start3A_6 : memref<128xi32, #tpu.memory_space<vmem>>) semaphore(%arg12 : memref<!tpu.dma_semaphore, #tpu.memory_space<semaphore_mem>>)
    %scan3A = arith.constant 0 : i32
    %scan3A_10 = arith.constant 0 : i32
    %scan3A_11 = arith.constant 8 : i32
    %scan3A_12 = arith.addi %scan3A_10, %scan3A_11 : i32
    %scan3A_13 = arith.constant 1 : i32
    scf.for %scan3A_93 = %scan3A_10 to %scan3A_12 step %scan3A_13  : i32 {
      %mul3A_94 = arith.constant 2 : i32
      %mul3A_95 = arith.muli %mul3A_94, %scan3A_93 : i32
      %add3A_96 = arith.constant 1 : i32
      %add3A_97 = arith.addi %mul3A_95, %add3A_96 : i32
      %run_scoped3A_98 = arith.constant 0 : i32
      "tpu.region"() ({
        %run_scoped3A_123 = tpu.sem_alloc : memref<!tpu.dma_semaphore, #tpu.memory_space<semaphore_mem>>
        %dma_start3A_124 = arith.constant 0 : i32
        %dma_start3A_125 = arith.constant 0 : i32
        %dma_start3A_126 = tpu.memref_slice %arg3[%run_scoped3A_98, %add3A, %add3A_97, %dma_start3A_124, %dma_start3A_125] : memref<4x32x16x2x128xi32, #tpu.memory_space<hbm>> -> memref<1x1x1x2x128xi32, #tpu.memory_space<hbm>>
        %dma_start3A_127 = tpu.memref_squeeze %dma_start3A_126 : memref<1x1x1x2x128xi32, #tpu.memory_space<hbm>> -> memref<2x128xi32, #tpu.memory_space<hbm>>
        %dma_start3A_128 = arith.constant 0 : i32
        %dma_start3A_129 = arith.constant 0 : i32
        %dma_start3A_130 = tpu.memref_slice %arg3[%run_scoped3A_98, %add3A, %add3A_97, %dma_start3A_128, %dma_start3A_129] : memref<4x32x16x2x128xi32, #tpu.memory_space<hbm>> -> memref<1x1x1x2x128xi32, #tpu.memory_space<hbm>>
        %dma_start3A_131 = tpu.memref_squeeze %dma_start3A_130 : memref<1x1x1x2x128xi32, #tpu.memory_space<hbm>> -> memref<2x128xi32, #tpu.memory_space<hbm>>
        tpu.enqueue_dma source(%dma_start3A_131 : memref<2x128xi32, #tpu.memory_space<hbm>>) target(%arg11 : memref<2x128xi32, #tpu.memory_space<vmem>>) target_semaphore(%run_scoped3A_123 : memref<!tpu.dma_semaphore, #tpu.memory_space<semaphore_mem>>)
        %dma_wait3A_132 = arith.constant 0 : i32
        %dma_wait3A_133 = arith.constant 0 : i32
        %dma_wait3A_134 = tpu.memref_slice %arg3[%run_scoped3A_98, %add3A, %add3A_97, %dma_wait3A_132, %dma_wait3A_133] : memref<4x32x16x2x128xi32, #tpu.memory_space<hbm>> -> memref<1x1x1x2x128xi32, #tpu.memory_space<hbm>>
        %dma_wait3A_135 = tpu.memref_squeeze %dma_wait3A_134 : memref<1x1x1x2x128xi32, #tpu.memory_space<hbm>> -> memref<2x128xi32, #tpu.memory_space<hbm>>
        %dma_wait3A_136 = arith.constant 0 : i32
        %dma_wait3A_137 = arith.constant 0 : i32
        %dma_wait3A_138 = tpu.memref_slice %arg3[%run_scoped3A_98, %add3A, %add3A_97, %dma_wait3A_136, %dma_wait3A_137] : memref<4x32x16x2x128xi32, #tpu.memory_space<hbm>> -> memref<1x1x1x2x128xi32, #tpu.memory_space<hbm>>
        %dma_wait3A_139 = tpu.memref_squeeze %dma_wait3A_138 : memref<1x1x1x2x128xi32, #tpu.memory_space<hbm>> -> memref<2x128xi32, #tpu.memory_space<hbm>>
        tpu.wait_dma2 semaphore(%run_scoped3A_123 : memref<!tpu.dma_semaphore, #tpu.memory_space<semaphore_mem>>) src(%dma_wait3A_139 : memref<2x128xi32, #tpu.memory_space<hbm>>) dst(%arg11 : memref<2x128xi32, #tpu.memory_space<vmem>>)
        tpu.yield
      }) : () -> ()
      %dma_start3A_99 = arith.constant 0 : i32
      %dma_start3A_100 = arith.constant 0 : i32
      %dma_start3A_101 = tpu.memref_slice %arg11[%dma_start3A_99, %dma_start3A_100] : memref<2x128xi32, #tpu.memory_space<vmem>> -> memref<1x128xi32, #tpu.memory_space<vmem>>
      %dma_start3A_102 = tpu.memref_squeeze %dma_start3A_101 : memref<1x128xi32, #tpu.memory_space<vmem>> -> memref<128xi32, #tpu.memory_space<vmem>>
      %dma_start3A_103 = arith.constant 0 : i32
      %dma_start3A_104 = arith.constant 0 : i32
      %dma_start3A_105 = tpu.memref_slice %arg2[%dma_start3A_103, %dma_start3A_104] : memref<8192x128xf32, #tpu.memory_space<hbm>> -> memref<8192x128xf32, #tpu.memory_space<hbm>>
      tpu.enqueue_indirect_dma source(%dma_start3A_105 : memref<8192x128xf32, #tpu.memory_space<hbm>>) target(%arg9 : memref<128x128xf32, #tpu.memory_space<vmem>>) offsets(%dma_start3A_102 : memref<128xi32, #tpu.memory_space<vmem>>) semaphore(%arg13 : memref<!tpu.dma_semaphore, #tpu.memory_space<semaphore_mem>>)
      %dma_wait3A = arith.constant 0 : i32
      %dma_wait3A_106 = arith.constant 0 : i32
      %dma_wait3A_107 = tpu.memref_slice %arg10[%dma_wait3A, %dma_wait3A_106] : memref<2x128xi32, #tpu.memory_space<vmem>> -> memref<1x128xi32, #tpu.memory_space<vmem>>
      %dma_wait3A_108 = tpu.memref_squeeze %dma_wait3A_107 : memref<1x128xi32, #tpu.memory_space<vmem>> -> memref<128xi32, #tpu.memory_space<vmem>>
      %dma_wait3A_109 = arith.constant 0 : i32
      %dma_wait3A_110 = arith.constant 0 : i32
      %dma_wait3A_111 = tpu.memref_slice %arg2[%dma_wait3A_109, %dma_wait3A_110] : memref<8192x128xf32, #tpu.memory_space<hbm>> -> memref<8192x128xf32, #tpu.memory_space<hbm>>
      tpu.wait_indirect_dma semaphore(%arg12 : memref<!tpu.dma_semaphore, #tpu.memory_space<semaphore_mem>>) src(%dma_wait3A_111 : memref<8192x128xf32, #tpu.memory_space<hbm>>) dst(%arg8 : memref<128x128xf32, #tpu.memory_space<vmem>>)
      %run_scoped3A_112 = arith.constant 1 : i32
      "tpu.region"() ({
        %run_scoped3A_123 = tpu.sem_alloc : memref<!tpu.dma_semaphore, #tpu.memory_space<semaphore_mem>>
        %dma_start3A_124 = arith.constant 0 : i32
        %dma_start3A_125 = tpu.memref_slice %arg10[%run_scoped3A_112, %dma_start3A_124] : memref<2x128xi32, #tpu.memory_space<vmem>> -> memref<1x128xi32, #tpu.memory_space<vmem>>
        %dma_start3A_126 = tpu.memref_squeeze %dma_start3A_125 : memref<1x128xi32, #tpu.memory_space<vmem>> -> memref<128xi32, #tpu.memory_space<vmem>>
        %dma_start3A_127 = arith.constant 0 : i32
        %dma_start3A_128 = arith.constant 0 : i32
        %dma_start3A_129 = tpu.memref_slice %arg7[%dma_start3A_127, %dma_start3A_128] : memref<2048x128xf32, #tpu.memory_space<vmem_shared>> -> memref<2048x128xf32, #tpu.memory_space<vmem_shared>>
        tpu.enqueue_indirect_dma source(%arg8 : memref<128x128xf32, #tpu.memory_space<vmem>>) target(%dma_start3A_129 : memref<2048x128xf32, #tpu.memory_space<vmem_shared>>) offsets(%dma_start3A_126 : memref<128xi32, #tpu.memory_space<vmem>>) semaphore(%run_scoped3A_123 : memref<!tpu.dma_semaphore, #tpu.memory_space<semaphore_mem>>) {add = true}
        %dma_wait3A_130 = arith.constant 0 : i32
        %dma_wait3A_131 = tpu.memref_slice %arg10[%run_scoped3A_112, %dma_wait3A_130] : memref<2x128xi32, #tpu.memory_space<vmem>> -> memref<1x128xi32, #tpu.memory_space<vmem>>
        %dma_wait3A_132 = tpu.memref_squeeze %dma_wait3A_131 : memref<1x128xi32, #tpu.memory_space<vmem>> -> memref<128xi32, #tpu.memory_space<vmem>>
        %dma_wait3A_133 = arith.constant 0 : i32
        %dma_wait3A_134 = arith.constant 0 : i32
        %dma_wait3A_135 = tpu.memref_slice %arg7[%dma_wait3A_133, %dma_wait3A_134] : memref<2048x128xf32, #tpu.memory_space<vmem_shared>> -> memref<2048x128xf32, #tpu.memory_space<vmem_shared>>
        tpu.wait_indirect_dma semaphore(%run_scoped3A_123 : memref<!tpu.dma_semaphore, #tpu.memory_space<semaphore_mem>>) src(%arg8 : memref<128x128xf32, #tpu.memory_space<vmem>>) dst(%dma_wait3A_135 : memref<2048x128xf32, #tpu.memory_space<vmem_shared>>)
        tpu.yield
      }) : () -> ()
      %lt3A = arith.constant 7 : i32
      %lt3A_113 = arith.cmpi slt, %scan3A_93, %lt3A : i32
      %convert_element_type3A = arith.extui %lt3A_113 : i1 to i32
      %cond3A = arith.constant 0 : i32
      %cond3A_114 = arith.cmpi ne, %convert_element_type3A, %cond3A : i32
      scf.if %cond3A_114 {
        %add3A_123 = arith.constant 2 : i32
        %add3A_124 = arith.addi %mul3A_95, %add3A_123 : i32
        %run_scoped3A_125 = arith.constant 0 : i32
        "tpu.region"() ({
          %run_scoped3A_133 = tpu.sem_alloc : memref<!tpu.dma_semaphore, #tpu.memory_space<semaphore_mem>>
          %dma_start3A_134 = arith.constant 0 : i32
          %dma_start3A_135 = arith.constant 0 : i32
          %dma_start3A_136 = tpu.memref_slice %arg3[%run_scoped3A_125, %add3A, %add3A_124, %dma_start3A_134, %dma_start3A_135] : memref<4x32x16x2x128xi32, #tpu.memory_space<hbm>> -> memref<1x1x1x2x128xi32, #tpu.memory_space<hbm>>
          %dma_start3A_137 = tpu.memref_squeeze %dma_start3A_136 : memref<1x1x1x2x128xi32, #tpu.memory_space<hbm>> -> memref<2x128xi32, #tpu.memory_space<hbm>>
          %dma_start3A_138 = arith.constant 0 : i32
          %dma_start3A_139 = arith.constant 0 : i32
          %dma_start3A_140 = tpu.memref_slice %arg3[%run_scoped3A_125, %add3A, %add3A_124, %dma_start3A_138, %dma_start3A_139] : memref<4x32x16x2x128xi32, #tpu.memory_space<hbm>> -> memref<1x1x1x2x128xi32, #tpu.memory_space<hbm>>
          %dma_start3A_141 = tpu.memref_squeeze %dma_start3A_140 : memref<1x1x1x2x128xi32, #tpu.memory_space<hbm>> -> memref<2x128xi32, #tpu.memory_space<hbm>>
          tpu.enqueue_dma source(%dma_start3A_141 : memref<2x128xi32, #tpu.memory_space<hbm>>) target(%arg10 : memref<2x128xi32, #tpu.memory_space<vmem>>) target_semaphore(%run_scoped3A_133 : memref<!tpu.dma_semaphore, #tpu.memory_space<semaphore_mem>>)
          %dma_wait3A_142 = arith.constant 0 : i32
          %dma_wait3A_143 = arith.constant 0 : i32
          %dma_wait3A_144 = tpu.memref_slice %arg3[%run_scoped3A_125, %add3A, %add3A_124, %dma_wait3A_142, %dma_wait3A_143] : memref<4x32x16x2x128xi32, #tpu.memory_space<hbm>> -> memref<1x1x1x2x128xi32, #tpu.memory_space<hbm>>
          %dma_wait3A_145 = tpu.memref_squeeze %dma_wait3A_144 : memref<1x1x1x2x128xi32, #tpu.memory_space<hbm>> -> memref<2x128xi32, #tpu.memory_space<hbm>>
          %dma_wait3A_146 = arith.constant 0 : i32
          %dma_wait3A_147 = arith.constant 0 : i32
          %dma_wait3A_148 = tpu.memref_slice %arg3[%run_scoped3A_125, %add3A, %add3A_124, %dma_wait3A_146, %dma_wait3A_147] : memref<4x32x16x2x128xi32, #tpu.memory_space<hbm>> -> memref<1x1x1x2x128xi32, #tpu.memory_space<hbm>>
          %dma_wait3A_149 = tpu.memref_squeeze %dma_wait3A_148 : memref<1x1x1x2x128xi32, #tpu.memory_space<hbm>> -> memref<2x128xi32, #tpu.memory_space<hbm>>
          tpu.wait_dma2 semaphore(%run_scoped3A_133 : memref<!tpu.dma_semaphore, #tpu.memory_space<semaphore_mem>>) src(%dma_wait3A_149 : memref<2x128xi32, #tpu.memory_space<hbm>>) dst(%arg10 : memref<2x128xi32, #tpu.memory_space<vmem>>)
          tpu.yield
        }) : () -> ()
        %dma_start3A_126 = arith.constant 0 : i32
        %dma_start3A_127 = arith.constant 0 : i32
        %dma_start3A_128 = tpu.memref_slice %arg10[%dma_start3A_126, %dma_start3A_127] : memref<2x128xi32, #tpu.memory_space<vmem>> -> memref<1x128xi32, #tpu.memory_space<vmem>>
        %dma_start3A_129 = tpu.memref_squeeze %dma_start3A_128 : memref<1x128xi32, #tpu.memory_space<vmem>> -> memref<128xi32, #tpu.memory_space<vmem>>
        %dma_start3A_130 = arith.constant 0 : i32
        %dma_start3A_131 = arith.constant 0 : i32
        %dma_start3A_132 = tpu.memref_slice %arg2[%dma_start3A_130, %dma_start3A_131] : memref<8192x128xf32, #tpu.memory_space<hbm>> -> memref<8192x128xf32, #tpu.memory_space<hbm>>
        tpu.enqueue_indirect_dma source(%dma_start3A_132 : memref<8192x128xf32, #tpu.memory_space<hbm>>) target(%arg8 : memref<128x128xf32, #tpu.memory_space<vmem>>) offsets(%dma_start3A_129 : memref<128xi32, #tpu.memory_space<vmem>>) semaphore(%arg12 : memref<!tpu.dma_semaphore, #tpu.memory_space<semaphore_mem>>)
      } else {
      }
      %dma_wait3A_115 = arith.constant 0 : i32
      %dma_wait3A_116 = arith.constant 0 : i32
      %dma_wait3A_117 = tpu.memref_slice %arg11[%dma_wait3A_115, %dma_wait3A_116] : memref<2x128xi32, #tpu.memory_space<vmem>> -> memref<1x128xi32, #tpu.memory_space<vmem>>
      %dma_wait3A_118 = tpu.memref_squeeze %dma_wait3A_117 : memref<1x128xi32, #tpu.memory_space<vmem>> -> memref<128xi32, #tpu.memory_space<vmem>>
      %dma_wait3A_119 = arith.constant 0 : i32
      %dma_wait3A_120 = arith.constant 0 : i32
      %dma_wait3A_121 = tpu.memref_slice %arg2[%dma_wait3A_119, %dma_wait3A_120] : memref<8192x128xf32, #tpu.memory_space<hbm>> -> memref<8192x128xf32, #tpu.memory_space<hbm>>
      tpu.wait_indirect_dma semaphore(%arg13 : memref<!tpu.dma_semaphore, #tpu.memory_space<semaphore_mem>>) src(%dma_wait3A_121 : memref<8192x128xf32, #tpu.memory_space<hbm>>) dst(%arg9 : memref<128x128xf32, #tpu.memory_space<vmem>>)
      %run_scoped3A_122 = arith.constant 1 : i32
      "tpu.region"() ({
        %run_scoped3A_123 = tpu.sem_alloc : memref<!tpu.dma_semaphore, #tpu.memory_space<semaphore_mem>>
        %dma_start3A_124 = arith.constant 0 : i32
        %dma_start3A_125 = tpu.memref_slice %arg11[%run_scoped3A_122, %dma_start3A_124] : memref<2x128xi32, #tpu.memory_space<vmem>> -> memref<1x128xi32, #tpu.memory_space<vmem>>
        %dma_start3A_126 = tpu.memref_squeeze %dma_start3A_125 : memref<1x128xi32, #tpu.memory_space<vmem>> -> memref<128xi32, #tpu.memory_space<vmem>>
        %dma_start3A_127 = arith.constant 0 : i32
        %dma_start3A_128 = arith.constant 0 : i32
        %dma_start3A_129 = tpu.memref_slice %arg7[%dma_start3A_127, %dma_start3A_128] : memref<2048x128xf32, #tpu.memory_space<vmem_shared>> -> memref<2048x128xf32, #tpu.memory_space<vmem_shared>>
        tpu.enqueue_indirect_dma source(%arg9 : memref<128x128xf32, #tpu.memory_space<vmem>>) target(%dma_start3A_129 : memref<2048x128xf32, #tpu.memory_space<vmem_shared>>) offsets(%dma_start3A_126 : memref<128xi32, #tpu.memory_space<vmem>>) semaphore(%run_scoped3A_123 : memref<!tpu.dma_semaphore, #tpu.memory_space<semaphore_mem>>) {add = true}
        %dma_wait3A_130 = arith.constant 0 : i32
        %dma_wait3A_131 = tpu.memref_slice %arg11[%run_scoped3A_122, %dma_wait3A_130] : memref<2x128xi32, #tpu.memory_space<vmem>> -> memref<1x128xi32, #tpu.memory_space<vmem>>
        %dma_wait3A_132 = tpu.memref_squeeze %dma_wait3A_131 : memref<1x128xi32, #tpu.memory_space<vmem>> -> memref<128xi32, #tpu.memory_space<vmem>>
        %dma_wait3A_133 = arith.constant 0 : i32
        %dma_wait3A_134 = arith.constant 0 : i32
        %dma_wait3A_135 = tpu.memref_slice %arg7[%dma_wait3A_133, %dma_wait3A_134] : memref<2048x128xf32, #tpu.memory_space<vmem_shared>> -> memref<2048x128xf32, #tpu.memory_space<vmem_shared>>
        tpu.wait_indirect_dma semaphore(%run_scoped3A_123 : memref<!tpu.dma_semaphore, #tpu.memory_space<semaphore_mem>>) src(%arg9 : memref<128x128xf32, #tpu.memory_space<vmem>>) dst(%dma_wait3A_135 : memref<2048x128xf32, #tpu.memory_space<vmem_shared>>)
        tpu.yield
      }) : () -> ()
    }
    %scan3A_14 = arith.constant 8 : i32
    %barrier3A_15 = arith.constant 0 : index
    tpu.barrier barrier_id(%barrier3A_15)
    %mul3A_16 = arith.constant 128 : i32
    %mul3A_17 = arith.muli %arg1, %mul3A_16 : i32
    %mul3A_18 = arith.constant 128 : i32
    %mul3A_19 = arith.muli %arg1, %mul3A_18 : i32
    %run_scoped3A_20 = arith.constant 0 : i32
    "tpu.region"() ({
      %run_scoped3A_93 = tpu.sem_alloc : memref<!tpu.dma_semaphore, #tpu.memory_space<semaphore_mem>>
      %dma_start3A_94 = arith.constant 0 : i32
      %dma_start3A_95 = tpu.memref_slice %arg6[%arg0, %run_scoped3A_20, %mul3A_19, %dma_start3A_94] : memref<2x4x2048x128xf32, #tpu.memory_space<hbm>> -> memref<1x1x128x128xf32, #tpu.memory_space<hbm>>
      %dma_start3A_96 = tpu.memref_squeeze %dma_start3A_95 : memref<1x1x128x128xf32, #tpu.memory_space<hbm>> -> memref<128x128xf32, #tpu.memory_space<hbm>>
      %dma_start3A_97 = arith.constant 0 : i32
      %dma_start3A_98 = tpu.memref_slice %arg7[%mul3A_17, %dma_start3A_97] : memref<2048x128xf32, #tpu.memory_space<vmem_shared>> -> memref<128x128xf32, #tpu.memory_space<vmem_shared>>
      tpu.enqueue_dma source(%dma_start3A_98 : memref<128x128xf32, #tpu.memory_space<vmem_shared>>) target(%dma_start3A_96 : memref<128x128xf32, #tpu.memory_space<hbm>>) target_semaphore(%run_scoped3A_93 : memref<!tpu.dma_semaphore, #tpu.memory_space<semaphore_mem>>)
      %dma_wait3A = arith.constant 0 : i32
      %dma_wait3A_99 = tpu.memref_slice %arg6[%arg0, %run_scoped3A_20, %mul3A_19, %dma_wait3A] : memref<2x4x2048x128xf32, #tpu.memory_space<hbm>> -> memref<1x1x128x128xf32, #tpu.memory_space<hbm>>
      %dma_wait3A_100 = tpu.memref_squeeze %dma_wait3A_99 : memref<1x1x128x128xf32, #tpu.memory_space<hbm>> -> memref<128x128xf32, #tpu.memory_space<hbm>>
      %dma_wait3A_101 = arith.constant 0 : i32
      %dma_wait3A_102 = tpu.memref_slice %arg7[%mul3A_17, %dma_wait3A_101] : memref<2048x128xf32, #tpu.memory_space<vmem_shared>> -> memref<128x128xf32, #tpu.memory_space<vmem_shared>>
      tpu.wait_dma2 semaphore(%run_scoped3A_93 : memref<!tpu.dma_semaphore, #tpu.memory_space<semaphore_mem>>) src(%dma_wait3A_102 : memref<128x128xf32, #tpu.memory_space<vmem_shared>>) dst(%dma_wait3A_100 : memref<128x128xf32, #tpu.memory_space<hbm>>)
      tpu.yield
    }) : () -> ()
    %mul3A_21 = arith.constant 128 : i32
    %mul3A_22 = arith.muli %arg1, %mul3A_21 : i32
    "tpu.region"() ({
      %run_scoped3A_93 = tpu.sem_alloc : memref<!tpu.dma_semaphore, #tpu.memory_space<semaphore_mem>>
      %dma_start3A_94 = arith.constant 0 : i32
      %dma_start3A_95 = tpu.memref_slice %arg7[%mul3A_22, %dma_start3A_94] : memref<2048x128xf32, #tpu.memory_space<vmem_shared>> -> memref<128x128xf32, #tpu.memory_space<vmem_shared>>
      tpu.enqueue_dma source(%arg4 : memref<128x128xf32, #tpu.memory_space<hbm>>) target(%dma_start3A_95 : memref<128x128xf32, #tpu.memory_space<vmem_shared>>) target_semaphore(%run_scoped3A_93 : memref<!tpu.dma_semaphore, #tpu.memory_space<semaphore_mem>>)
      %dma_wait3A = arith.constant 0 : i32
      %dma_wait3A_96 = tpu.memref_slice %arg7[%mul3A_22, %dma_wait3A] : memref<2048x128xf32, #tpu.memory_space<vmem_shared>> -> memref<128x128xf32, #tpu.memory_space<vmem_shared>>
      tpu.wait_dma2 semaphore(%run_scoped3A_93 : memref<!tpu.dma_semaphore, #tpu.memory_space<semaphore_mem>>) src(%arg4 : memref<128x128xf32, #tpu.memory_space<hbm>>) dst(%dma_wait3A_96 : memref<128x128xf32, #tpu.memory_space<vmem_shared>>)
      tpu.yield
    }) : () -> ()
    %barrier3A_23 = arith.constant 0 : index
    tpu.barrier barrier_id(%barrier3A_23)
    %run_scoped3A_24 = arith.constant 1 : i32
    %run_scoped3A_25 = arith.constant 0 : i32
    "tpu.region"() ({
      %run_scoped3A_93 = tpu.sem_alloc : memref<!tpu.dma_semaphore, #tpu.memory_space<semaphore_mem>>
      %dma_start3A_94 = arith.constant 0 : i32
      %dma_start3A_95 = arith.constant 0 : i32
      %dma_start3A_96 = tpu.memref_slice %arg3[%run_scoped3A_24, %add3A, %run_scoped3A_25, %dma_start3A_94, %dma_start3A_95] : memref<4x32x16x2x128xi32, #tpu.memory_space<hbm>> -> memref<1x1x1x2x128xi32, #tpu.memory_space<hbm>>
      %dma_start3A_97 = tpu.memref_squeeze %dma_start3A_96 : memref<1x1x1x2x128xi32, #tpu.memory_space<hbm>> -> memref<2x128xi32, #tpu.memory_space<hbm>>
      %dma_start3A_98 = arith.constant 0 : i32
      %dma_start3A_99 = arith.constant 0 : i32
      %dma_start3A_100 = tpu.memref_slice %arg3[%run_scoped3A_24, %add3A, %run_scoped3A_25, %dma_start3A_98, %dma_start3A_99] : memref<4x32x16x2x128xi32, #tpu.memory_space<hbm>> -> memref<1x1x1x2x128xi32, #tpu.memory_space<hbm>>
      %dma_start3A_101 = tpu.memref_squeeze %dma_start3A_100 : memref<1x1x1x2x128xi32, #tpu.memory_space<hbm>> -> memref<2x128xi32, #tpu.memory_space<hbm>>
      tpu.enqueue_dma source(%dma_start3A_101 : memref<2x128xi32, #tpu.memory_space<hbm>>) target(%arg10 : memref<2x128xi32, #tpu.memory_space<vmem>>) target_semaphore(%run_scoped3A_93 : memref<!tpu.dma_semaphore, #tpu.memory_space<semaphore_mem>>)
      %dma_wait3A = arith.constant 0 : i32
      %dma_wait3A_102 = arith.constant 0 : i32
      %dma_wait3A_103 = tpu.memref_slice %arg3[%run_scoped3A_24, %add3A, %run_scoped3A_25, %dma_wait3A, %dma_wait3A_102] : memref<4x32x16x2x128xi32, #tpu.memory_space<hbm>> -> memref<1x1x1x2x128xi32, #tpu.memory_space<hbm>>
      %dma_wait3A_104 = tpu.memref_squeeze %dma_wait3A_103 : memref<1x1x1x2x128xi32, #tpu.memory_space<hbm>> -> memref<2x128xi32, #tpu.memory_space<hbm>>
      %dma_wait3A_105 = arith.constant 0 : i32
      %dma_wait3A_106 = arith.constant 0 : i32
      %dma_wait3A_107 = tpu.memref_slice %arg3[%run_scoped3A_24, %add3A, %run_scoped3A_25, %dma_wait3A_105, %dma_wait3A_106] : memref<4x32x16x2x128xi32, #tpu.memory_space<hbm>> -> memref<1x1x1x2x128xi32, #tpu.memory_space<hbm>>
      %dma_wait3A_108 = tpu.memref_squeeze %dma_wait3A_107 : memref<1x1x1x2x128xi32, #tpu.memory_space<hbm>> -> memref<2x128xi32, #tpu.memory_space<hbm>>
      tpu.wait_dma2 semaphore(%run_scoped3A_93 : memref<!tpu.dma_semaphore, #tpu.memory_space<semaphore_mem>>) src(%dma_wait3A_108 : memref<2x128xi32, #tpu.memory_space<hbm>>) dst(%arg10 : memref<2x128xi32, #tpu.memory_space<vmem>>)
      tpu.yield
    }) : () -> ()
    %dma_start3A_26 = arith.constant 0 : i32
    %dma_start3A_27 = arith.constant 0 : i32
    %dma_start3A_28 = tpu.memref_slice %arg10[%dma_start3A_26, %dma_start3A_27] : memref<2x128xi32, #tpu.memory_space<vmem>> -> memref<1x128xi32, #tpu.memory_space<vmem>>
    %dma_start3A_29 = tpu.memref_squeeze %dma_start3A_28 : memref<1x128xi32, #tpu.memory_space<vmem>> -> memref<128xi32, #tpu.memory_space<vmem>>
    %dma_start3A_30 = arith.constant 0 : i32
    %dma_start3A_31 = arith.constant 0 : i32
    %dma_start3A_32 = tpu.memref_slice %arg2[%dma_start3A_30, %dma_start3A_31] : memref<8192x128xf32, #tpu.memory_space<hbm>> -> memref<8192x128xf32, #tpu.memory_space<hbm>>
    tpu.enqueue_indirect_dma source(%dma_start3A_32 : memref<8192x128xf32, #tpu.memory_space<hbm>>) target(%arg8 : memref<128x128xf32, #tpu.memory_space<vmem>>) offsets(%dma_start3A_29 : memref<128xi32, #tpu.memory_space<vmem>>) semaphore(%arg12 : memref<!tpu.dma_semaphore, #tpu.memory_space<semaphore_mem>>)
    %scan3A_33 = arith.constant 0 : i32
    %scan3A_34 = arith.constant 0 : i32
    %scan3A_35 = arith.constant 8 : i32
    %scan3A_36 = arith.addi %scan3A_34, %scan3A_35 : i32
    %scan3A_37 = arith.constant 1 : i32
    scf.for %scan3A_93 = %scan3A_34 to %scan3A_36 step %scan3A_37  : i32 {
      %mul3A_94 = arith.constant 2 : i32
      %mul3A_95 = arith.muli %mul3A_94, %scan3A_93 : i32
      %add3A_96 = arith.constant 1 : i32
      %add3A_97 = arith.addi %mul3A_95, %add3A_96 : i32
      %run_scoped3A_98 = arith.constant 1 : i32
      "tpu.region"() ({
        %run_scoped3A_123 = tpu.sem_alloc : memref<!tpu.dma_semaphore, #tpu.memory_space<semaphore_mem>>
        %dma_start3A_124 = arith.constant 0 : i32
        %dma_start3A_125 = arith.constant 0 : i32
        %dma_start3A_126 = tpu.memref_slice %arg3[%run_scoped3A_98, %add3A, %add3A_97, %dma_start3A_124, %dma_start3A_125] : memref<4x32x16x2x128xi32, #tpu.memory_space<hbm>> -> memref<1x1x1x2x128xi32, #tpu.memory_space<hbm>>
        %dma_start3A_127 = tpu.memref_squeeze %dma_start3A_126 : memref<1x1x1x2x128xi32, #tpu.memory_space<hbm>> -> memref<2x128xi32, #tpu.memory_space<hbm>>
        %dma_start3A_128 = arith.constant 0 : i32
        %dma_start3A_129 = arith.constant 0 : i32
        %dma_start3A_130 = tpu.memref_slice %arg3[%run_scoped3A_98, %add3A, %add3A_97, %dma_start3A_128, %dma_start3A_129] : memref<4x32x16x2x128xi32, #tpu.memory_space<hbm>> -> memref<1x1x1x2x128xi32, #tpu.memory_space<hbm>>
        %dma_start3A_131 = tpu.memref_squeeze %dma_start3A_130 : memref<1x1x1x2x128xi32, #tpu.memory_space<hbm>> -> memref<2x128xi32, #tpu.memory_space<hbm>>
        tpu.enqueue_dma source(%dma_start3A_131 : memref<2x128xi32, #tpu.memory_space<hbm>>) target(%arg11 : memref<2x128xi32, #tpu.memory_space<vmem>>) target_semaphore(%run_scoped3A_123 : memref<!tpu.dma_semaphore, #tpu.memory_space<semaphore_mem>>)
        %dma_wait3A_132 = arith.constant 0 : i32
        %dma_wait3A_133 = arith.constant 0 : i32
        %dma_wait3A_134 = tpu.memref_slice %arg3[%run_scoped3A_98, %add3A, %add3A_97, %dma_wait3A_132, %dma_wait3A_133] : memref<4x32x16x2x128xi32, #tpu.memory_space<hbm>> -> memref<1x1x1x2x128xi32, #tpu.memory_space<hbm>>
        %dma_wait3A_135 = tpu.memref_squeeze %dma_wait3A_134 : memref<1x1x1x2x128xi32, #tpu.memory_space<hbm>> -> memref<2x128xi32, #tpu.memory_space<hbm>>
        %dma_wait3A_136 = arith.constant 0 : i32
        %dma_wait3A_137 = arith.constant 0 : i32
        %dma_wait3A_138 = tpu.memref_slice %arg3[%run_scoped3A_98, %add3A, %add3A_97, %dma_wait3A_136, %dma_wait3A_137] : memref<4x32x16x2x128xi32, #tpu.memory_space<hbm>> -> memref<1x1x1x2x128xi32, #tpu.memory_space<hbm>>
        %dma_wait3A_139 = tpu.memref_squeeze %dma_wait3A_138 : memref<1x1x1x2x128xi32, #tpu.memory_space<hbm>> -> memref<2x128xi32, #tpu.memory_space<hbm>>
        tpu.wait_dma2 semaphore(%run_scoped3A_123 : memref<!tpu.dma_semaphore, #tpu.memory_space<semaphore_mem>>) src(%dma_wait3A_139 : memref<2x128xi32, #tpu.memory_space<hbm>>) dst(%arg11 : memref<2x128xi32, #tpu.memory_space<vmem>>)
        tpu.yield
      }) : () -> ()
      %dma_start3A_99 = arith.constant 0 : i32
      %dma_start3A_100 = arith.constant 0 : i32
      %dma_start3A_101 = tpu.memref_slice %arg11[%dma_start3A_99, %dma_start3A_100] : memref<2x128xi32, #tpu.memory_space<vmem>> -> memref<1x128xi32, #tpu.memory_space<vmem>>
      %dma_start3A_102 = tpu.memref_squeeze %dma_start3A_101 : memref<1x128xi32, #tpu.memory_space<vmem>> -> memref<128xi32, #tpu.memory_space<vmem>>
      %dma_start3A_103 = arith.constant 0 : i32
      %dma_start3A_104 = arith.constant 0 : i32
      %dma_start3A_105 = tpu.memref_slice %arg2[%dma_start3A_103, %dma_start3A_104] : memref<8192x128xf32, #tpu.memory_space<hbm>> -> memref<8192x128xf32, #tpu.memory_space<hbm>>
      tpu.enqueue_indirect_dma source(%dma_start3A_105 : memref<8192x128xf32, #tpu.memory_space<hbm>>) target(%arg9 : memref<128x128xf32, #tpu.memory_space<vmem>>) offsets(%dma_start3A_102 : memref<128xi32, #tpu.memory_space<vmem>>) semaphore(%arg13 : memref<!tpu.dma_semaphore, #tpu.memory_space<semaphore_mem>>)
      %dma_wait3A = arith.constant 0 : i32
      %dma_wait3A_106 = arith.constant 0 : i32
      %dma_wait3A_107 = tpu.memref_slice %arg10[%dma_wait3A, %dma_wait3A_106] : memref<2x128xi32, #tpu.memory_space<vmem>> -> memref<1x128xi32, #tpu.memory_space<vmem>>
      %dma_wait3A_108 = tpu.memref_squeeze %dma_wait3A_107 : memref<1x128xi32, #tpu.memory_space<vmem>> -> memref<128xi32, #tpu.memory_space<vmem>>
      %dma_wait3A_109 = arith.constant 0 : i32
      %dma_wait3A_110 = arith.constant 0 : i32
      %dma_wait3A_111 = tpu.memref_slice %arg2[%dma_wait3A_109, %dma_wait3A_110] : memref<8192x128xf32, #tpu.memory_space<hbm>> -> memref<8192x128xf32, #tpu.memory_space<hbm>>
      tpu.wait_indirect_dma semaphore(%arg12 : memref<!tpu.dma_semaphore, #tpu.memory_space<semaphore_mem>>) src(%dma_wait3A_111 : memref<8192x128xf32, #tpu.memory_space<hbm>>) dst(%arg8 : memref<128x128xf32, #tpu.memory_space<vmem>>)
      %run_scoped3A_112 = arith.constant 1 : i32
      "tpu.region"() ({
        %run_scoped3A_123 = tpu.sem_alloc : memref<!tpu.dma_semaphore, #tpu.memory_space<semaphore_mem>>
        %dma_start3A_124 = arith.constant 0 : i32
        %dma_start3A_125 = tpu.memref_slice %arg10[%run_scoped3A_112, %dma_start3A_124] : memref<2x128xi32, #tpu.memory_space<vmem>> -> memref<1x128xi32, #tpu.memory_space<vmem>>
        %dma_start3A_126 = tpu.memref_squeeze %dma_start3A_125 : memref<1x128xi32, #tpu.memory_space<vmem>> -> memref<128xi32, #tpu.memory_space<vmem>>
        %dma_start3A_127 = arith.constant 0 : i32
        %dma_start3A_128 = arith.constant 0 : i32
        %dma_start3A_129 = tpu.memref_slice %arg7[%dma_start3A_127, %dma_start3A_128] : memref<2048x128xf32, #tpu.memory_space<vmem_shared>> -> memref<2048x128xf32, #tpu.memory_space<vmem_shared>>
        tpu.enqueue_indirect_dma source(%arg8 : memref<128x128xf32, #tpu.memory_space<vmem>>) target(%dma_start3A_129 : memref<2048x128xf32, #tpu.memory_space<vmem_shared>>) offsets(%dma_start3A_126 : memref<128xi32, #tpu.memory_space<vmem>>) semaphore(%run_scoped3A_123 : memref<!tpu.dma_semaphore, #tpu.memory_space<semaphore_mem>>) {add = true}
        %dma_wait3A_130 = arith.constant 0 : i32
        %dma_wait3A_131 = tpu.memref_slice %arg10[%run_scoped3A_112, %dma_wait3A_130] : memref<2x128xi32, #tpu.memory_space<vmem>> -> memref<1x128xi32, #tpu.memory_space<vmem>>
        %dma_wait3A_132 = tpu.memref_squeeze %dma_wait3A_131 : memref<1x128xi32, #tpu.memory_space<vmem>> -> memref<128xi32, #tpu.memory_space<vmem>>
        %dma_wait3A_133 = arith.constant 0 : i32
        %dma_wait3A_134 = arith.constant 0 : i32
        %dma_wait3A_135 = tpu.memref_slice %arg7[%dma_wait3A_133, %dma_wait3A_134] : memref<2048x128xf32, #tpu.memory_space<vmem_shared>> -> memref<2048x128xf32, #tpu.memory_space<vmem_shared>>
        tpu.wait_indirect_dma semaphore(%run_scoped3A_123 : memref<!tpu.dma_semaphore, #tpu.memory_space<semaphore_mem>>) src(%arg8 : memref<128x128xf32, #tpu.memory_space<vmem>>) dst(%dma_wait3A_135 : memref<2048x128xf32, #tpu.memory_space<vmem_shared>>)
        tpu.yield
      }) : () -> ()
      %lt3A = arith.constant 7 : i32
      %lt3A_113 = arith.cmpi slt, %scan3A_93, %lt3A : i32
      %convert_element_type3A = arith.extui %lt3A_113 : i1 to i32
      %cond3A = arith.constant 0 : i32
      %cond3A_114 = arith.cmpi ne, %convert_element_type3A, %cond3A : i32
      scf.if %cond3A_114 {
        %add3A_123 = arith.constant 2 : i32
        %add3A_124 = arith.addi %mul3A_95, %add3A_123 : i32
        %run_scoped3A_125 = arith.constant 1 : i32
        "tpu.region"() ({
          %run_scoped3A_133 = tpu.sem_alloc : memref<!tpu.dma_semaphore, #tpu.memory_space<semaphore_mem>>
          %dma_start3A_134 = arith.constant 0 : i32
          %dma_start3A_135 = arith.constant 0 : i32
          %dma_start3A_136 = tpu.memref_slice %arg3[%run_scoped3A_125, %add3A, %add3A_124, %dma_start3A_134, %dma_start3A_135] : memref<4x32x16x2x128xi32, #tpu.memory_space<hbm>> -> memref<1x1x1x2x128xi32, #tpu.memory_space<hbm>>
          %dma_start3A_137 = tpu.memref_squeeze %dma_start3A_136 : memref<1x1x1x2x128xi32, #tpu.memory_space<hbm>> -> memref<2x128xi32, #tpu.memory_space<hbm>>
          %dma_start3A_138 = arith.constant 0 : i32
          %dma_start3A_139 = arith.constant 0 : i32
          %dma_start3A_140 = tpu.memref_slice %arg3[%run_scoped3A_125, %add3A, %add3A_124, %dma_start3A_138, %dma_start3A_139] : memref<4x32x16x2x128xi32, #tpu.memory_space<hbm>> -> memref<1x1x1x2x128xi32, #tpu.memory_space<hbm>>
          %dma_start3A_141 = tpu.memref_squeeze %dma_start3A_140 : memref<1x1x1x2x128xi32, #tpu.memory_space<hbm>> -> memref<2x128xi32, #tpu.memory_space<hbm>>
          tpu.enqueue_dma source(%dma_start3A_141 : memref<2x128xi32, #tpu.memory_space<hbm>>) target(%arg10 : memref<2x128xi32, #tpu.memory_space<vmem>>) target_semaphore(%run_scoped3A_133 : memref<!tpu.dma_semaphore, #tpu.memory_space<semaphore_mem>>)
          %dma_wait3A_142 = arith.constant 0 : i32
          %dma_wait3A_143 = arith.constant 0 : i32
          %dma_wait3A_144 = tpu.memref_slice %arg3[%run_scoped3A_125, %add3A, %add3A_124, %dma_wait3A_142, %dma_wait3A_143] : memref<4x32x16x2x128xi32, #tpu.memory_space<hbm>> -> memref<1x1x1x2x128xi32, #tpu.memory_space<hbm>>
          %dma_wait3A_145 = tpu.memref_squeeze %dma_wait3A_144 : memref<1x1x1x2x128xi32, #tpu.memory_space<hbm>> -> memref<2x128xi32, #tpu.memory_space<hbm>>
          %dma_wait3A_146 = arith.constant 0 : i32
          %dma_wait3A_147 = arith.constant 0 : i32
          %dma_wait3A_148 = tpu.memref_slice %arg3[%run_scoped3A_125, %add3A, %add3A_124, %dma_wait3A_146, %dma_wait3A_147] : memref<4x32x16x2x128xi32, #tpu.memory_space<hbm>> -> memref<1x1x1x2x128xi32, #tpu.memory_space<hbm>>
          %dma_wait3A_149 = tpu.memref_squeeze %dma_wait3A_148 : memref<1x1x1x2x128xi32, #tpu.memory_space<hbm>> -> memref<2x128xi32, #tpu.memory_space<hbm>>
          tpu.wait_dma2 semaphore(%run_scoped3A_133 : memref<!tpu.dma_semaphore, #tpu.memory_space<semaphore_mem>>) src(%dma_wait3A_149 : memref<2x128xi32, #tpu.memory_space<hbm>>) dst(%arg10 : memref<2x128xi32, #tpu.memory_space<vmem>>)
          tpu.yield
        }) : () -> ()
        %dma_start3A_126 = arith.constant 0 : i32
        %dma_start3A_127 = arith.constant 0 : i32
        %dma_start3A_128 = tpu.memref_slice %arg10[%dma_start3A_126, %dma_start3A_127] : memref<2x128xi32, #tpu.memory_space<vmem>> -> memref<1x128xi32, #tpu.memory_space<vmem>>
        %dma_start3A_129 = tpu.memref_squeeze %dma_start3A_128 : memref<1x128xi32, #tpu.memory_space<vmem>> -> memref<128xi32, #tpu.memory_space<vmem>>
        %dma_start3A_130 = arith.constant 0 : i32
        %dma_start3A_131 = arith.constant 0 : i32
        %dma_start3A_132 = tpu.memref_slice %arg2[%dma_start3A_130, %dma_start3A_131] : memref<8192x128xf32, #tpu.memory_space<hbm>> -> memref<8192x128xf32, #tpu.memory_space<hbm>>
        tpu.enqueue_indirect_dma source(%dma_start3A_132 : memref<8192x128xf32, #tpu.memory_space<hbm>>) target(%arg8 : memref<128x128xf32, #tpu.memory_space<vmem>>) offsets(%dma_start3A_129 : memref<128xi32, #tpu.memory_space<vmem>>) semaphore(%arg12 : memref<!tpu.dma_semaphore, #tpu.memory_space<semaphore_mem>>)
      } else {
      }
      %dma_wait3A_115 = arith.constant 0 : i32
      %dma_wait3A_116 = arith.constant 0 : i32
      %dma_wait3A_117 = tpu.memref_slice %arg11[%dma_wait3A_115, %dma_wait3A_116] : memref<2x128xi32, #tpu.memory_space<vmem>> -> memref<1x128xi32, #tpu.memory_space<vmem>>
      %dma_wait3A_118 = tpu.memref_squeeze %dma_wait3A_117 : memref<1x128xi32, #tpu.memory_space<vmem>> -> memref<128xi32, #tpu.memory_space<vmem>>
      %dma_wait3A_119 = arith.constant 0 : i32
      %dma_wait3A_120 = arith.constant 0 : i32
      %dma_wait3A_121 = tpu.memref_slice %arg2[%dma_wait3A_119, %dma_wait3A_120] : memref<8192x128xf32, #tpu.memory_space<hbm>> -> memref<8192x128xf32, #tpu.memory_space<hbm>>
      tpu.wait_indirect_dma semaphore(%arg13 : memref<!tpu.dma_semaphore, #tpu.memory_space<semaphore_mem>>) src(%dma_wait3A_121 : memref<8192x128xf32, #tpu.memory_space<hbm>>) dst(%arg9 : memref<128x128xf32, #tpu.memory_space<vmem>>)
      %run_scoped3A_122 = arith.constant 1 : i32
      "tpu.region"() ({
        %run_scoped3A_123 = tpu.sem_alloc : memref<!tpu.dma_semaphore, #tpu.memory_space<semaphore_mem>>
        %dma_start3A_124 = arith.constant 0 : i32
        %dma_start3A_125 = tpu.memref_slice %arg11[%run_scoped3A_122, %dma_start3A_124] : memref<2x128xi32, #tpu.memory_space<vmem>> -> memref<1x128xi32, #tpu.memory_space<vmem>>
        %dma_start3A_126 = tpu.memref_squeeze %dma_start3A_125 : memref<1x128xi32, #tpu.memory_space<vmem>> -> memref<128xi32, #tpu.memory_space<vmem>>
        %dma_start3A_127 = arith.constant 0 : i32
        %dma_start3A_128 = arith.constant 0 : i32
        %dma_start3A_129 = tpu.memref_slice %arg7[%dma_start3A_127, %dma_start3A_128] : memref<2048x128xf32, #tpu.memory_space<vmem_shared>> -> memref<2048x128xf32, #tpu.memory_space<vmem_shared>>
        tpu.enqueue_indirect_dma source(%arg9 : memref<128x128xf32, #tpu.memory_space<vmem>>) target(%dma_start3A_129 : memref<2048x128xf32, #tpu.memory_space<vmem_shared>>) offsets(%dma_start3A_126 : memref<128xi32, #tpu.memory_space<vmem>>) semaphore(%run_scoped3A_123 : memref<!tpu.dma_semaphore, #tpu.memory_space<semaphore_mem>>) {add = true}
        %dma_wait3A_130 = arith.constant 0 : i32
        %dma_wait3A_131 = tpu.memref_slice %arg11[%run_scoped3A_122, %dma_wait3A_130] : memref<2x128xi32, #tpu.memory_space<vmem>> -> memref<1x128xi32, #tpu.memory_space<vmem>>
        %dma_wait3A_132 = tpu.memref_squeeze %dma_wait3A_131 : memref<1x128xi32, #tpu.memory_space<vmem>> -> memref<128xi32, #tpu.memory_space<vmem>>
        %dma_wait3A_133 = arith.constant 0 : i32
        %dma_wait3A_134 = arith.constant 0 : i32
        %dma_wait3A_135 = tpu.memref_slice %arg7[%dma_wait3A_133, %dma_wait3A_134] : memref<2048x128xf32, #tpu.memory_space<vmem_shared>> -> memref<2048x128xf32, #tpu.memory_space<vmem_shared>>
        tpu.wait_indirect_dma semaphore(%run_scoped3A_123 : memref<!tpu.dma_semaphore, #tpu.memory_space<semaphore_mem>>) src(%arg9 : memref<128x128xf32, #tpu.memory_space<vmem>>) dst(%dma_wait3A_135 : memref<2048x128xf32, #tpu.memory_space<vmem_shared>>)
        tpu.yield
      }) : () -> ()
    }
    %scan3A_38 = arith.constant 8 : i32
    %barrier3A_39 = arith.constant 0 : index
    tpu.barrier barrier_id(%barrier3A_39)
    %mul3A_40 = arith.constant 128 : i32
    %mul3A_41 = arith.muli %arg1, %mul3A_40 : i32
    %mul3A_42 = arith.constant 128 : i32
    %mul3A_43 = arith.muli %arg1, %mul3A_42 : i32
    %run_scoped3A_44 = arith.constant 1 : i32
    "tpu.region"() ({
      %run_scoped3A_93 = tpu.sem_alloc : memref<!tpu.dma_semaphore, #tpu.memory_space<semaphore_mem>>
      %dma_start3A_94 = arith.constant 0 : i32
      %dma_start3A_95 = tpu.memref_slice %arg6[%arg0, %run_scoped3A_44, %mul3A_43, %dma_start3A_94] : memref<2x4x2048x128xf32, #tpu.memory_space<hbm>> -> memref<1x1x128x128xf32, #tpu.memory_space<hbm>>
      %dma_start3A_96 = tpu.memref_squeeze %dma_start3A_95 : memref<1x1x128x128xf32, #tpu.memory_space<hbm>> -> memref<128x128xf32, #tpu.memory_space<hbm>>
      %dma_start3A_97 = arith.constant 0 : i32
      %dma_start3A_98 = tpu.memref_slice %arg7[%mul3A_41, %dma_start3A_97] : memref<2048x128xf32, #tpu.memory_space<vmem_shared>> -> memref<128x128xf32, #tpu.memory_space<vmem_shared>>
      tpu.enqueue_dma source(%dma_start3A_98 : memref<128x128xf32, #tpu.memory_space<vmem_shared>>) target(%dma_start3A_96 : memref<128x128xf32, #tpu.memory_space<hbm>>) target_semaphore(%run_scoped3A_93 : memref<!tpu.dma_semaphore, #tpu.memory_space<semaphore_mem>>)
      %dma_wait3A = arith.constant 0 : i32
      %dma_wait3A_99 = tpu.memref_slice %arg6[%arg0, %run_scoped3A_44, %mul3A_43, %dma_wait3A] : memref<2x4x2048x128xf32, #tpu.memory_space<hbm>> -> memref<1x1x128x128xf32, #tpu.memory_space<hbm>>
      %dma_wait3A_100 = tpu.memref_squeeze %dma_wait3A_99 : memref<1x1x128x128xf32, #tpu.memory_space<hbm>> -> memref<128x128xf32, #tpu.memory_space<hbm>>
      %dma_wait3A_101 = arith.constant 0 : i32
      %dma_wait3A_102 = tpu.memref_slice %arg7[%mul3A_41, %dma_wait3A_101] : memref<2048x128xf32, #tpu.memory_space<vmem_shared>> -> memref<128x128xf32, #tpu.memory_space<vmem_shared>>
      tpu.wait_dma2 semaphore(%run_scoped3A_93 : memref<!tpu.dma_semaphore, #tpu.memory_space<semaphore_mem>>) src(%dma_wait3A_102 : memref<128x128xf32, #tpu.memory_space<vmem_shared>>) dst(%dma_wait3A_100 : memref<128x128xf32, #tpu.memory_space<hbm>>)
      tpu.yield
    }) : () -> ()
    %mul3A_45 = arith.constant 128 : i32
    %mul3A_46 = arith.muli %arg1, %mul3A_45 : i32
    "tpu.region"() ({
      %run_scoped3A_93 = tpu.sem_alloc : memref<!tpu.dma_semaphore, #tpu.memory_space<semaphore_mem>>
      %dma_start3A_94 = arith.constant 0 : i32
      %dma_start3A_95 = tpu.memref_slice %arg7[%mul3A_46, %dma_start3A_94] : memref<2048x128xf32, #tpu.memory_space<vmem_shared>> -> memref<128x128xf32, #tpu.memory_space<vmem_shared>>
      tpu.enqueue_dma source(%arg4 : memref<128x128xf32, #tpu.memory_space<hbm>>) target(%dma_start3A_95 : memref<128x128xf32, #tpu.memory_space<vmem_shared>>) target_semaphore(%run_scoped3A_93 : memref<!tpu.dma_semaphore, #tpu.memory_space<semaphore_mem>>)
      %dma_wait3A = arith.constant 0 : i32
      %dma_wait3A_96 = tpu.memref_slice %arg7[%mul3A_46, %dma_wait3A] : memref<2048x128xf32, #tpu.memory_space<vmem_shared>> -> memref<128x128xf32, #tpu.memory_space<vmem_shared>>
      tpu.wait_dma2 semaphore(%run_scoped3A_93 : memref<!tpu.dma_semaphore, #tpu.memory_space<semaphore_mem>>) src(%arg4 : memref<128x128xf32, #tpu.memory_space<hbm>>) dst(%dma_wait3A_96 : memref<128x128xf32, #tpu.memory_space<vmem_shared>>)
      tpu.yield
    }) : () -> ()
    %barrier3A_47 = arith.constant 0 : index
    tpu.barrier barrier_id(%barrier3A_47)
    %run_scoped3A_48 = arith.constant 2 : i32
    %run_scoped3A_49 = arith.constant 0 : i32
    "tpu.region"() ({
      %run_scoped3A_93 = tpu.sem_alloc : memref<!tpu.dma_semaphore, #tpu.memory_space<semaphore_mem>>
      %dma_start3A_94 = arith.constant 0 : i32
      %dma_start3A_95 = arith.constant 0 : i32
      %dma_start3A_96 = tpu.memref_slice %arg3[%run_scoped3A_48, %add3A, %run_scoped3A_49, %dma_start3A_94, %dma_start3A_95] : memref<4x32x16x2x128xi32, #tpu.memory_space<hbm>> -> memref<1x1x1x2x128xi32, #tpu.memory_space<hbm>>
      %dma_start3A_97 = tpu.memref_squeeze %dma_start3A_96 : memref<1x1x1x2x128xi32, #tpu.memory_space<hbm>> -> memref<2x128xi32, #tpu.memory_space<hbm>>
      %dma_start3A_98 = arith.constant 0 : i32
      %dma_start3A_99 = arith.constant 0 : i32
      %dma_start3A_100 = tpu.memref_slice %arg3[%run_scoped3A_48, %add3A, %run_scoped3A_49, %dma_start3A_98, %dma_start3A_99] : memref<4x32x16x2x128xi32, #tpu.memory_space<hbm>> -> memref<1x1x1x2x128xi32, #tpu.memory_space<hbm>>
      %dma_start3A_101 = tpu.memref_squeeze %dma_start3A_100 : memref<1x1x1x2x128xi32, #tpu.memory_space<hbm>> -> memref<2x128xi32, #tpu.memory_space<hbm>>
      tpu.enqueue_dma source(%dma_start3A_101 : memref<2x128xi32, #tpu.memory_space<hbm>>) target(%arg10 : memref<2x128xi32, #tpu.memory_space<vmem>>) target_semaphore(%run_scoped3A_93 : memref<!tpu.dma_semaphore, #tpu.memory_space<semaphore_mem>>)
      %dma_wait3A = arith.constant 0 : i32
      %dma_wait3A_102 = arith.constant 0 : i32
      %dma_wait3A_103 = tpu.memref_slice %arg3[%run_scoped3A_48, %add3A, %run_scoped3A_49, %dma_wait3A, %dma_wait3A_102] : memref<4x32x16x2x128xi32, #tpu.memory_space<hbm>> -> memref<1x1x1x2x128xi32, #tpu.memory_space<hbm>>
      %dma_wait3A_104 = tpu.memref_squeeze %dma_wait3A_103 : memref<1x1x1x2x128xi32, #tpu.memory_space<hbm>> -> memref<2x128xi32, #tpu.memory_space<hbm>>
      %dma_wait3A_105 = arith.constant 0 : i32
      %dma_wait3A_106 = arith.constant 0 : i32
      %dma_wait3A_107 = tpu.memref_slice %arg3[%run_scoped3A_48, %add3A, %run_scoped3A_49, %dma_wait3A_105, %dma_wait3A_106] : memref<4x32x16x2x128xi32, #tpu.memory_space<hbm>> -> memref<1x1x1x2x128xi32, #tpu.memory_space<hbm>>
      %dma_wait3A_108 = tpu.memref_squeeze %dma_wait3A_107 : memref<1x1x1x2x128xi32, #tpu.memory_space<hbm>> -> memref<2x128xi32, #tpu.memory_space<hbm>>
      tpu.wait_dma2 semaphore(%run_scoped3A_93 : memref<!tpu.dma_semaphore, #tpu.memory_space<semaphore_mem>>) src(%dma_wait3A_108 : memref<2x128xi32, #tpu.memory_space<hbm>>) dst(%arg10 : memref<2x128xi32, #tpu.memory_space<vmem>>)
      tpu.yield
    }) : () -> ()
    %dma_start3A_50 = arith.constant 0 : i32
    %dma_start3A_51 = arith.constant 0 : i32
    %dma_start3A_52 = tpu.memref_slice %arg10[%dma_start3A_50, %dma_start3A_51] : memref<2x128xi32, #tpu.memory_space<vmem>> -> memref<1x128xi32, #tpu.memory_space<vmem>>
    %dma_start3A_53 = tpu.memref_squeeze %dma_start3A_52 : memref<1x128xi32, #tpu.memory_space<vmem>> -> memref<128xi32, #tpu.memory_space<vmem>>
    %dma_start3A_54 = arith.constant 0 : i32
    %dma_start3A_55 = arith.constant 0 : i32
    %dma_start3A_56 = tpu.memref_slice %arg2[%dma_start3A_54, %dma_start3A_55] : memref<8192x128xf32, #tpu.memory_space<hbm>> -> memref<8192x128xf32, #tpu.memory_space<hbm>>
    tpu.enqueue_indirect_dma source(%dma_start3A_56 : memref<8192x128xf32, #tpu.memory_space<hbm>>) target(%arg8 : memref<128x128xf32, #tpu.memory_space<vmem>>) offsets(%dma_start3A_53 : memref<128xi32, #tpu.memory_space<vmem>>) semaphore(%arg12 : memref<!tpu.dma_semaphore, #tpu.memory_space<semaphore_mem>>)
    %scan3A_57 = arith.constant 0 : i32
    %scan3A_58 = arith.constant 0 : i32
    %scan3A_59 = arith.constant 8 : i32
    %scan3A_60 = arith.addi %scan3A_58, %scan3A_59 : i32
    %scan3A_61 = arith.constant 1 : i32
    scf.for %scan3A_93 = %scan3A_58 to %scan3A_60 step %scan3A_61  : i32 {
      %mul3A_94 = arith.constant 2 : i32
      %mul3A_95 = arith.muli %mul3A_94, %scan3A_93 : i32
      %add3A_96 = arith.constant 1 : i32
      %add3A_97 = arith.addi %mul3A_95, %add3A_96 : i32
      %run_scoped3A_98 = arith.constant 2 : i32
      "tpu.region"() ({
        %run_scoped3A_123 = tpu.sem_alloc : memref<!tpu.dma_semaphore, #tpu.memory_space<semaphore_mem>>
        %dma_start3A_124 = arith.constant 0 : i32
        %dma_start3A_125 = arith.constant 0 : i32
        %dma_start3A_126 = tpu.memref_slice %arg3[%run_scoped3A_98, %add3A, %add3A_97, %dma_start3A_124, %dma_start3A_125] : memref<4x32x16x2x128xi32, #tpu.memory_space<hbm>> -> memref<1x1x1x2x128xi32, #tpu.memory_space<hbm>>
        %dma_start3A_127 = tpu.memref_squeeze %dma_start3A_126 : memref<1x1x1x2x128xi32, #tpu.memory_space<hbm>> -> memref<2x128xi32, #tpu.memory_space<hbm>>
        %dma_start3A_128 = arith.constant 0 : i32
        %dma_start3A_129 = arith.constant 0 : i32
        %dma_start3A_130 = tpu.memref_slice %arg3[%run_scoped3A_98, %add3A, %add3A_97, %dma_start3A_128, %dma_start3A_129] : memref<4x32x16x2x128xi32, #tpu.memory_space<hbm>> -> memref<1x1x1x2x128xi32, #tpu.memory_space<hbm>>
        %dma_start3A_131 = tpu.memref_squeeze %dma_start3A_130 : memref<1x1x1x2x128xi32, #tpu.memory_space<hbm>> -> memref<2x128xi32, #tpu.memory_space<hbm>>
        tpu.enqueue_dma source(%dma_start3A_131 : memref<2x128xi32, #tpu.memory_space<hbm>>) target(%arg11 : memref<2x128xi32, #tpu.memory_space<vmem>>) target_semaphore(%run_scoped3A_123 : memref<!tpu.dma_semaphore, #tpu.memory_space<semaphore_mem>>)
        %dma_wait3A_132 = arith.constant 0 : i32
        %dma_wait3A_133 = arith.constant 0 : i32
        %dma_wait3A_134 = tpu.memref_slice %arg3[%run_scoped3A_98, %add3A, %add3A_97, %dma_wait3A_132, %dma_wait3A_133] : memref<4x32x16x2x128xi32, #tpu.memory_space<hbm>> -> memref<1x1x1x2x128xi32, #tpu.memory_space<hbm>>
        %dma_wait3A_135 = tpu.memref_squeeze %dma_wait3A_134 : memref<1x1x1x2x128xi32, #tpu.memory_space<hbm>> -> memref<2x128xi32, #tpu.memory_space<hbm>>
        %dma_wait3A_136 = arith.constant 0 : i32
        %dma_wait3A_137 = arith.constant 0 : i32
        %dma_wait3A_138 = tpu.memref_slice %arg3[%run_scoped3A_98, %add3A, %add3A_97, %dma_wait3A_136, %dma_wait3A_137] : memref<4x32x16x2x128xi32, #tpu.memory_space<hbm>> -> memref<1x1x1x2x128xi32, #tpu.memory_space<hbm>>
        %dma_wait3A_139 = tpu.memref_squeeze %dma_wait3A_138 : memref<1x1x1x2x128xi32, #tpu.memory_space<hbm>> -> memref<2x128xi32, #tpu.memory_space<hbm>>
        tpu.wait_dma2 semaphore(%run_scoped3A_123 : memref<!tpu.dma_semaphore, #tpu.memory_space<semaphore_mem>>) src(%dma_wait3A_139 : memref<2x128xi32, #tpu.memory_space<hbm>>) dst(%arg11 : memref<2x128xi32, #tpu.memory_space<vmem>>)
        tpu.yield
      }) : () -> ()
      %dma_start3A_99 = arith.constant 0 : i32
      %dma_start3A_100 = arith.constant 0 : i32
      %dma_start3A_101 = tpu.memref_slice %arg11[%dma_start3A_99, %dma_start3A_100] : memref<2x128xi32, #tpu.memory_space<vmem>> -> memref<1x128xi32, #tpu.memory_space<vmem>>
      %dma_start3A_102 = tpu.memref_squeeze %dma_start3A_101 : memref<1x128xi32, #tpu.memory_space<vmem>> -> memref<128xi32, #tpu.memory_space<vmem>>
      %dma_start3A_103 = arith.constant 0 : i32
      %dma_start3A_104 = arith.constant 0 : i32
      %dma_start3A_105 = tpu.memref_slice %arg2[%dma_start3A_103, %dma_start3A_104] : memref<8192x128xf32, #tpu.memory_space<hbm>> -> memref<8192x128xf32, #tpu.memory_space<hbm>>
      tpu.enqueue_indirect_dma source(%dma_start3A_105 : memref<8192x128xf32, #tpu.memory_space<hbm>>) target(%arg9 : memref<128x128xf32, #tpu.memory_space<vmem>>) offsets(%dma_start3A_102 : memref<128xi32, #tpu.memory_space<vmem>>) semaphore(%arg13 : memref<!tpu.dma_semaphore, #tpu.memory_space<semaphore_mem>>)
      %dma_wait3A = arith.constant 0 : i32
      %dma_wait3A_106 = arith.constant 0 : i32
      %dma_wait3A_107 = tpu.memref_slice %arg10[%dma_wait3A, %dma_wait3A_106] : memref<2x128xi32, #tpu.memory_space<vmem>> -> memref<1x128xi32, #tpu.memory_space<vmem>>
      %dma_wait3A_108 = tpu.memref_squeeze %dma_wait3A_107 : memref<1x128xi32, #tpu.memory_space<vmem>> -> memref<128xi32, #tpu.memory_space<vmem>>
      %dma_wait3A_109 = arith.constant 0 : i32
      %dma_wait3A_110 = arith.constant 0 : i32
      %dma_wait3A_111 = tpu.memref_slice %arg2[%dma_wait3A_109, %dma_wait3A_110] : memref<8192x128xf32, #tpu.memory_space<hbm>> -> memref<8192x128xf32, #tpu.memory_space<hbm>>
      tpu.wait_indirect_dma semaphore(%arg12 : memref<!tpu.dma_semaphore, #tpu.memory_space<semaphore_mem>>) src(%dma_wait3A_111 : memref<8192x128xf32, #tpu.memory_space<hbm>>) dst(%arg8 : memref<128x128xf32, #tpu.memory_space<vmem>>)
      %run_scoped3A_112 = arith.constant 1 : i32
      "tpu.region"() ({
        %run_scoped3A_123 = tpu.sem_alloc : memref<!tpu.dma_semaphore, #tpu.memory_space<semaphore_mem>>
        %dma_start3A_124 = arith.constant 0 : i32
        %dma_start3A_125 = tpu.memref_slice %arg10[%run_scoped3A_112, %dma_start3A_124] : memref<2x128xi32, #tpu.memory_space<vmem>> -> memref<1x128xi32, #tpu.memory_space<vmem>>
        %dma_start3A_126 = tpu.memref_squeeze %dma_start3A_125 : memref<1x128xi32, #tpu.memory_space<vmem>> -> memref<128xi32, #tpu.memory_space<vmem>>
        %dma_start3A_127 = arith.constant 0 : i32
        %dma_start3A_128 = arith.constant 0 : i32
        %dma_start3A_129 = tpu.memref_slice %arg7[%dma_start3A_127, %dma_start3A_128] : memref<2048x128xf32, #tpu.memory_space<vmem_shared>> -> memref<2048x128xf32, #tpu.memory_space<vmem_shared>>
        tpu.enqueue_indirect_dma source(%arg8 : memref<128x128xf32, #tpu.memory_space<vmem>>) target(%dma_start3A_129 : memref<2048x128xf32, #tpu.memory_space<vmem_shared>>) offsets(%dma_start3A_126 : memref<128xi32, #tpu.memory_space<vmem>>) semaphore(%run_scoped3A_123 : memref<!tpu.dma_semaphore, #tpu.memory_space<semaphore_mem>>) {add = true}
        %dma_wait3A_130 = arith.constant 0 : i32
        %dma_wait3A_131 = tpu.memref_slice %arg10[%run_scoped3A_112, %dma_wait3A_130] : memref<2x128xi32, #tpu.memory_space<vmem>> -> memref<1x128xi32, #tpu.memory_space<vmem>>
        %dma_wait3A_132 = tpu.memref_squeeze %dma_wait3A_131 : memref<1x128xi32, #tpu.memory_space<vmem>> -> memref<128xi32, #tpu.memory_space<vmem>>
        %dma_wait3A_133 = arith.constant 0 : i32
        %dma_wait3A_134 = arith.constant 0 : i32
        %dma_wait3A_135 = tpu.memref_slice %arg7[%dma_wait3A_133, %dma_wait3A_134] : memref<2048x128xf32, #tpu.memory_space<vmem_shared>> -> memref<2048x128xf32, #tpu.memory_space<vmem_shared>>
        tpu.wait_indirect_dma semaphore(%run_scoped3A_123 : memref<!tpu.dma_semaphore, #tpu.memory_space<semaphore_mem>>) src(%arg8 : memref<128x128xf32, #tpu.memory_space<vmem>>) dst(%dma_wait3A_135 : memref<2048x128xf32, #tpu.memory_space<vmem_shared>>)
        tpu.yield
      }) : () -> ()
      %lt3A = arith.constant 7 : i32
      %lt3A_113 = arith.cmpi slt, %scan3A_93, %lt3A : i32
      %convert_element_type3A = arith.extui %lt3A_113 : i1 to i32
      %cond3A = arith.constant 0 : i32
      %cond3A_114 = arith.cmpi ne, %convert_element_type3A, %cond3A : i32
      scf.if %cond3A_114 {
        %add3A_123 = arith.constant 2 : i32
        %add3A_124 = arith.addi %mul3A_95, %add3A_123 : i32
        %run_scoped3A_125 = arith.constant 2 : i32
        "tpu.region"() ({
          %run_scoped3A_133 = tpu.sem_alloc : memref<!tpu.dma_semaphore, #tpu.memory_space<semaphore_mem>>
          %dma_start3A_134 = arith.constant 0 : i32
          %dma_start3A_135 = arith.constant 0 : i32
          %dma_start3A_136 = tpu.memref_slice %arg3[%run_scoped3A_125, %add3A, %add3A_124, %dma_start3A_134, %dma_start3A_135] : memref<4x32x16x2x128xi32, #tpu.memory_space<hbm>> -> memref<1x1x1x2x128xi32, #tpu.memory_space<hbm>>
          %dma_start3A_137 = tpu.memref_squeeze %dma_start3A_136 : memref<1x1x1x2x128xi32, #tpu.memory_space<hbm>> -> memref<2x128xi32, #tpu.memory_space<hbm>>
          %dma_start3A_138 = arith.constant 0 : i32
          %dma_start3A_139 = arith.constant 0 : i32
          %dma_start3A_140 = tpu.memref_slice %arg3[%run_scoped3A_125, %add3A, %add3A_124, %dma_start3A_138, %dma_start3A_139] : memref<4x32x16x2x128xi32, #tpu.memory_space<hbm>> -> memref<1x1x1x2x128xi32, #tpu.memory_space<hbm>>
          %dma_start3A_141 = tpu.memref_squeeze %dma_start3A_140 : memref<1x1x1x2x128xi32, #tpu.memory_space<hbm>> -> memref<2x128xi32, #tpu.memory_space<hbm>>
          tpu.enqueue_dma source(%dma_start3A_141 : memref<2x128xi32, #tpu.memory_space<hbm>>) target(%arg10 : memref<2x128xi32, #tpu.memory_space<vmem>>) target_semaphore(%run_scoped3A_133 : memref<!tpu.dma_semaphore, #tpu.memory_space<semaphore_mem>>)
          %dma_wait3A_142 = arith.constant 0 : i32
          %dma_wait3A_143 = arith.constant 0 : i32
          %dma_wait3A_144 = tpu.memref_slice %arg3[%run_scoped3A_125, %add3A, %add3A_124, %dma_wait3A_142, %dma_wait3A_143] : memref<4x32x16x2x128xi32, #tpu.memory_space<hbm>> -> memref<1x1x1x2x128xi32, #tpu.memory_space<hbm>>
          %dma_wait3A_145 = tpu.memref_squeeze %dma_wait3A_144 : memref<1x1x1x2x128xi32, #tpu.memory_space<hbm>> -> memref<2x128xi32, #tpu.memory_space<hbm>>
          %dma_wait3A_146 = arith.constant 0 : i32
          %dma_wait3A_147 = arith.constant 0 : i32
          %dma_wait3A_148 = tpu.memref_slice %arg3[%run_scoped3A_125, %add3A, %add3A_124, %dma_wait3A_146, %dma_wait3A_147] : memref<4x32x16x2x128xi32, #tpu.memory_space<hbm>> -> memref<1x1x1x2x128xi32, #tpu.memory_space<hbm>>
          %dma_wait3A_149 = tpu.memref_squeeze %dma_wait3A_148 : memref<1x1x1x2x128xi32, #tpu.memory_space<hbm>> -> memref<2x128xi32, #tpu.memory_space<hbm>>
          tpu.wait_dma2 semaphore(%run_scoped3A_133 : memref<!tpu.dma_semaphore, #tpu.memory_space<semaphore_mem>>) src(%dma_wait3A_149 : memref<2x128xi32, #tpu.memory_space<hbm>>) dst(%arg10 : memref<2x128xi32, #tpu.memory_space<vmem>>)
          tpu.yield
        }) : () -> ()
        %dma_start3A_126 = arith.constant 0 : i32
        %dma_start3A_127 = arith.constant 0 : i32
        %dma_start3A_128 = tpu.memref_slice %arg10[%dma_start3A_126, %dma_start3A_127] : memref<2x128xi32, #tpu.memory_space<vmem>> -> memref<1x128xi32, #tpu.memory_space<vmem>>
        %dma_start3A_129 = tpu.memref_squeeze %dma_start3A_128 : memref<1x128xi32, #tpu.memory_space<vmem>> -> memref<128xi32, #tpu.memory_space<vmem>>
        %dma_start3A_130 = arith.constant 0 : i32
        %dma_start3A_131 = arith.constant 0 : i32
        %dma_start3A_132 = tpu.memref_slice %arg2[%dma_start3A_130, %dma_start3A_131] : memref<8192x128xf32, #tpu.memory_space<hbm>> -> memref<8192x128xf32, #tpu.memory_space<hbm>>
        tpu.enqueue_indirect_dma source(%dma_start3A_132 : memref<8192x128xf32, #tpu.memory_space<hbm>>) target(%arg8 : memref<128x128xf32, #tpu.memory_space<vmem>>) offsets(%dma_start3A_129 : memref<128xi32, #tpu.memory_space<vmem>>) semaphore(%arg12 : memref<!tpu.dma_semaphore, #tpu.memory_space<semaphore_mem>>)
      } else {
      }
      %dma_wait3A_115 = arith.constant 0 : i32
      %dma_wait3A_116 = arith.constant 0 : i32
      %dma_wait3A_117 = tpu.memref_slice %arg11[%dma_wait3A_115, %dma_wait3A_116] : memref<2x128xi32, #tpu.memory_space<vmem>> -> memref<1x128xi32, #tpu.memory_space<vmem>>
      %dma_wait3A_118 = tpu.memref_squeeze %dma_wait3A_117 : memref<1x128xi32, #tpu.memory_space<vmem>> -> memref<128xi32, #tpu.memory_space<vmem>>
      %dma_wait3A_119 = arith.constant 0 : i32
      %dma_wait3A_120 = arith.constant 0 : i32
      %dma_wait3A_121 = tpu.memref_slice %arg2[%dma_wait3A_119, %dma_wait3A_120] : memref<8192x128xf32, #tpu.memory_space<hbm>> -> memref<8192x128xf32, #tpu.memory_space<hbm>>
      tpu.wait_indirect_dma semaphore(%arg13 : memref<!tpu.dma_semaphore, #tpu.memory_space<semaphore_mem>>) src(%dma_wait3A_121 : memref<8192x128xf32, #tpu.memory_space<hbm>>) dst(%arg9 : memref<128x128xf32, #tpu.memory_space<vmem>>)
      %run_scoped3A_122 = arith.constant 1 : i32
      "tpu.region"() ({
        %run_scoped3A_123 = tpu.sem_alloc : memref<!tpu.dma_semaphore, #tpu.memory_space<semaphore_mem>>
        %dma_start3A_124 = arith.constant 0 : i32
        %dma_start3A_125 = tpu.memref_slice %arg11[%run_scoped3A_122, %dma_start3A_124] : memref<2x128xi32, #tpu.memory_space<vmem>> -> memref<1x128xi32, #tpu.memory_space<vmem>>
        %dma_start3A_126 = tpu.memref_squeeze %dma_start3A_125 : memref<1x128xi32, #tpu.memory_space<vmem>> -> memref<128xi32, #tpu.memory_space<vmem>>
        %dma_start3A_127 = arith.constant 0 : i32
        %dma_start3A_128 = arith.constant 0 : i32
        %dma_start3A_129 = tpu.memref_slice %arg7[%dma_start3A_127, %dma_start3A_128] : memref<2048x128xf32, #tpu.memory_space<vmem_shared>> -> memref<2048x128xf32, #tpu.memory_space<vmem_shared>>
        tpu.enqueue_indirect_dma source(%arg9 : memref<128x128xf32, #tpu.memory_space<vmem>>) target(%dma_start3A_129 : memref<2048x128xf32, #tpu.memory_space<vmem_shared>>) offsets(%dma_start3A_126 : memref<128xi32, #tpu.memory_space<vmem>>) semaphore(%run_scoped3A_123 : memref<!tpu.dma_semaphore, #tpu.memory_space<semaphore_mem>>) {add = true}
        %dma_wait3A_130 = arith.constant 0 : i32
        %dma_wait3A_131 = tpu.memref_slice %arg11[%run_scoped3A_122, %dma_wait3A_130] : memref<2x128xi32, #tpu.memory_space<vmem>> -> memref<1x128xi32, #tpu.memory_space<vmem>>
        %dma_wait3A_132 = tpu.memref_squeeze %dma_wait3A_131 : memref<1x128xi32, #tpu.memory_space<vmem>> -> memref<128xi32, #tpu.memory_space<vmem>>
        %dma_wait3A_133 = arith.constant 0 : i32
        %dma_wait3A_134 = arith.constant 0 : i32
        %dma_wait3A_135 = tpu.memref_slice %arg7[%dma_wait3A_133, %dma_wait3A_134] : memref<2048x128xf32, #tpu.memory_space<vmem_shared>> -> memref<2048x128xf32, #tpu.memory_space<vmem_shared>>
        tpu.wait_indirect_dma semaphore(%run_scoped3A_123 : memref<!tpu.dma_semaphore, #tpu.memory_space<semaphore_mem>>) src(%arg9 : memref<128x128xf32, #tpu.memory_space<vmem>>) dst(%dma_wait3A_135 : memref<2048x128xf32, #tpu.memory_space<vmem_shared>>)
        tpu.yield
      }) : () -> ()
    }
    %scan3A_62 = arith.constant 8 : i32
    %barrier3A_63 = arith.constant 0 : index
    tpu.barrier barrier_id(%barrier3A_63)
    %mul3A_64 = arith.constant 128 : i32
    %mul3A_65 = arith.muli %arg1, %mul3A_64 : i32
    %mul3A_66 = arith.constant 128 : i32
    %mul3A_67 = arith.muli %arg1, %mul3A_66 : i32
    %run_scoped3A_68 = arith.constant 2 : i32
    "tpu.region"() ({
      %run_scoped3A_93 = tpu.sem_alloc : memref<!tpu.dma_semaphore, #tpu.memory_space<semaphore_mem>>
      %dma_start3A_94 = arith.constant 0 : i32
      %dma_start3A_95 = tpu.memref_slice %arg6[%arg0, %run_scoped3A_68, %mul3A_67, %dma_start3A_94] : memref<2x4x2048x128xf32, #tpu.memory_space<hbm>> -> memref<1x1x128x128xf32, #tpu.memory_space<hbm>>
      %dma_start3A_96 = tpu.memref_squeeze %dma_start3A_95 : memref<1x1x128x128xf32, #tpu.memory_space<hbm>> -> memref<128x128xf32, #tpu.memory_space<hbm>>
      %dma_start3A_97 = arith.constant 0 : i32
      %dma_start3A_98 = tpu.memref_slice %arg7[%mul3A_65, %dma_start3A_97] : memref<2048x128xf32, #tpu.memory_space<vmem_shared>> -> memref<128x128xf32, #tpu.memory_space<vmem_shared>>
      tpu.enqueue_dma source(%dma_start3A_98 : memref<128x128xf32, #tpu.memory_space<vmem_shared>>) target(%dma_start3A_96 : memref<128x128xf32, #tpu.memory_space<hbm>>) target_semaphore(%run_scoped3A_93 : memref<!tpu.dma_semaphore, #tpu.memory_space<semaphore_mem>>)
      %dma_wait3A = arith.constant 0 : i32
      %dma_wait3A_99 = tpu.memref_slice %arg6[%arg0, %run_scoped3A_68, %mul3A_67, %dma_wait3A] : memref<2x4x2048x128xf32, #tpu.memory_space<hbm>> -> memref<1x1x128x128xf32, #tpu.memory_space<hbm>>
      %dma_wait3A_100 = tpu.memref_squeeze %dma_wait3A_99 : memref<1x1x128x128xf32, #tpu.memory_space<hbm>> -> memref<128x128xf32, #tpu.memory_space<hbm>>
      %dma_wait3A_101 = arith.constant 0 : i32
      %dma_wait3A_102 = tpu.memref_slice %arg7[%mul3A_65, %dma_wait3A_101] : memref<2048x128xf32, #tpu.memory_space<vmem_shared>> -> memref<128x128xf32, #tpu.memory_space<vmem_shared>>
      tpu.wait_dma2 semaphore(%run_scoped3A_93 : memref<!tpu.dma_semaphore, #tpu.memory_space<semaphore_mem>>) src(%dma_wait3A_102 : memref<128x128xf32, #tpu.memory_space<vmem_shared>>) dst(%dma_wait3A_100 : memref<128x128xf32, #tpu.memory_space<hbm>>)
      tpu.yield
    }) : () -> ()
    %mul3A_69 = arith.constant 128 : i32
    %mul3A_70 = arith.muli %arg1, %mul3A_69 : i32
    "tpu.region"() ({
      %run_scoped3A_93 = tpu.sem_alloc : memref<!tpu.dma_semaphore, #tpu.memory_space<semaphore_mem>>
      %dma_start3A_94 = arith.constant 0 : i32
      %dma_start3A_95 = tpu.memref_slice %arg7[%mul3A_70, %dma_start3A_94] : memref<2048x128xf32, #tpu.memory_space<vmem_shared>> -> memref<128x128xf32, #tpu.memory_space<vmem_shared>>
      tpu.enqueue_dma source(%arg4 : memref<128x128xf32, #tpu.memory_space<hbm>>) target(%dma_start3A_95 : memref<128x128xf32, #tpu.memory_space<vmem_shared>>) target_semaphore(%run_scoped3A_93 : memref<!tpu.dma_semaphore, #tpu.memory_space<semaphore_mem>>)
      %dma_wait3A = arith.constant 0 : i32
      %dma_wait3A_96 = tpu.memref_slice %arg7[%mul3A_70, %dma_wait3A] : memref<2048x128xf32, #tpu.memory_space<vmem_shared>> -> memref<128x128xf32, #tpu.memory_space<vmem_shared>>
      tpu.wait_dma2 semaphore(%run_scoped3A_93 : memref<!tpu.dma_semaphore, #tpu.memory_space<semaphore_mem>>) src(%arg4 : memref<128x128xf32, #tpu.memory_space<hbm>>) dst(%dma_wait3A_96 : memref<128x128xf32, #tpu.memory_space<vmem_shared>>)
      tpu.yield
    }) : () -> ()
    %barrier3A_71 = arith.constant 0 : index
    tpu.barrier barrier_id(%barrier3A_71)
    %run_scoped3A_72 = arith.constant 3 : i32
    %run_scoped3A_73 = arith.constant 0 : i32
    "tpu.region"() ({
      %run_scoped3A_93 = tpu.sem_alloc : memref<!tpu.dma_semaphore, #tpu.memory_space<semaphore_mem>>
      %dma_start3A_94 = arith.constant 0 : i32
      %dma_start3A_95 = arith.constant 0 : i32
      %dma_start3A_96 = tpu.memref_slice %arg3[%run_scoped3A_72, %add3A, %run_scoped3A_73, %dma_start3A_94, %dma_start3A_95] : memref<4x32x16x2x128xi32, #tpu.memory_space<hbm>> -> memref<1x1x1x2x128xi32, #tpu.memory_space<hbm>>
      %dma_start3A_97 = tpu.memref_squeeze %dma_start3A_96 : memref<1x1x1x2x128xi32, #tpu.memory_space<hbm>> -> memref<2x128xi32, #tpu.memory_space<hbm>>
      %dma_start3A_98 = arith.constant 0 : i32
      %dma_start3A_99 = arith.constant 0 : i32
      %dma_start3A_100 = tpu.memref_slice %arg3[%run_scoped3A_72, %add3A, %run_scoped3A_73, %dma_start3A_98, %dma_start3A_99] : memref<4x32x16x2x128xi32, #tpu.memory_space<hbm>> -> memref<1x1x1x2x128xi32, #tpu.memory_space<hbm>>
      %dma_start3A_101 = tpu.memref_squeeze %dma_start3A_100 : memref<1x1x1x2x128xi32, #tpu.memory_space<hbm>> -> memref<2x128xi32, #tpu.memory_space<hbm>>
      tpu.enqueue_dma source(%dma_start3A_101 : memref<2x128xi32, #tpu.memory_space<hbm>>) target(%arg10 : memref<2x128xi32, #tpu.memory_space<vmem>>) target_semaphore(%run_scoped3A_93 : memref<!tpu.dma_semaphore, #tpu.memory_space<semaphore_mem>>)
      %dma_wait3A = arith.constant 0 : i32
      %dma_wait3A_102 = arith.constant 0 : i32
      %dma_wait3A_103 = tpu.memref_slice %arg3[%run_scoped3A_72, %add3A, %run_scoped3A_73, %dma_wait3A, %dma_wait3A_102] : memref<4x32x16x2x128xi32, #tpu.memory_space<hbm>> -> memref<1x1x1x2x128xi32, #tpu.memory_space<hbm>>
      %dma_wait3A_104 = tpu.memref_squeeze %dma_wait3A_103 : memref<1x1x1x2x128xi32, #tpu.memory_space<hbm>> -> memref<2x128xi32, #tpu.memory_space<hbm>>
      %dma_wait3A_105 = arith.constant 0 : i32
      %dma_wait3A_106 = arith.constant 0 : i32
      %dma_wait3A_107 = tpu.memref_slice %arg3[%run_scoped3A_72, %add3A, %run_scoped3A_73, %dma_wait3A_105, %dma_wait3A_106] : memref<4x32x16x2x128xi32, #tpu.memory_space<hbm>> -> memref<1x1x1x2x128xi32, #tpu.memory_space<hbm>>
      %dma_wait3A_108 = tpu.memref_squeeze %dma_wait3A_107 : memref<1x1x1x2x128xi32, #tpu.memory_space<hbm>> -> memref<2x128xi32, #tpu.memory_space<hbm>>
      tpu.wait_dma2 semaphore(%run_scoped3A_93 : memref<!tpu.dma_semaphore, #tpu.memory_space<semaphore_mem>>) src(%dma_wait3A_108 : memref<2x128xi32, #tpu.memory_space<hbm>>) dst(%arg10 : memref<2x128xi32, #tpu.memory_space<vmem>>)
      tpu.yield
    }) : () -> ()
    %dma_start3A_74 = arith.constant 0 : i32
    %dma_start3A_75 = arith.constant 0 : i32
    %dma_start3A_76 = tpu.memref_slice %arg10[%dma_start3A_74, %dma_start3A_75] : memref<2x128xi32, #tpu.memory_space<vmem>> -> memref<1x128xi32, #tpu.memory_space<vmem>>
    %dma_start3A_77 = tpu.memref_squeeze %dma_start3A_76 : memref<1x128xi32, #tpu.memory_space<vmem>> -> memref<128xi32, #tpu.memory_space<vmem>>
    %dma_start3A_78 = arith.constant 0 : i32
    %dma_start3A_79 = arith.constant 0 : i32
    %dma_start3A_80 = tpu.memref_slice %arg2[%dma_start3A_78, %dma_start3A_79] : memref<8192x128xf32, #tpu.memory_space<hbm>> -> memref<8192x128xf32, #tpu.memory_space<hbm>>
    tpu.enqueue_indirect_dma source(%dma_start3A_80 : memref<8192x128xf32, #tpu.memory_space<hbm>>) target(%arg8 : memref<128x128xf32, #tpu.memory_space<vmem>>) offsets(%dma_start3A_77 : memref<128xi32, #tpu.memory_space<vmem>>) semaphore(%arg12 : memref<!tpu.dma_semaphore, #tpu.memory_space<semaphore_mem>>)
    %scan3A_81 = arith.constant 0 : i32
    %scan3A_82 = arith.constant 0 : i32
    %scan3A_83 = arith.constant 8 : i32
    %scan3A_84 = arith.addi %scan3A_82, %scan3A_83 : i32
    %scan3A_85 = arith.constant 1 : i32
    scf.for %scan3A_93 = %scan3A_82 to %scan3A_84 step %scan3A_85  : i32 {
      %mul3A_94 = arith.constant 2 : i32
      %mul3A_95 = arith.muli %mul3A_94, %scan3A_93 : i32
      %add3A_96 = arith.constant 1 : i32
      %add3A_97 = arith.addi %mul3A_95, %add3A_96 : i32
      %run_scoped3A_98 = arith.constant 3 : i32
      "tpu.region"() ({
        %run_scoped3A_123 = tpu.sem_alloc : memref<!tpu.dma_semaphore, #tpu.memory_space<semaphore_mem>>
        %dma_start3A_124 = arith.constant 0 : i32
        %dma_start3A_125 = arith.constant 0 : i32
        %dma_start3A_126 = tpu.memref_slice %arg3[%run_scoped3A_98, %add3A, %add3A_97, %dma_start3A_124, %dma_start3A_125] : memref<4x32x16x2x128xi32, #tpu.memory_space<hbm>> -> memref<1x1x1x2x128xi32, #tpu.memory_space<hbm>>
        %dma_start3A_127 = tpu.memref_squeeze %dma_start3A_126 : memref<1x1x1x2x128xi32, #tpu.memory_space<hbm>> -> memref<2x128xi32, #tpu.memory_space<hbm>>
        %dma_start3A_128 = arith.constant 0 : i32
        %dma_start3A_129 = arith.constant 0 : i32
        %dma_start3A_130 = tpu.memref_slice %arg3[%run_scoped3A_98, %add3A, %add3A_97, %dma_start3A_128, %dma_start3A_129] : memref<4x32x16x2x128xi32, #tpu.memory_space<hbm>> -> memref<1x1x1x2x128xi32, #tpu.memory_space<hbm>>
        %dma_start3A_131 = tpu.memref_squeeze %dma_start3A_130 : memref<1x1x1x2x128xi32, #tpu.memory_space<hbm>> -> memref<2x128xi32, #tpu.memory_space<hbm>>
        tpu.enqueue_dma source(%dma_start3A_131 : memref<2x128xi32, #tpu.memory_space<hbm>>) target(%arg11 : memref<2x128xi32, #tpu.memory_space<vmem>>) target_semaphore(%run_scoped3A_123 : memref<!tpu.dma_semaphore, #tpu.memory_space<semaphore_mem>>)
        %dma_wait3A_132 = arith.constant 0 : i32
        %dma_wait3A_133 = arith.constant 0 : i32
        %dma_wait3A_134 = tpu.memref_slice %arg3[%run_scoped3A_98, %add3A, %add3A_97, %dma_wait3A_132, %dma_wait3A_133] : memref<4x32x16x2x128xi32, #tpu.memory_space<hbm>> -> memref<1x1x1x2x128xi32, #tpu.memory_space<hbm>>
        %dma_wait3A_135 = tpu.memref_squeeze %dma_wait3A_134 : memref<1x1x1x2x128xi32, #tpu.memory_space<hbm>> -> memref<2x128xi32, #tpu.memory_space<hbm>>
        %dma_wait3A_136 = arith.constant 0 : i32
        %dma_wait3A_137 = arith.constant 0 : i32
        %dma_wait3A_138 = tpu.memref_slice %arg3[%run_scoped3A_98, %add3A, %add3A_97, %dma_wait3A_136, %dma_wait3A_137] : memref<4x32x16x2x128xi32, #tpu.memory_space<hbm>> -> memref<1x1x1x2x128xi32, #tpu.memory_space<hbm>>
        %dma_wait3A_139 = tpu.memref_squeeze %dma_wait3A_138 : memref<1x1x1x2x128xi32, #tpu.memory_space<hbm>> -> memref<2x128xi32, #tpu.memory_space<hbm>>
        tpu.wait_dma2 semaphore(%run_scoped3A_123 : memref<!tpu.dma_semaphore, #tpu.memory_space<semaphore_mem>>) src(%dma_wait3A_139 : memref<2x128xi32, #tpu.memory_space<hbm>>) dst(%arg11 : memref<2x128xi32, #tpu.memory_space<vmem>>)
        tpu.yield
      }) : () -> ()
      %dma_start3A_99 = arith.constant 0 : i32
      %dma_start3A_100 = arith.constant 0 : i32
      %dma_start3A_101 = tpu.memref_slice %arg11[%dma_start3A_99, %dma_start3A_100] : memref<2x128xi32, #tpu.memory_space<vmem>> -> memref<1x128xi32, #tpu.memory_space<vmem>>
      %dma_start3A_102 = tpu.memref_squeeze %dma_start3A_101 : memref<1x128xi32, #tpu.memory_space<vmem>> -> memref<128xi32, #tpu.memory_space<vmem>>
      %dma_start3A_103 = arith.constant 0 : i32
      %dma_start3A_104 = arith.constant 0 : i32
      %dma_start3A_105 = tpu.memref_slice %arg2[%dma_start3A_103, %dma_start3A_104] : memref<8192x128xf32, #tpu.memory_space<hbm>> -> memref<8192x128xf32, #tpu.memory_space<hbm>>
      tpu.enqueue_indirect_dma source(%dma_start3A_105 : memref<8192x128xf32, #tpu.memory_space<hbm>>) target(%arg9 : memref<128x128xf32, #tpu.memory_space<vmem>>) offsets(%dma_start3A_102 : memref<128xi32, #tpu.memory_space<vmem>>) semaphore(%arg13 : memref<!tpu.dma_semaphore, #tpu.memory_space<semaphore_mem>>)
      %dma_wait3A = arith.constant 0 : i32
      %dma_wait3A_106 = arith.constant 0 : i32
      %dma_wait3A_107 = tpu.memref_slice %arg10[%dma_wait3A, %dma_wait3A_106] : memref<2x128xi32, #tpu.memory_space<vmem>> -> memref<1x128xi32, #tpu.memory_space<vmem>>
      %dma_wait3A_108 = tpu.memref_squeeze %dma_wait3A_107 : memref<1x128xi32, #tpu.memory_space<vmem>> -> memref<128xi32, #tpu.memory_space<vmem>>
      %dma_wait3A_109 = arith.constant 0 : i32
      %dma_wait3A_110 = arith.constant 0 : i32
      %dma_wait3A_111 = tpu.memref_slice %arg2[%dma_wait3A_109, %dma_wait3A_110] : memref<8192x128xf32, #tpu.memory_space<hbm>> -> memref<8192x128xf32, #tpu.memory_space<hbm>>
      tpu.wait_indirect_dma semaphore(%arg12 : memref<!tpu.dma_semaphore, #tpu.memory_space<semaphore_mem>>) src(%dma_wait3A_111 : memref<8192x128xf32, #tpu.memory_space<hbm>>) dst(%arg8 : memref<128x128xf32, #tpu.memory_space<vmem>>)
      %run_scoped3A_112 = arith.constant 1 : i32
      "tpu.region"() ({
        %run_scoped3A_123 = tpu.sem_alloc : memref<!tpu.dma_semaphore, #tpu.memory_space<semaphore_mem>>
        %dma_start3A_124 = arith.constant 0 : i32
        %dma_start3A_125 = tpu.memref_slice %arg10[%run_scoped3A_112, %dma_start3A_124] : memref<2x128xi32, #tpu.memory_space<vmem>> -> memref<1x128xi32, #tpu.memory_space<vmem>>
        %dma_start3A_126 = tpu.memref_squeeze %dma_start3A_125 : memref<1x128xi32, #tpu.memory_space<vmem>> -> memref<128xi32, #tpu.memory_space<vmem>>
        %dma_start3A_127 = arith.constant 0 : i32
        %dma_start3A_128 = arith.constant 0 : i32
        %dma_start3A_129 = tpu.memref_slice %arg7[%dma_start3A_127, %dma_start3A_128] : memref<2048x128xf32, #tpu.memory_space<vmem_shared>> -> memref<2048x128xf32, #tpu.memory_space<vmem_shared>>
        tpu.enqueue_indirect_dma source(%arg8 : memref<128x128xf32, #tpu.memory_space<vmem>>) target(%dma_start3A_129 : memref<2048x128xf32, #tpu.memory_space<vmem_shared>>) offsets(%dma_start3A_126 : memref<128xi32, #tpu.memory_space<vmem>>) semaphore(%run_scoped3A_123 : memref<!tpu.dma_semaphore, #tpu.memory_space<semaphore_mem>>) {add = true}
        %dma_wait3A_130 = arith.constant 0 : i32
        %dma_wait3A_131 = tpu.memref_slice %arg10[%run_scoped3A_112, %dma_wait3A_130] : memref<2x128xi32, #tpu.memory_space<vmem>> -> memref<1x128xi32, #tpu.memory_space<vmem>>
        %dma_wait3A_132 = tpu.memref_squeeze %dma_wait3A_131 : memref<1x128xi32, #tpu.memory_space<vmem>> -> memref<128xi32, #tpu.memory_space<vmem>>
        %dma_wait3A_133 = arith.constant 0 : i32
        %dma_wait3A_134 = arith.constant 0 : i32
        %dma_wait3A_135 = tpu.memref_slice %arg7[%dma_wait3A_133, %dma_wait3A_134] : memref<2048x128xf32, #tpu.memory_space<vmem_shared>> -> memref<2048x128xf32, #tpu.memory_space<vmem_shared>>
        tpu.wait_indirect_dma semaphore(%run_scoped3A_123 : memref<!tpu.dma_semaphore, #tpu.memory_space<semaphore_mem>>) src(%arg8 : memref<128x128xf32, #tpu.memory_space<vmem>>) dst(%dma_wait3A_135 : memref<2048x128xf32, #tpu.memory_space<vmem_shared>>)
        tpu.yield
      }) : () -> ()
      %lt3A = arith.constant 7 : i32
      %lt3A_113 = arith.cmpi slt, %scan3A_93, %lt3A : i32
      %convert_element_type3A = arith.extui %lt3A_113 : i1 to i32
      %cond3A = arith.constant 0 : i32
      %cond3A_114 = arith.cmpi ne, %convert_element_type3A, %cond3A : i32
      scf.if %cond3A_114 {
        %add3A_123 = arith.constant 2 : i32
        %add3A_124 = arith.addi %mul3A_95, %add3A_123 : i32
        %run_scoped3A_125 = arith.constant 3 : i32
        "tpu.region"() ({
          %run_scoped3A_133 = tpu.sem_alloc : memref<!tpu.dma_semaphore, #tpu.memory_space<semaphore_mem>>
          %dma_start3A_134 = arith.constant 0 : i32
          %dma_start3A_135 = arith.constant 0 : i32
          %dma_start3A_136 = tpu.memref_slice %arg3[%run_scoped3A_125, %add3A, %add3A_124, %dma_start3A_134, %dma_start3A_135] : memref<4x32x16x2x128xi32, #tpu.memory_space<hbm>> -> memref<1x1x1x2x128xi32, #tpu.memory_space<hbm>>
          %dma_start3A_137 = tpu.memref_squeeze %dma_start3A_136 : memref<1x1x1x2x128xi32, #tpu.memory_space<hbm>> -> memref<2x128xi32, #tpu.memory_space<hbm>>
          %dma_start3A_138 = arith.constant 0 : i32
          %dma_start3A_139 = arith.constant 0 : i32
          %dma_start3A_140 = tpu.memref_slice %arg3[%run_scoped3A_125, %add3A, %add3A_124, %dma_start3A_138, %dma_start3A_139] : memref<4x32x16x2x128xi32, #tpu.memory_space<hbm>> -> memref<1x1x1x2x128xi32, #tpu.memory_space<hbm>>
          %dma_start3A_141 = tpu.memref_squeeze %dma_start3A_140 : memref<1x1x1x2x128xi32, #tpu.memory_space<hbm>> -> memref<2x128xi32, #tpu.memory_space<hbm>>
          tpu.enqueue_dma source(%dma_start3A_141 : memref<2x128xi32, #tpu.memory_space<hbm>>) target(%arg10 : memref<2x128xi32, #tpu.memory_space<vmem>>) target_semaphore(%run_scoped3A_133 : memref<!tpu.dma_semaphore, #tpu.memory_space<semaphore_mem>>)
          %dma_wait3A_142 = arith.constant 0 : i32
          %dma_wait3A_143 = arith.constant 0 : i32
          %dma_wait3A_144 = tpu.memref_slice %arg3[%run_scoped3A_125, %add3A, %add3A_124, %dma_wait3A_142, %dma_wait3A_143] : memref<4x32x16x2x128xi32, #tpu.memory_space<hbm>> -> memref<1x1x1x2x128xi32, #tpu.memory_space<hbm>>
          %dma_wait3A_145 = tpu.memref_squeeze %dma_wait3A_144 : memref<1x1x1x2x128xi32, #tpu.memory_space<hbm>> -> memref<2x128xi32, #tpu.memory_space<hbm>>
          %dma_wait3A_146 = arith.constant 0 : i32
          %dma_wait3A_147 = arith.constant 0 : i32
          %dma_wait3A_148 = tpu.memref_slice %arg3[%run_scoped3A_125, %add3A, %add3A_124, %dma_wait3A_146, %dma_wait3A_147] : memref<4x32x16x2x128xi32, #tpu.memory_space<hbm>> -> memref<1x1x1x2x128xi32, #tpu.memory_space<hbm>>
          %dma_wait3A_149 = tpu.memref_squeeze %dma_wait3A_148 : memref<1x1x1x2x128xi32, #tpu.memory_space<hbm>> -> memref<2x128xi32, #tpu.memory_space<hbm>>
          tpu.wait_dma2 semaphore(%run_scoped3A_133 : memref<!tpu.dma_semaphore, #tpu.memory_space<semaphore_mem>>) src(%dma_wait3A_149 : memref<2x128xi32, #tpu.memory_space<hbm>>) dst(%arg10 : memref<2x128xi32, #tpu.memory_space<vmem>>)
          tpu.yield
        }) : () -> ()
        %dma_start3A_126 = arith.constant 0 : i32
        %dma_start3A_127 = arith.constant 0 : i32
        %dma_start3A_128 = tpu.memref_slice %arg10[%dma_start3A_126, %dma_start3A_127] : memref<2x128xi32, #tpu.memory_space<vmem>> -> memref<1x128xi32, #tpu.memory_space<vmem>>
        %dma_start3A_129 = tpu.memref_squeeze %dma_start3A_128 : memref<1x128xi32, #tpu.memory_space<vmem>> -> memref<128xi32, #tpu.memory_space<vmem>>
        %dma_start3A_130 = arith.constant 0 : i32
        %dma_start3A_131 = arith.constant 0 : i32
        %dma_start3A_132 = tpu.memref_slice %arg2[%dma_start3A_130, %dma_start3A_131] : memref<8192x128xf32, #tpu.memory_space<hbm>> -> memref<8192x128xf32, #tpu.memory_space<hbm>>
        tpu.enqueue_indirect_dma source(%dma_start3A_132 : memref<8192x128xf32, #tpu.memory_space<hbm>>) target(%arg8 : memref<128x128xf32, #tpu.memory_space<vmem>>) offsets(%dma_start3A_129 : memref<128xi32, #tpu.memory_space<vmem>>) semaphore(%arg12 : memref<!tpu.dma_semaphore, #tpu.memory_space<semaphore_mem>>)
      } else {
      }
      %dma_wait3A_115 = arith.constant 0 : i32
      %dma_wait3A_116 = arith.constant 0 : i32
      %dma_wait3A_117 = tpu.memref_slice %arg11[%dma_wait3A_115, %dma_wait3A_116] : memref<2x128xi32, #tpu.memory_space<vmem>> -> memref<1x128xi32, #tpu.memory_space<vmem>>
      %dma_wait3A_118 = tpu.memref_squeeze %dma_wait3A_117 : memref<1x128xi32, #tpu.memory_space<vmem>> -> memref<128xi32, #tpu.memory_space<vmem>>
      %dma_wait3A_119 = arith.constant 0 : i32
      %dma_wait3A_120 = arith.constant 0 : i32
      %dma_wait3A_121 = tpu.memref_slice %arg2[%dma_wait3A_119, %dma_wait3A_120] : memref<8192x128xf32, #tpu.memory_space<hbm>> -> memref<8192x128xf32, #tpu.memory_space<hbm>>
      tpu.wait_indirect_dma semaphore(%arg13 : memref<!tpu.dma_semaphore, #tpu.memory_space<semaphore_mem>>) src(%dma_wait3A_121 : memref<8192x128xf32, #tpu.memory_space<hbm>>) dst(%arg9 : memref<128x128xf32, #tpu.memory_space<vmem>>)
      %run_scoped3A_122 = arith.constant 1 : i32
      "tpu.region"() ({
        %run_scoped3A_123 = tpu.sem_alloc : memref<!tpu.dma_semaphore, #tpu.memory_space<semaphore_mem>>
        %dma_start3A_124 = arith.constant 0 : i32
        %dma_start3A_125 = tpu.memref_slice %arg11[%run_scoped3A_122, %dma_start3A_124] : memref<2x128xi32, #tpu.memory_space<vmem>> -> memref<1x128xi32, #tpu.memory_space<vmem>>
        %dma_start3A_126 = tpu.memref_squeeze %dma_start3A_125 : memref<1x128xi32, #tpu.memory_space<vmem>> -> memref<128xi32, #tpu.memory_space<vmem>>
        %dma_start3A_127 = arith.constant 0 : i32
        %dma_start3A_128 = arith.constant 0 : i32
        %dma_start3A_129 = tpu.memref_slice %arg7[%dma_start3A_127, %dma_start3A_128] : memref<2048x128xf32, #tpu.memory_space<vmem_shared>> -> memref<2048x128xf32, #tpu.memory_space<vmem_shared>>
        tpu.enqueue_indirect_dma source(%arg9 : memref<128x128xf32, #tpu.memory_space<vmem>>) target(%dma_start3A_129 : memref<2048x128xf32, #tpu.memory_space<vmem_shared>>) offsets(%dma_start3A_126 : memref<128xi32, #tpu.memory_space<vmem>>) semaphore(%run_scoped3A_123 : memref<!tpu.dma_semaphore, #tpu.memory_space<semaphore_mem>>) {add = true}
        %dma_wait3A_130 = arith.constant 0 : i32
        %dma_wait3A_131 = tpu.memref_slice %arg11[%run_scoped3A_122, %dma_wait3A_130] : memref<2x128xi32, #tpu.memory_space<vmem>> -> memref<1x128xi32, #tpu.memory_space<vmem>>
        %dma_wait3A_132 = tpu.memref_squeeze %dma_wait3A_131 : memref<1x128xi32, #tpu.memory_space<vmem>> -> memref<128xi32, #tpu.memory_space<vmem>>
        %dma_wait3A_133 = arith.constant 0 : i32
        %dma_wait3A_134 = arith.constant 0 : i32
        %dma_wait3A_135 = tpu.memref_slice %arg7[%dma_wait3A_133, %dma_wait3A_134] : memref<2048x128xf32, #tpu.memory_space<vmem_shared>> -> memref<2048x128xf32, #tpu.memory_space<vmem_shared>>
        tpu.wait_indirect_dma semaphore(%run_scoped3A_123 : memref<!tpu.dma_semaphore, #tpu.memory_space<semaphore_mem>>) src(%arg9 : memref<128x128xf32, #tpu.memory_space<vmem>>) dst(%dma_wait3A_135 : memref<2048x128xf32, #tpu.memory_space<vmem_shared>>)
        tpu.yield
      }) : () -> ()
    }
    %scan3A_86 = arith.constant 8 : i32
    %barrier3A_87 = arith.constant 0 : index
    tpu.barrier barrier_id(%barrier3A_87)
    %mul3A_88 = arith.constant 128 : i32
    %mul3A_89 = arith.muli %arg1, %mul3A_88 : i32
    %mul3A_90 = arith.constant 128 : i32
    %mul3A_91 = arith.muli %arg1, %mul3A_90 : i32
    %run_scoped3A_92 = arith.constant 3 : i32
    "tpu.region"() ({
      %run_scoped3A_93 = tpu.sem_alloc : memref<!tpu.dma_semaphore, #tpu.memory_space<semaphore_mem>>
      %dma_start3A_94 = arith.constant 0 : i32
      %dma_start3A_95 = tpu.memref_slice %arg6[%arg0, %run_scoped3A_92, %mul3A_91, %dma_start3A_94] : memref<2x4x2048x128xf32, #tpu.memory_space<hbm>> -> memref<1x1x128x128xf32, #tpu.memory_space<hbm>>
      %dma_start3A_96 = tpu.memref_squeeze %dma_start3A_95 : memref<1x1x128x128xf32, #tpu.memory_space<hbm>> -> memref<128x128xf32, #tpu.memory_space<hbm>>
      %dma_start3A_97 = arith.constant 0 : i32
      %dma_start3A_98 = tpu.memref_slice %arg7[%mul3A_89, %dma_start3A_97] : memref<2048x128xf32, #tpu.memory_space<vmem_shared>> -> memref<128x128xf32, #tpu.memory_space<vmem_shared>>
      tpu.enqueue_dma source(%dma_start3A_98 : memref<128x128xf32, #tpu.memory_space<vmem_shared>>) target(%dma_start3A_96 : memref<128x128xf32, #tpu.memory_space<hbm>>) target_semaphore(%run_scoped3A_93 : memref<!tpu.dma_semaphore, #tpu.memory_space<semaphore_mem>>)
      %dma_wait3A = arith.constant 0 : i32
      %dma_wait3A_99 = tpu.memref_slice %arg6[%arg0, %run_scoped3A_92, %mul3A_91, %dma_wait3A] : memref<2x4x2048x128xf32, #tpu.memory_space<hbm>> -> memref<1x1x128x128xf32, #tpu.memory_space<hbm>>
      %dma_wait3A_100 = tpu.memref_squeeze %dma_wait3A_99 : memref<1x1x128x128xf32, #tpu.memory_space<hbm>> -> memref<128x128xf32, #tpu.memory_space<hbm>>
      %dma_wait3A_101 = arith.constant 0 : i32
      %dma_wait3A_102 = tpu.memref_slice %arg7[%mul3A_89, %dma_wait3A_101] : memref<2048x128xf32, #tpu.memory_space<vmem_shared>> -> memref<128x128xf32, #tpu.memory_space<vmem_shared>>
      tpu.wait_dma2 semaphore(%run_scoped3A_93 : memref<!tpu.dma_semaphore, #tpu.memory_space<semaphore_mem>>) src(%dma_wait3A_102 : memref<128x128xf32, #tpu.memory_space<vmem_shared>>) dst(%dma_wait3A_100 : memref<128x128xf32, #tpu.memory_space<hbm>>)
      tpu.yield
    }) : () -> ()
    return
  }
}

module attributes {stable_mosaic.version = 14 : i64} {
  func.func @body(%arg0: i32, %arg1: memref<1024x128xf32, #tpu.memory_space<vmem>>, %arg2: memref<128x128xf32, #tpu.memory_space<vmem>>, %arg3: memref<1024x1xf32, #tpu.memory_space<vmem>>, %arg4: memref<1024x128xf32, #tpu.memory_space<vmem>>) attributes {dimension_semantics = [#tpu.dimension_semantics<arbitrary>], iteration_bounds = array<i64: 8>, scalar_prefetch = 0 : i64, scratch_operands = 0 : i64, tpu.core_type = #tpu.core_type<tc>, window_params = [{transform_indices = @transform_0, window_bounds = array<i64: 1024, 128>}, {pipeline_mode = #tpu.pipeline_mode<synchronous>, transform_indices = @transform_1, window_bounds = array<i64: 128, 128>}, {transform_indices = @transform_2, window_bounds = array<i64: 1024, 1>}, {transform_indices = @transform_3, window_bounds = array<i64: 1024, 128>}]} {
    %get3A = arith.constant 0 : index
    %get3A_0 = arith.constant 0 : index
    %get3A_1 = vector.load %arg3[%get3A, %get3A_0] : memref<1024x1xf32, #tpu.memory_space<vmem>>, vector<1024x1xf32>
    %get3A_2 = arith.constant 0 : index
    %get3A_3 = arith.constant 0 : index
    %get3A_4 = vector.load %arg1[%get3A_2, %get3A_3] : memref<1024x128xf32, #tpu.memory_space<vmem>>, vector<1024x128xf32>
    %get3A_5 = arith.constant 0 : index
    %get3A_6 = arith.constant 0 : index
    %get3A_7 = vector.load %arg2[%get3A_5, %get3A_6] : memref<128x128xf32, #tpu.memory_space<vmem>>, vector<128x128xf32>
    %dot_general3A = arith.constant dense<0.000000e+00> : vector<1024x128xf32>
    %dot_general3A_8 = tpu.matmul %get3A_4, %get3A_7, %dot_general3A {dimension_numbers = #tpu.dot_dimension_numbers<[1], [0], [0], [1], [0, 0, 1, 1], [], []>, transpose_lhs_hint = false} : vector<1024x128xf32>, vector<128x128xf32>, vector<1024x128xf32> -> vector<1024x128xf32>
    %mul3A = vector.broadcast %get3A_1 : vector<1024x1xf32> to vector<1024x128xf32>
    %mul3A_9 = arith.mulf %mul3A, %dot_general3A_8 : vector<1024x128xf32>
    %swap3A = arith.constant 0 : index
    %swap3A_10 = arith.constant 0 : index
    %swap3A_11 = vector.load %arg4[%swap3A, %swap3A_10] : memref<1024x128xf32, #tpu.memory_space<vmem>>, vector<1024x128xf32>
    tpu.vector_store %arg4[%swap3A, %swap3A_10], %mul3A_9 {strides = array<i32>} : memref<1024x128xf32, #tpu.memory_space<vmem>>, vector<1024x128xf32>,
    return
  }
  func.func @transform_0(%arg0: i32) -> (i32, i32) {
    %c0_i32 = arith.constant 0 : i32
    %c0_i32_0 = arith.constant 0 : i32
    return %arg0, %c0_i32 : i32, i32
  }
  func.func @transform_1(%arg0: i32) -> (i32, i32) {
    %c0_i32 = arith.constant 0 : i32
    %c0_i32_0 = arith.constant 0 : i32
    %c0_i32_1 = arith.constant 0 : i32
    return %c0_i32, %c0_i32_0 : i32, i32
  }
  func.func @transform_2(%arg0: i32) -> (i32, i32) {
    %c0_i32 = arith.constant 0 : i32
    %c0_i32_0 = arith.constant 0 : i32
    return %arg0, %c0_i32 : i32, i32
  }
  func.func @transform_3(%arg0: i32) -> (i32, i32) {
    %c0_i32 = arith.constant 0 : i32
    %c0_i32_0 = arith.constant 0 : i32
    return %arg0, %c0_i32 : i32, i32
  }
}

module attributes {stable_mosaic.version = 14 : i64} {
  func.func @body(%arg0: i32, %arg1: memref<2x4x1024x128xf32, #tpu.memory_space<vmem>>, %arg2: memref<4x1024x128xf32, #tpu.memory_space<vmem>>, %arg3: memref<1024x1xf32, #tpu.memory_space<vmem>>, %arg4: memref<1x128xf32, #tpu.memory_space<vmem>>, %arg5: memref<4x1024x128xf32, #tpu.memory_space<vmem>>) attributes {dimension_semantics = [#tpu.dimension_semantics<arbitrary>], iteration_bounds = array<i64: 2>, scalar_prefetch = 0 : i64, scratch_operands = 0 : i64, tpu.core_type = #tpu.core_type<tc>, window_params = [{transform_indices = @transform_0, window_bounds = array<i64: 2, 4, 1024, 128>}, {transform_indices = @transform_1, window_bounds = array<i64: 4, 1024, 128>}, {transform_indices = @transform_2, window_bounds = array<i64: 1024, 1>}, {pipeline_mode = #tpu.pipeline_mode<synchronous>, transform_indices = @transform_3, window_bounds = array<i64: 1, 128>}, {transform_indices = @transform_4, window_bounds = array<i64: 4, 1024, 128>}]} {
    %get3A = arith.constant 0 : index
    %get3A_0 = arith.constant 0 : index
    %get3A_1 = arith.constant 0 : index
    %get3A_2 = arith.constant 0 : index
    %get3A_3 = vector.load %arg1[%get3A, %get3A_0, %get3A_1, %get3A_2] : memref<2x4x1024x128xf32, #tpu.memory_space<vmem>>, vector<1x1x1024x128xf32>
    %get3A_4 = vector.shape_cast %get3A_3 : vector<1x1x1024x128xf32> to vector<1024x128xf32>
    %get3A_5 = arith.constant 1 : index
    %get3A_6 = arith.constant 0 : index
    %get3A_7 = arith.constant 0 : index
    %get3A_8 = arith.constant 0 : index
    %get3A_9 = vector.load %arg1[%get3A_5, %get3A_6, %get3A_7, %get3A_8] : memref<2x4x1024x128xf32, #tpu.memory_space<vmem>>, vector<1x1x1024x128xf32>
    %get3A_10 = vector.shape_cast %get3A_9 : vector<1x1x1024x128xf32> to vector<1024x128xf32>
    %add3A = arith.addf %get3A_4, %get3A_10 : vector<1024x128xf32>
    %get3A_11 = arith.constant 0 : index
    %get3A_12 = arith.constant 0 : index
    %get3A_13 = arith.constant 0 : index
    %get3A_14 = vector.load %arg2[%get3A_11, %get3A_12, %get3A_13] : memref<4x1024x128xf32, #tpu.memory_space<vmem>>, vector<1x1024x128xf32>
    %get3A_15 = vector.shape_cast %get3A_14 : vector<1x1024x128xf32> to vector<1024x128xf32>
    %add3A_16 = arith.addf %add3A, %get3A_15 : vector<1024x128xf32>
    %get3A_17 = arith.constant 0 : index
    %get3A_18 = arith.constant 0 : index
    %get3A_19 = vector.load %arg3[%get3A_17, %get3A_18] : memref<1024x1xf32, #tpu.memory_space<vmem>>, vector<1024x1xf32>
    %mul3A = vector.broadcast %get3A_19 : vector<1024x1xf32> to vector<1024x128xf32>
    %mul3A_20 = arith.mulf %mul3A, %add3A_16 : vector<1024x128xf32>
    %get3A_21 = arith.constant 0 : index
    %get3A_22 = arith.constant 0 : index
    %get3A_23 = vector.load %arg4[%get3A_21, %get3A_22] : memref<1x128xf32, #tpu.memory_space<vmem>>, vector<1x128xf32>
    %add3A_24 = vector.broadcast %get3A_23 : vector<1x128xf32> to vector<1024x128xf32>
    %add3A_25 = arith.addf %mul3A_20, %add3A_24 : vector<1024x128xf32>
    %max3A = arith.constant 0.000000e+00 : f32
    %max3A_26 = vector.broadcast %max3A : f32 to vector<1024x128xf32>
    %max3A_27 = arith.maximumf %add3A_25, %max3A_26 : vector<1024x128xf32>
    %swap3A = arith.constant 0 : index
    %swap3A_28 = arith.constant 0 : index
    %swap3A_29 = arith.constant 0 : index
    %swap3A_30 = vector.load %arg5[%swap3A, %swap3A_28, %swap3A_29] : memref<4x1024x128xf32, #tpu.memory_space<vmem>>, vector<1x1024x128xf32>
    %swap3A_31 = vector.shape_cast %swap3A_30 : vector<1x1024x128xf32> to vector<1024x128xf32>
    %swap3A_32 = vector.shape_cast %max3A_27 : vector<1024x128xf32> to vector<1x1024x128xf32>
    tpu.vector_store %arg5[%swap3A, %swap3A_28, %swap3A_29], %swap3A_32 {strides = array<i32>} : memref<4x1024x128xf32, #tpu.memory_space<vmem>>, vector<1x1024x128xf32>,
    %get3A_33 = arith.constant 0 : index
    %get3A_34 = arith.constant 1 : index
    %get3A_35 = arith.constant 0 : index
    %get3A_36 = arith.constant 0 : index
    %get3A_37 = vector.load %arg1[%get3A_33, %get3A_34, %get3A_35, %get3A_36] : memref<2x4x1024x128xf32, #tpu.memory_space<vmem>>, vector<1x1x1024x128xf32>
    %get3A_38 = vector.shape_cast %get3A_37 : vector<1x1x1024x128xf32> to vector<1024x128xf32>
    %get3A_39 = arith.constant 1 : index
    %get3A_40 = arith.constant 1 : index
    %get3A_41 = arith.constant 0 : index
    %get3A_42 = arith.constant 0 : index
    %get3A_43 = vector.load %arg1[%get3A_39, %get3A_40, %get3A_41, %get3A_42] : memref<2x4x1024x128xf32, #tpu.memory_space<vmem>>, vector<1x1x1024x128xf32>
    %get3A_44 = vector.shape_cast %get3A_43 : vector<1x1x1024x128xf32> to vector<1024x128xf32>
    %add3A_45 = arith.addf %get3A_38, %get3A_44 : vector<1024x128xf32>
    %get3A_46 = arith.constant 1 : index
    %get3A_47 = arith.constant 0 : index
    %get3A_48 = arith.constant 0 : index
    %get3A_49 = vector.load %arg2[%get3A_46, %get3A_47, %get3A_48] : memref<4x1024x128xf32, #tpu.memory_space<vmem>>, vector<1x1024x128xf32>
    %get3A_50 = vector.shape_cast %get3A_49 : vector<1x1024x128xf32> to vector<1024x128xf32>
    %add3A_51 = arith.addf %add3A_45, %get3A_50 : vector<1024x128xf32>
    %get3A_52 = arith.constant 0 : index
    %get3A_53 = arith.constant 0 : index
    %get3A_54 = vector.load %arg3[%get3A_52, %get3A_53] : memref<1024x1xf32, #tpu.memory_space<vmem>>, vector<1024x1xf32>
    %mul3A_55 = vector.broadcast %get3A_54 : vector<1024x1xf32> to vector<1024x128xf32>
    %mul3A_56 = arith.mulf %mul3A_55, %add3A_51 : vector<1024x128xf32>
    %get3A_57 = arith.constant 0 : index
    %get3A_58 = arith.constant 0 : index
    %get3A_59 = vector.load %arg4[%get3A_57, %get3A_58] : memref<1x128xf32, #tpu.memory_space<vmem>>, vector<1x128xf32>
    %add3A_60 = vector.broadcast %get3A_59 : vector<1x128xf32> to vector<1024x128xf32>
    %add3A_61 = arith.addf %mul3A_56, %add3A_60 : vector<1024x128xf32>
    %max3A_62 = arith.constant 0.000000e+00 : f32
    %max3A_63 = vector.broadcast %max3A_62 : f32 to vector<1024x128xf32>
    %max3A_64 = arith.maximumf %add3A_61, %max3A_63 : vector<1024x128xf32>
    %swap3A_65 = arith.constant 1 : index
    %swap3A_66 = arith.constant 0 : index
    %swap3A_67 = arith.constant 0 : index
    %swap3A_68 = vector.load %arg5[%swap3A_65, %swap3A_66, %swap3A_67] : memref<4x1024x128xf32, #tpu.memory_space<vmem>>, vector<1x1024x128xf32>
    %swap3A_69 = vector.shape_cast %swap3A_68 : vector<1x1024x128xf32> to vector<1024x128xf32>
    %swap3A_70 = vector.shape_cast %max3A_64 : vector<1024x128xf32> to vector<1x1024x128xf32>
    tpu.vector_store %arg5[%swap3A_65, %swap3A_66, %swap3A_67], %swap3A_70 {strides = array<i32>} : memref<4x1024x128xf32, #tpu.memory_space<vmem>>, vector<1x1024x128xf32>,
    %get3A_71 = arith.constant 0 : index
    %get3A_72 = arith.constant 2 : index
    %get3A_73 = arith.constant 0 : index
    %get3A_74 = arith.constant 0 : index
    %get3A_75 = vector.load %arg1[%get3A_71, %get3A_72, %get3A_73, %get3A_74] : memref<2x4x1024x128xf32, #tpu.memory_space<vmem>>, vector<1x1x1024x128xf32>
    %get3A_76 = vector.shape_cast %get3A_75 : vector<1x1x1024x128xf32> to vector<1024x128xf32>
    %get3A_77 = arith.constant 1 : index
    %get3A_78 = arith.constant 2 : index
    %get3A_79 = arith.constant 0 : index
    %get3A_80 = arith.constant 0 : index
    %get3A_81 = vector.load %arg1[%get3A_77, %get3A_78, %get3A_79, %get3A_80] : memref<2x4x1024x128xf32, #tpu.memory_space<vmem>>, vector<1x1x1024x128xf32>
    %get3A_82 = vector.shape_cast %get3A_81 : vector<1x1x1024x128xf32> to vector<1024x128xf32>
    %add3A_83 = arith.addf %get3A_76, %get3A_82 : vector<1024x128xf32>
    %get3A_84 = arith.constant 2 : index
    %get3A_85 = arith.constant 0 : index
    %get3A_86 = arith.constant 0 : index
    %get3A_87 = vector.load %arg2[%get3A_84, %get3A_85, %get3A_86] : memref<4x1024x128xf32, #tpu.memory_space<vmem>>, vector<1x1024x128xf32>
    %get3A_88 = vector.shape_cast %get3A_87 : vector<1x1024x128xf32> to vector<1024x128xf32>
    %add3A_89 = arith.addf %add3A_83, %get3A_88 : vector<1024x128xf32>
    %get3A_90 = arith.constant 0 : index
    %get3A_91 = arith.constant 0 : index
    %get3A_92 = vector.load %arg3[%get3A_90, %get3A_91] : memref<1024x1xf32, #tpu.memory_space<vmem>>, vector<1024x1xf32>
    %mul3A_93 = vector.broadcast %get3A_92 : vector<1024x1xf32> to vector<1024x128xf32>
    %mul3A_94 = arith.mulf %mul3A_93, %add3A_89 : vector<1024x128xf32>
    %get3A_95 = arith.constant 0 : index
    %get3A_96 = arith.constant 0 : index
    %get3A_97 = vector.load %arg4[%get3A_95, %get3A_96] : memref<1x128xf32, #tpu.memory_space<vmem>>, vector<1x128xf32>
    %add3A_98 = vector.broadcast %get3A_97 : vector<1x128xf32> to vector<1024x128xf32>
    %add3A_99 = arith.addf %mul3A_94, %add3A_98 : vector<1024x128xf32>
    %max3A_100 = arith.constant 0.000000e+00 : f32
    %max3A_101 = vector.broadcast %max3A_100 : f32 to vector<1024x128xf32>
    %max3A_102 = arith.maximumf %add3A_99, %max3A_101 : vector<1024x128xf32>
    %swap3A_103 = arith.constant 2 : index
    %swap3A_104 = arith.constant 0 : index
    %swap3A_105 = arith.constant 0 : index
    %swap3A_106 = vector.load %arg5[%swap3A_103, %swap3A_104, %swap3A_105] : memref<4x1024x128xf32, #tpu.memory_space<vmem>>, vector<1x1024x128xf32>
    %swap3A_107 = vector.shape_cast %swap3A_106 : vector<1x1024x128xf32> to vector<1024x128xf32>
    %swap3A_108 = vector.shape_cast %max3A_102 : vector<1024x128xf32> to vector<1x1024x128xf32>
    tpu.vector_store %arg5[%swap3A_103, %swap3A_104, %swap3A_105], %swap3A_108 {strides = array<i32>} : memref<4x1024x128xf32, #tpu.memory_space<vmem>>, vector<1x1024x128xf32>,
    %get3A_109 = arith.constant 0 : index
    %get3A_110 = arith.constant 3 : index
    %get3A_111 = arith.constant 0 : index
    %get3A_112 = arith.constant 0 : index
    %get3A_113 = vector.load %arg1[%get3A_109, %get3A_110, %get3A_111, %get3A_112] : memref<2x4x1024x128xf32, #tpu.memory_space<vmem>>, vector<1x1x1024x128xf32>
    %get3A_114 = vector.shape_cast %get3A_113 : vector<1x1x1024x128xf32> to vector<1024x128xf32>
    %get3A_115 = arith.constant 1 : index
    %get3A_116 = arith.constant 3 : index
    %get3A_117 = arith.constant 0 : index
    %get3A_118 = arith.constant 0 : index
    %get3A_119 = vector.load %arg1[%get3A_115, %get3A_116, %get3A_117, %get3A_118] : memref<2x4x1024x128xf32, #tpu.memory_space<vmem>>, vector<1x1x1024x128xf32>
    %get3A_120 = vector.shape_cast %get3A_119 : vector<1x1x1024x128xf32> to vector<1024x128xf32>
    %add3A_121 = arith.addf %get3A_114, %get3A_120 : vector<1024x128xf32>
    %get3A_122 = arith.constant 3 : index
    %get3A_123 = arith.constant 0 : index
    %get3A_124 = arith.constant 0 : index
    %get3A_125 = vector.load %arg2[%get3A_122, %get3A_123, %get3A_124] : memref<4x1024x128xf32, #tpu.memory_space<vmem>>, vector<1x1024x128xf32>
    %get3A_126 = vector.shape_cast %get3A_125 : vector<1x1024x128xf32> to vector<1024x128xf32>
    %add3A_127 = arith.addf %add3A_121, %get3A_126 : vector<1024x128xf32>
    %get3A_128 = arith.constant 0 : index
    %get3A_129 = arith.constant 0 : index
    %get3A_130 = vector.load %arg3[%get3A_128, %get3A_129] : memref<1024x1xf32, #tpu.memory_space<vmem>>, vector<1024x1xf32>
    %mul3A_131 = vector.broadcast %get3A_130 : vector<1024x1xf32> to vector<1024x128xf32>
    %mul3A_132 = arith.mulf %mul3A_131, %add3A_127 : vector<1024x128xf32>
    %get3A_133 = arith.constant 0 : index
    %get3A_134 = arith.constant 0 : index
    %get3A_135 = vector.load %arg4[%get3A_133, %get3A_134] : memref<1x128xf32, #tpu.memory_space<vmem>>, vector<1x128xf32>
    %add3A_136 = vector.broadcast %get3A_135 : vector<1x128xf32> to vector<1024x128xf32>
    %add3A_137 = arith.addf %mul3A_132, %add3A_136 : vector<1024x128xf32>
    %max3A_138 = arith.constant 0.000000e+00 : f32
    %max3A_139 = vector.broadcast %max3A_138 : f32 to vector<1024x128xf32>
    %max3A_140 = arith.maximumf %add3A_137, %max3A_139 : vector<1024x128xf32>
    %swap3A_141 = arith.constant 3 : index
    %swap3A_142 = arith.constant 0 : index
    %swap3A_143 = arith.constant 0 : index
    %swap3A_144 = vector.load %arg5[%swap3A_141, %swap3A_142, %swap3A_143] : memref<4x1024x128xf32, #tpu.memory_space<vmem>>, vector<1x1024x128xf32>
    %swap3A_145 = vector.shape_cast %swap3A_144 : vector<1x1024x128xf32> to vector<1024x128xf32>
    %swap3A_146 = vector.shape_cast %max3A_140 : vector<1024x128xf32> to vector<1x1024x128xf32>
    tpu.vector_store %arg5[%swap3A_141, %swap3A_142, %swap3A_143], %swap3A_146 {strides = array<i32>} : memref<4x1024x128xf32, #tpu.memory_space<vmem>>, vector<1x1024x128xf32>,
    return
  }
  func.func @transform_0(%arg0: i32) -> (i32, i32, i32, i32) {
    %c0_i32 = arith.constant 0 : i32
    %c0_i32_0 = arith.constant 0 : i32
    %c0_i32_1 = arith.constant 0 : i32
    %c0_i32_2 = arith.constant 0 : i32
    return %c0_i32, %c0_i32_0, %arg0, %c0_i32_1 : i32, i32, i32, i32
  }
  func.func @transform_1(%arg0: i32) -> (i32, i32, i32) {
    %c0_i32 = arith.constant 0 : i32
    %c0_i32_0 = arith.constant 0 : i32
    %c0_i32_1 = arith.constant 0 : i32
    return %c0_i32, %arg0, %c0_i32_0 : i32, i32, i32
  }
  func.func @transform_2(%arg0: i32) -> (i32, i32) {
    %c0_i32 = arith.constant 0 : i32
    %c0_i32_0 = arith.constant 0 : i32
    return %arg0, %c0_i32 : i32, i32
  }
  func.func @transform_3(%arg0: i32) -> (i32, i32) {
    %c0_i32 = arith.constant 0 : i32
    %c0_i32_0 = arith.constant 0 : i32
    %c0_i32_1 = arith.constant 0 : i32
    return %c0_i32, %c0_i32_0 : i32, i32
  }
  func.func @transform_4(%arg0: i32) -> (i32, i32, i32) {
    %c0_i32 = arith.constant 0 : i32
    %c0_i32_0 = arith.constant 0 : i32
    %c0_i32_1 = arith.constant 0 : i32
    return %c0_i32, %arg0, %c0_i32_0 : i32, i32, i32
  }
}

module attributes {stable_mosaic.version = 14 : i64} {
  func.func @body(%arg0: i32, %arg1: i32, %arg2: i32, %arg3: memref<1x1024x128xf32, #tpu.memory_space<vmem>>, %arg4: memref<1x128x1024xf32, #tpu.memory_space<vmem>>, %arg5: memref<1024x128xf32, #tpu.memory_space<vmem>>, %arg6: memref<1024x1xf32, #tpu.memory_space<vmem>>, %arg7: memref<1x8x128xf32, #tpu.memory_space<vmem>>) attributes {dimension_semantics = [#tpu.dimension_semantics<arbitrary>, #tpu.dimension_semantics<arbitrary>, #tpu.dimension_semantics<arbitrary>], iteration_bounds = array<i64: 4, 2, 2>, scalar_prefetch = 0 : i64, scratch_operands = 0 : i64, tpu.core_type = #tpu.core_type<tc>, window_params = [{transform_indices = @transform_0, window_bounds = array<i64: 1, 1024, 128>}, {transform_indices = @transform_1, window_bounds = array<i64: 1, 128, 1024>}, {transform_indices = @transform_2, window_bounds = array<i64: 1024, 128>}, {transform_indices = @transform_3, window_bounds = array<i64: 1024, 1>}, {transform_indices = @transform_4, window_bounds = array<i64: 1, 8, 128>}]} {
    %get3A = arith.constant 0 : index
    %get3A_0 = arith.constant 0 : index
    %get3A_1 = arith.constant 0 : index
    %get3A_2 = vector.load %arg4[%get3A, %get3A_0, %get3A_1] : memref<1x128x1024xf32, #tpu.memory_space<vmem>>, vector<1x128x1024xf32>
    %get3A_3 = vector.shape_cast %get3A_2 : vector<1x128x1024xf32> to vector<128x1024xf32>
    %get3A_4 = arith.constant 0 : index
    %get3A_5 = arith.constant 0 : index
    %get3A_6 = vector.load %arg5[%get3A_4, %get3A_5] : memref<1024x128xf32, #tpu.memory_space<vmem>>, vector<1024x128xf32>
    %dot_general3A = arith.constant dense<0.000000e+00> : vector<1024x1024xf32>
    %dot_general3A_7 = tpu.matmul %get3A_6, %get3A_3, %dot_general3A {dimension_numbers = #tpu.dot_dimension_numbers<[1], [0], [0], [1], [0, 0, 1, 1], [], []>, transpose_lhs_hint = false} : vector<1024x128xf32>, vector<128x1024xf32>, vector<1024x1024xf32> -> vector<1024x1024xf32>
    %get3A_8 = arith.constant 0 : index
    %get3A_9 = arith.constant 0 : index
    %get3A_10 = vector.load %arg6[%get3A_8, %get3A_9] : memref<1024x1xf32, #tpu.memory_space<vmem>>, vector<1024x1xf32>
    %add3A = vector.broadcast %get3A_10 : vector<1024x1xf32> to vector<1024x1024xf32>
    %add3A_11 = arith.addf %dot_general3A_7, %add3A : vector<1024x1024xf32>
    %max3A = arith.constant 0.000000e+00 : f32
    %max3A_12 = vector.broadcast %max3A : f32 to vector<1024x1024xf32>
    %max3A_13 = arith.maximumf %add3A_11, %max3A_12 : vector<1024x1024xf32>
    %get3A_14 = arith.constant 0 : index
    %get3A_15 = arith.constant 0 : index
    %get3A_16 = arith.constant 0 : index
    %get3A_17 = vector.load %arg3[%get3A_14, %get3A_15, %get3A_16] : memref<1x1024x128xf32, #tpu.memory_space<vmem>>, vector<1x1024x128xf32>
    %get3A_18 = vector.shape_cast %get3A_17 : vector<1x1024x128xf32> to vector<1024x128xf32>
    %mul3A = arith.mulf %get3A_18, %get3A_18 : vector<1024x128xf32>
    %reduce_sum3A = arith.constant dense<0.000000e+00> : vector<1024xf32>
    %reduce_sum3A_19 = vector.multi_reduction <add>, %mul3A, %reduce_sum3A [1] : vector<1024x128xf32> to vector<1024xf32>
    %broadcast_in_dim3A = vector.shape_cast %reduce_sum3A_19 : vector<1024xf32> to vector<1024x1xf32>
    %rsqrt3A = math.rsqrt %broadcast_in_dim3A : vector<1024x1xf32>
    %mul3A_20 = arith.mulf %get3A_3, %get3A_3 : vector<128x1024xf32>
    %reduce_sum3A_21 = arith.constant dense<0.000000e+00> : vector<1024xf32>
    %reduce_sum3A_22 = vector.multi_reduction <add>, %mul3A_20, %reduce_sum3A_21 [0] : vector<128x1024xf32> to vector<1024xf32>
    %broadcast_in_dim3A_23 = vector.shape_cast %reduce_sum3A_22 : vector<1024xf32> to vector<1x1024xf32>
    %rsqrt3A_24 = math.rsqrt %broadcast_in_dim3A_23 : vector<1x1024xf32>
    %dot_general3A_25 = arith.constant dense<0.000000e+00> : vector<1024x1024xf32>
    %dot_general3A_26 = tpu.matmul %get3A_18, %get3A_3, %dot_general3A_25 {dimension_numbers = #tpu.dot_dimension_numbers<[1], [0], [0], [1], [0, 0, 1, 1], [], []>, transpose_lhs_hint = false} : vector<1024x128xf32>, vector<128x1024xf32>, vector<1024x1024xf32> -> vector<1024x1024xf32>
    %mul3A_27 = vector.broadcast %rsqrt3A : vector<1024x1xf32> to vector<1024x1024xf32>
    %mul3A_28 = arith.mulf %mul3A_27, %dot_general3A_26 : vector<1024x1024xf32>
    %mul3A_29 = vector.broadcast %rsqrt3A_24 : vector<1x1024xf32> to vector<1024x1024xf32>
    %mul3A_30 = arith.mulf %mul3A_28, %mul3A_29 : vector<1024x1024xf32>
    %mul3A_31 = arith.mulf %max3A_13, %max3A_13 : vector<1024x1024xf32>
    %reduce_sum3A_32 = vector.shape_cast %mul3A_31 : vector<1024x1024xf32> to vector<1x1024x1024xf32>
    %reduce_sum3A_33 = arith.constant dense<0.000000e+00> : vector<1xf32>
    %reduce_sum3A_34 = vector.multi_reduction <add>, %reduce_sum3A_32, %reduce_sum3A_33 [1, 2] : vector<1x1024x1024xf32> to vector<1xf32>
    %reduce_sum3A_35 = vector.shape_cast %reduce_sum3A_34 : vector<1xf32> to vector<1x1x1xf32>
    %reduce_sum3A_36 = vector.extract %reduce_sum3A_35[0, 0, 0] : f32 from vector<1x1x1xf32>
    %reduce_max3A = vector.shape_cast %max3A_13 : vector<1024x1024xf32> to vector<1x1024x1024xf32>
    %reduce_max3A_37 = arith.constant dense<0xFF800000> : vector<1xf32>
    %reduce_max3A_38 = vector.multi_reduction <maximumf>, %reduce_max3A, %reduce_max3A_37 [1, 2] : vector<1x1024x1024xf32> to vector<1xf32>
    %reduce_max3A_39 = vector.shape_cast %reduce_max3A_38 : vector<1xf32> to vector<1x1x1xf32>
    %reduce_max3A_40 = vector.extract %reduce_max3A_39[0, 0, 0] : f32 from vector<1x1x1xf32>
    %mul3A_41 = arith.mulf %max3A_13, %mul3A_30 : vector<1024x1024xf32>
    %reduce_sum3A_42 = vector.shape_cast %mul3A_41 : vector<1024x1024xf32> to vector<1x1024x1024xf32>
    %reduce_sum3A_43 = arith.constant dense<0.000000e+00> : vector<1xf32>
    %reduce_sum3A_44 = vector.multi_reduction <add>, %reduce_sum3A_42, %reduce_sum3A_43 [1, 2] : vector<1x1024x1024xf32> to vector<1xf32>
    %reduce_sum3A_45 = vector.shape_cast %reduce_sum3A_44 : vector<1xf32> to vector<1x1x1xf32>
    %reduce_sum3A_46 = vector.extract %reduce_sum3A_45[0, 0, 0] : f32 from vector<1x1x1xf32>
    %mul3A_47 = arith.mulf %mul3A_30, %mul3A_30 : vector<1024x1024xf32>
    %reduce_sum3A_48 = vector.shape_cast %mul3A_47 : vector<1024x1024xf32> to vector<1x1024x1024xf32>
    %reduce_sum3A_49 = arith.constant dense<0.000000e+00> : vector<1xf32>
    %reduce_sum3A_50 = vector.multi_reduction <add>, %reduce_sum3A_48, %reduce_sum3A_49 [1, 2] : vector<1x1024x1024xf32> to vector<1xf32>
    %reduce_sum3A_51 = vector.shape_cast %reduce_sum3A_50 : vector<1xf32> to vector<1x1x1xf32>
    %reduce_sum3A_52 = vector.extract %reduce_sum3A_51[0, 0, 0] : f32 from vector<1x1x1xf32>
    %iota3A = tpu.iota {dimensions = array<i32: 2>} : vector<1x8x128xi32>
    %eq3A = arith.constant 0 : i32
    %eq3A_53 = vector.broadcast %eq3A : i32 to vector<1x8x128xi32>
    %eq3A_54 = arith.cmpi eq, %iota3A, %eq3A_53 : vector<1x8x128xi32>
    %eq3A_55 = arith.constant 2 : i32
    %eq3A_56 = vector.broadcast %eq3A_55 : i32 to vector<1x8x128xi32>
    %eq3A_57 = arith.cmpi eq, %iota3A, %eq3A_56 : vector<1x8x128xi32>
    %eq3A_58 = arith.constant 3 : i32
    %eq3A_59 = vector.broadcast %eq3A_58 : i32 to vector<1x8x128xi32>
    %eq3A_60 = arith.cmpi eq, %iota3A, %eq3A_59 : vector<1x8x128xi32>
    %jit3A = arith.constant 0.000000e+00 : f32
    %broadcast_in_dim3A_61 = vector.broadcast %reduce_sum3A_52 : f32 to vector<1x8x128xf32>
    %broadcast_in_dim3A_62 = vector.broadcast %jit3A : f32 to vector<1x8x128xf32>
    %select_n3A = arith.select %eq3A_60, %broadcast_in_dim3A_61, %broadcast_in_dim3A_62 : vector<1x8x128xi1>, vector<1x8x128xf32>
    %broadcast_in_dim3A_63 = vector.broadcast %reduce_sum3A_46 : f32 to vector<1x8x128xf32>
    %select_n3A_64 = arith.select %eq3A_57, %broadcast_in_dim3A_63, %select_n3A : vector<1x8x128xi1>, vector<1x8x128xf32>
    %broadcast_in_dim3A_65 = vector.broadcast %reduce_sum3A_36 : f32 to vector<1x8x128xf32>
    %select_n3A_66 = arith.select %eq3A_54, %broadcast_in_dim3A_65, %select_n3A_64 : vector<1x8x128xi1>, vector<1x8x128xf32>
    %eq3A_67 = arith.constant 1 : i32
    %eq3A_68 = vector.broadcast %eq3A_67 : i32 to vector<1x8x128xi32>
    %eq3A_69 = arith.cmpi eq, %iota3A, %eq3A_68 : vector<1x8x128xi32>
    %jit3A_70 = arith.constant 0.000000e+00 : f32
    %broadcast_in_dim3A_71 = vector.broadcast %reduce_max3A_40 : f32 to vector<1x8x128xf32>
    %broadcast_in_dim3A_72 = vector.broadcast %jit3A_70 : f32 to vector<1x8x128xf32>
    %select_n3A_73 = arith.select %eq3A_69, %broadcast_in_dim3A_71, %broadcast_in_dim3A_72 : vector<1x8x128xi1>, vector<1x8x128xf32>
    %eq3A_74 = arith.constant 0 : i32
    %eq3A_75 = arith.cmpi eq, %arg1, %eq3A_74 : i32
    %eq3A_76 = arith.constant 0 : i32
    %eq3A_77 = arith.cmpi eq, %arg2, %eq3A_76 : i32
    %and3A = arith.andi %eq3A_75, %eq3A_77 : i1
    %get3A_78 = arith.constant 0 : index
    %get3A_79 = arith.constant 0 : index
    %get3A_80 = arith.constant 0 : index
    %get3A_81 = vector.load %arg7[%get3A_78, %get3A_79, %get3A_80] : memref<1x8x128xf32, #tpu.memory_space<vmem>>, vector<1x8x128xf32>
    %jit3A_82 = arith.constant 0.000000e+00 : f32
    %broadcast_in_dim3A_83 = vector.broadcast %jit3A_82 : f32 to vector<1x8x128xf32>
    %select_n3A_84 = arith.select %and3A, %broadcast_in_dim3A_83, %get3A_81 : vector<1x8x128xf32>
    %eq3A_85 = arith.constant 1 : i32
    %eq3A_86 = vector.broadcast %eq3A_85 : i32 to vector<1x8x128xi32>
    %eq3A_87 = arith.cmpi eq, %iota3A, %eq3A_86 : vector<1x8x128xi32>
    %max3A_88 = arith.maximumf %select_n3A_84, %select_n3A_73 : vector<1x8x128xf32>
    %add3A_89 = arith.addf %select_n3A_84, %select_n3A_66 : vector<1x8x128xf32>
    %select_n3A_90 = arith.select %eq3A_87, %max3A_88, %add3A_89 : vector<1x8x128xi1>, vector<1x8x128xf32>
    %swap3A = arith.constant 0 : index
    %swap3A_91 = arith.constant 0 : index
    %swap3A_92 = arith.constant 0 : index
    %swap3A_93 = vector.load %arg7[%swap3A, %swap3A_91, %swap3A_92] : memref<1x8x128xf32, #tpu.memory_space<vmem>>, vector<1x8x128xf32>
    tpu.vector_store %arg7[%swap3A, %swap3A_91, %swap3A_92], %select_n3A_90 {strides = array<i32>} : memref<1x8x128xf32, #tpu.memory_space<vmem>>, vector<1x8x128xf32>,
    return
  }
  func.func @transform_0(%arg0: i32, %arg1: i32, %arg2: i32) -> (i32, i32, i32) {
    %c0_i32 = arith.constant 0 : i32
    %c0_i32_0 = arith.constant 0 : i32
    return %arg0, %arg1, %c0_i32 : i32, i32, i32
  }
  func.func @transform_1(%arg0: i32, %arg1: i32, %arg2: i32) -> (i32, i32, i32) {
    %c0_i32 = arith.constant 0 : i32
    %c0_i32_0 = arith.constant 0 : i32
    return %arg0, %c0_i32, %arg2 : i32, i32, i32
  }
  func.func @transform_2(%arg0: i32, %arg1: i32, %arg2: i32) -> (i32, i32) {
    %c0_i32 = arith.constant 0 : i32
    %c0_i32_0 = arith.constant 0 : i32
    return %arg1, %c0_i32 : i32, i32
  }
  func.func @transform_3(%arg0: i32, %arg1: i32, %arg2: i32) -> (i32, i32) {
    %c0_i32 = arith.constant 0 : i32
    %c0_i32_0 = arith.constant 0 : i32
    return %arg1, %c0_i32 : i32, i32
  }
  func.func @transform_4(%arg0: i32, %arg1: i32, %arg2: i32) -> (i32, i32, i32) {
    %c0_i32 = arith.constant 0 : i32
    %c0_i32_0 = arith.constant 0 : i32
    %c0_i32_1 = arith.constant 0 : i32
    return %arg0, %c0_i32, %c0_i32_0 : i32, i32, i32
  }
}

module attributes {stable_mosaic.version = 14 : i64} {
  func.func @body(%arg0: i32, %arg1: i32, %arg2: i32, %arg3: memref<1x128x1024xf32, #tpu.memory_space<vmem>>, %arg4: memref<1024x128xf32, #tpu.memory_space<vmem>>, %arg5: memref<1024x1xf32, #tpu.memory_space<vmem>>, %arg6: memref<1x1x1xf32, #tpu.memory_space<vmem>>, %arg7: memref<1024x1024xf32, #tpu.memory_space<vmem>>, %arg8: memref<1024x1xf32, #tpu.memory_space<vmem>>) attributes {dimension_semantics = [#tpu.dimension_semantics<arbitrary>, #tpu.dimension_semantics<arbitrary>, #tpu.dimension_semantics<arbitrary>], iteration_bounds = array<i64: 4, 2, 2>, scalar_prefetch = 0 : i64, scratch_operands = 0 : i64, tpu.core_type = #tpu.core_type<tc>, window_params = [{transform_indices = @transform_0, window_bounds = array<i64: 1, 128, 1024>}, {transform_indices = @transform_1, window_bounds = array<i64: 1024, 128>}, {transform_indices = @transform_2, window_bounds = array<i64: 1024, 1>}, {transform_indices = @transform_3, window_bounds = array<i64: 1, 1, 1>}, {pipeline_mode = #tpu.pipeline_mode<synchronous>, transform_indices = @transform_4, window_bounds = array<i64: 1024, 1024>}, {transform_indices = @transform_5, window_bounds = array<i64: 1024, 1>}]} {
    %get3A = arith.constant 0 : index
    %get3A_0 = arith.constant 0 : index
    %get3A_1 = vector.load %arg4[%get3A, %get3A_0] : memref<1024x128xf32, #tpu.memory_space<vmem>>, vector<1024x128xf32>
    %get3A_2 = arith.constant 0 : index
    %get3A_3 = arith.constant 0 : index
    %get3A_4 = arith.constant 0 : index
    %get3A_5 = vector.load %arg3[%get3A_2, %get3A_3, %get3A_4] : memref<1x128x1024xf32, #tpu.memory_space<vmem>>, vector<1x128x1024xf32>
    %get3A_6 = vector.shape_cast %get3A_5 : vector<1x128x1024xf32> to vector<128x1024xf32>
    %dot_general3A = arith.constant dense<0.000000e+00> : vector<1024x1024xf32>
    %dot_general3A_7 = tpu.matmul %get3A_1, %get3A_6, %dot_general3A {dimension_numbers = #tpu.dot_dimension_numbers<[1], [0], [0], [1], [0, 0, 1, 1], [], []>, transpose_lhs_hint = false} : vector<1024x128xf32>, vector<128x1024xf32>, vector<1024x1024xf32> -> vector<1024x1024xf32>
    %get3A_8 = arith.constant 0 : index
    %get3A_9 = arith.constant 0 : index
    %get3A_10 = vector.load %arg5[%get3A_8, %get3A_9] : memref<1024x1xf32, #tpu.memory_space<vmem>>, vector<1024x1xf32>
    %add3A = vector.broadcast %get3A_10 : vector<1024x1xf32> to vector<1024x1024xf32>
    %add3A_11 = arith.addf %dot_general3A_7, %add3A : vector<1024x1024xf32>
    %max3A = arith.constant 0.000000e+00 : f32
    %max3A_12 = vector.broadcast %max3A : f32 to vector<1024x1024xf32>
    %max3A_13 = arith.maximumf %add3A_11, %max3A_12 : vector<1024x1024xf32>
    %get3A_14 = arith.constant 0 : index
    %get3A_15 = arith.constant 0 : index
    %get3A_16 = arith.constant 0 : index
    %get3A_17 = vector.load %arg6[%get3A_14, %get3A_15, %get3A_16] : memref<1x1x1xf32, #tpu.memory_space<vmem>>, vector<1x1x1xf32>
    %get3A_18 = vector.extract %get3A_17[0, 0, 0] : f32 from vector<1x1x1xf32>
    %ge3A = vector.broadcast %get3A_18 : f32 to vector<1024x1024xf32>
    %ge3A_19 = arith.cmpf oge, %max3A_13, %ge3A : vector<1024x1024xf32>
    %convert_element_type3A = arith.extui %ge3A_19 : vector<1024x1024xi1> to vector<1024x1024xi32>
    %convert_element_type3A_20 = arith.sitofp %convert_element_type3A : vector<1024x1024xi32> to vector<1024x1024xf32>
    %eq3A = arith.cmpi eq, %arg1, %arg2 : i32
    %jit3A = arith.constant 1.000000e+00 : f32
    %jit3A_21 = arith.constant 0.000000e+00 : f32
    %select_n3A = arith.select %eq3A, %jit3A, %jit3A_21 : f32
    %get3A_22 = arith.constant 0 : index
    %get3A_23 = arith.constant 0 : index
    %get3A_24 = vector.load %arg7[%get3A_22, %get3A_23] : memref<1024x1024xf32, #tpu.memory_space<vmem>>, vector<1024x1024xf32>
    %mul3A = vector.broadcast %select_n3A : f32 to vector<1024x1024xf32>
    %mul3A_25 = arith.mulf %get3A_24, %mul3A : vector<1024x1024xf32>
    %max3A_26 = arith.maximumf %convert_element_type3A_20, %mul3A_25 : vector<1024x1024xf32>
    %reduce_sum3A = arith.constant dense<0.000000e+00> : vector<1024xf32>
    %reduce_sum3A_27 = vector.multi_reduction <add>, %max3A_26, %reduce_sum3A [1] : vector<1024x1024xf32> to vector<1024xf32>
    %broadcast_in_dim3A = vector.shape_cast %reduce_sum3A_27 : vector<1024xf32> to vector<1024x1xf32>
    %eq3A_28 = arith.constant 0 : i32
    %eq3A_29 = arith.cmpi eq, %arg2, %eq3A_28 : i32
    %convert_element_type3A_30 = arith.extui %eq3A_29 : i1 to i32
    %cond3A = arith.constant 0 : i32
    %cond3A_31 = arith.cmpi ne, %convert_element_type3A_30, %cond3A : i32
    scf.if %cond3A_31 {
      %swap3A = arith.constant 0 : index
      %swap3A_36 = arith.constant 0 : index
      %swap3A_37 = vector.load %arg8[%swap3A, %swap3A_36] : memref<1024x1xf32, #tpu.memory_space<vmem>>, vector<1024x1xf32>
      tpu.vector_store %arg8[%swap3A, %swap3A_36], %broadcast_in_dim3A {strides = array<i32>} : memref<1024x1xf32, #tpu.memory_space<vmem>>, vector<1024x1xf32>,
    } else {
    }
    %gt3A = arith.constant 0 : i32
    %gt3A_32 = arith.cmpi sgt, %arg2, %gt3A : i32
    %convert_element_type3A_33 = arith.extui %gt3A_32 : i1 to i32
    %cond3A_34 = arith.constant 0 : i32
    %cond3A_35 = arith.cmpi ne, %convert_element_type3A_33, %cond3A_34 : i32
    scf.if %cond3A_35 {
      %get3A_36 = arith.constant 0 : index
      %get3A_37 = arith.constant 0 : index
      %get3A_38 = vector.load %arg8[%get3A_36, %get3A_37] : memref<1024x1xf32, #tpu.memory_space<vmem>>, vector<1024x1xf32>
      %add3A_39 = arith.addf %get3A_38, %broadcast_in_dim3A : vector<1024x1xf32>
      %swap3A = arith.constant 0 : index
      %swap3A_40 = arith.constant 0 : index
      %swap3A_41 = vector.load %arg8[%swap3A, %swap3A_40] : memref<1024x1xf32, #tpu.memory_space<vmem>>, vector<1024x1xf32>
      tpu.vector_store %arg8[%swap3A, %swap3A_40], %add3A_39 {strides = array<i32>} : memref<1024x1xf32, #tpu.memory_space<vmem>>, vector<1024x1xf32>,
    } else {
    }
    return
  }
  func.func @transform_0(%arg0: i32, %arg1: i32, %arg2: i32) -> (i32, i32, i32) {
    %c0_i32 = arith.constant 0 : i32
    %c0_i32_0 = arith.constant 0 : i32
    return %arg0, %c0_i32, %arg2 : i32, i32, i32
  }
  func.func @transform_1(%arg0: i32, %arg1: i32, %arg2: i32) -> (i32, i32) {
    %c0_i32 = arith.constant 0 : i32
    %c0_i32_0 = arith.constant 0 : i32
    return %arg1, %c0_i32 : i32, i32
  }
  func.func @transform_2(%arg0: i32, %arg1: i32, %arg2: i32) -> (i32, i32) {
    %c0_i32 = arith.constant 0 : i32
    %c0_i32_0 = arith.constant 0 : i32
    return %arg1, %c0_i32 : i32, i32
  }
  func.func @transform_3(%arg0: i32, %arg1: i32, %arg2: i32) -> (i32, i32, i32) {
    %c0_i32 = arith.constant 0 : i32
    %c0_i32_0 = arith.constant 0 : i32
    %c0_i32_1 = arith.constant 0 : i32
    return %arg0, %c0_i32, %c0_i32_0 : i32, i32, i32
  }
  func.func @transform_4(%arg0: i32, %arg1: i32, %arg2: i32) -> (i32, i32) {
    %c0_i32 = arith.constant 0 : i32
    %c0_i32_0 = arith.constant 0 : i32
    %c0_i32_1 = arith.constant 0 : i32
    return %c0_i32, %c0_i32_0 : i32, i32
  }
  func.func @transform_5(%arg0: i32, %arg1: i32, %arg2: i32) -> (i32, i32) {
    %mul3A = arith.constant 2 : i32
    %mul3A_0 = arith.muli %arg0, %mul3A : i32
    %add3A = arith.addi %mul3A_0, %arg1 : i32
    %c0_i32 = arith.constant 0 : i32
    %c0_i32_1 = arith.constant 0 : i32
    return %add3A, %c0_i32 : i32, i32
  }
}

module attributes {stable_mosaic.version = 14 : i64} {
  func.func @body(%arg0: i32, %arg1: i32, %arg2: i32, %arg3: memref<1x128x1024xf32, #tpu.memory_space<vmem>>, %arg4: memref<1024x128xf32, #tpu.memory_space<vmem>>, %arg5: memref<1024x1xf32, #tpu.memory_space<vmem>>, %arg6: memref<1x1x1xf32, #tpu.memory_space<vmem>>, %arg7: memref<1024x1024xf32, #tpu.memory_space<vmem>>, %arg8: memref<1x1024x128xf32, #tpu.memory_space<vmem>>, %arg9: memref<1024x1xf32, #tpu.memory_space<vmem>>, %arg10: memref<1x128xf32, #tpu.memory_space<vmem>>, %arg11: memref<1x1024x128xf32, #tpu.memory_space<vmem>>) attributes {dimension_semantics = [#tpu.dimension_semantics<arbitrary>, #tpu.dimension_semantics<arbitrary>, #tpu.dimension_semantics<arbitrary>], iteration_bounds = array<i64: 4, 2, 2>, scalar_prefetch = 0 : i64, scratch_operands = 0 : i64, tpu.core_type = #tpu.core_type<tc>, window_params = [{transform_indices = @transform_0, window_bounds = array<i64: 1, 128, 1024>}, {transform_indices = @transform_1, window_bounds = array<i64: 1024, 128>}, {transform_indices = @transform_2, window_bounds = array<i64: 1024, 1>}, {transform_indices = @transform_3, window_bounds = array<i64: 1, 1, 1>}, {pipeline_mode = #tpu.pipeline_mode<synchronous>, transform_indices = @transform_4, window_bounds = array<i64: 1024, 1024>}, {transform_indices = @transform_5, window_bounds = array<i64: 1, 1024, 128>}, {transform_indices = @transform_6, window_bounds = array<i64: 1024, 1>}, {pipeline_mode = #tpu.pipeline_mode<synchronous>, transform_indices = @transform_7, window_bounds = array<i64: 1, 128>}, {transform_indices = @transform_8, window_bounds = array<i64: 1, 1024, 128>}]} {
    %get3A = arith.constant 0 : index
    %get3A_0 = arith.constant 0 : index
    %get3A_1 = vector.load %arg4[%get3A, %get3A_0] : memref<1024x128xf32, #tpu.memory_space<vmem>>, vector<1024x128xf32>
    %get3A_2 = arith.constant 0 : index
    %get3A_3 = arith.constant 0 : index
    %get3A_4 = arith.constant 0 : index
    %get3A_5 = vector.load %arg3[%get3A_2, %get3A_3, %get3A_4] : memref<1x128x1024xf32, #tpu.memory_space<vmem>>, vector<1x128x1024xf32>
    %get3A_6 = vector.shape_cast %get3A_5 : vector<1x128x1024xf32> to vector<128x1024xf32>
    %dot_general3A = arith.constant dense<0.000000e+00> : vector<1024x1024xf32>
    %dot_general3A_7 = tpu.matmul %get3A_1, %get3A_6, %dot_general3A {dimension_numbers = #tpu.dot_dimension_numbers<[1], [0], [0], [1], [0, 0, 1, 1], [], []>, transpose_lhs_hint = false} : vector<1024x128xf32>, vector<128x1024xf32>, vector<1024x1024xf32> -> vector<1024x1024xf32>
    %get3A_8 = arith.constant 0 : index
    %get3A_9 = arith.constant 0 : index
    %get3A_10 = vector.load %arg5[%get3A_8, %get3A_9] : memref<1024x1xf32, #tpu.memory_space<vmem>>, vector<1024x1xf32>
    %add3A = vector.broadcast %get3A_10 : vector<1024x1xf32> to vector<1024x1024xf32>
    %add3A_11 = arith.addf %dot_general3A_7, %add3A : vector<1024x1024xf32>
    %max3A = arith.constant 0.000000e+00 : f32
    %max3A_12 = vector.broadcast %max3A : f32 to vector<1024x1024xf32>
    %max3A_13 = arith.maximumf %add3A_11, %max3A_12 : vector<1024x1024xf32>
    %get3A_14 = arith.constant 0 : index
    %get3A_15 = arith.constant 0 : index
    %get3A_16 = arith.constant 0 : index
    %get3A_17 = vector.load %arg6[%get3A_14, %get3A_15, %get3A_16] : memref<1x1x1xf32, #tpu.memory_space<vmem>>, vector<1x1x1xf32>
    %get3A_18 = vector.extract %get3A_17[0, 0, 0] : f32 from vector<1x1x1xf32>
    %ge3A = vector.broadcast %get3A_18 : f32 to vector<1024x1024xf32>
    %ge3A_19 = arith.cmpf oge, %max3A_13, %ge3A : vector<1024x1024xf32>
    %convert_element_type3A = arith.extui %ge3A_19 : vector<1024x1024xi1> to vector<1024x1024xi32>
    %convert_element_type3A_20 = arith.sitofp %convert_element_type3A : vector<1024x1024xi32> to vector<1024x1024xf32>
    %eq3A = arith.cmpi eq, %arg1, %arg2 : i32
    %jit3A = arith.constant 1.000000e+00 : f32
    %jit3A_21 = arith.constant 0.000000e+00 : f32
    %select_n3A = arith.select %eq3A, %jit3A, %jit3A_21 : f32
    %get3A_22 = arith.constant 0 : index
    %get3A_23 = arith.constant 0 : index
    %get3A_24 = vector.load %arg7[%get3A_22, %get3A_23] : memref<1024x1024xf32, #tpu.memory_space<vmem>>, vector<1024x1024xf32>
    %mul3A = vector.broadcast %select_n3A : f32 to vector<1024x1024xf32>
    %mul3A_25 = arith.mulf %get3A_24, %mul3A : vector<1024x1024xf32>
    %max3A_26 = arith.maximumf %convert_element_type3A_20, %mul3A_25 : vector<1024x1024xf32>
    %get3A_27 = arith.constant 0 : index
    %get3A_28 = arith.constant 0 : index
    %get3A_29 = arith.constant 0 : index
    %get3A_30 = vector.load %arg8[%get3A_27, %get3A_28, %get3A_29] : memref<1x1024x128xf32, #tpu.memory_space<vmem>>, vector<1x1024x128xf32>
    %get3A_31 = vector.shape_cast %get3A_30 : vector<1x1024x128xf32> to vector<1024x128xf32>
    %dot_general3A_32 = arith.constant dense<0.000000e+00> : vector<1024x128xf32>
    %dot_general3A_33 = tpu.matmul %max3A_26, %get3A_31, %dot_general3A_32 {dimension_numbers = #tpu.dot_dimension_numbers<[1], [0], [0], [1], [0, 0, 1, 1], [], []>, transpose_lhs_hint = false} : vector<1024x1024xf32>, vector<1024x128xf32>, vector<1024x128xf32> -> vector<1024x128xf32>
    %eq3A_34 = arith.constant 0 : i32
    %eq3A_35 = arith.cmpi eq, %arg2, %eq3A_34 : i32
    %convert_element_type3A_36 = arith.extui %eq3A_35 : i1 to i32
    %cond3A = arith.constant 0 : i32
    %cond3A_37 = arith.cmpi ne, %convert_element_type3A_36, %cond3A : i32
    scf.if %cond3A_37 {
      %swap3A = arith.constant 0 : index
      %swap3A_47 = arith.constant 0 : index
      %swap3A_48 = arith.constant 0 : index
      %swap3A_49 = vector.load %arg11[%swap3A, %swap3A_47, %swap3A_48] : memref<1x1024x128xf32, #tpu.memory_space<vmem>>, vector<1x1024x128xf32>
      %swap3A_50 = vector.shape_cast %swap3A_49 : vector<1x1024x128xf32> to vector<1024x128xf32>
      %swap3A_51 = vector.shape_cast %dot_general3A_33 : vector<1024x128xf32> to vector<1x1024x128xf32>
      tpu.vector_store %arg11[%swap3A, %swap3A_47, %swap3A_48], %swap3A_51 {strides = array<i32>} : memref<1x1024x128xf32, #tpu.memory_space<vmem>>, vector<1x1024x128xf32>,
    } else {
    }
    %gt3A = arith.constant 0 : i32
    %gt3A_38 = arith.cmpi sgt, %arg2, %gt3A : i32
    %convert_element_type3A_39 = arith.extui %gt3A_38 : i1 to i32
    %cond3A_40 = arith.constant 0 : i32
    %cond3A_41 = arith.cmpi ne, %convert_element_type3A_39, %cond3A_40 : i32
    scf.if %cond3A_41 {
      %get3A_47 = arith.constant 0 : index
      %get3A_48 = arith.constant 0 : index
      %get3A_49 = arith.constant 0 : index
      %get3A_50 = vector.load %arg11[%get3A_47, %get3A_48, %get3A_49] : memref<1x1024x128xf32, #tpu.memory_space<vmem>>, vector<1x1024x128xf32>
      %get3A_51 = vector.shape_cast %get3A_50 : vector<1x1024x128xf32> to vector<1024x128xf32>
      %add3A_52 = arith.addf %get3A_51, %dot_general3A_33 : vector<1024x128xf32>
      %swap3A = arith.constant 0 : index
      %swap3A_53 = arith.constant 0 : index
      %swap3A_54 = arith.constant 0 : index
      %swap3A_55 = vector.load %arg11[%swap3A, %swap3A_53, %swap3A_54] : memref<1x1024x128xf32, #tpu.memory_space<vmem>>, vector<1x1024x128xf32>
      %swap3A_56 = vector.shape_cast %swap3A_55 : vector<1x1024x128xf32> to vector<1024x128xf32>
      %swap3A_57 = vector.shape_cast %add3A_52 : vector<1024x128xf32> to vector<1x1024x128xf32>
      tpu.vector_store %arg11[%swap3A, %swap3A_53, %swap3A_54], %swap3A_57 {strides = array<i32>} : memref<1x1024x128xf32, #tpu.memory_space<vmem>>, vector<1x1024x128xf32>,
    } else {
    }
    %eq3A_42 = arith.constant 1 : i32
    %eq3A_43 = arith.cmpi eq, %arg2, %eq3A_42 : i32
    %convert_element_type3A_44 = arith.extui %eq3A_43 : i1 to i32
    %cond3A_45 = arith.constant 0 : i32
    %cond3A_46 = arith.cmpi ne, %convert_element_type3A_44, %cond3A_45 : i32
    scf.if %cond3A_46 {
      %get3A_47 = arith.constant 0 : index
      %get3A_48 = arith.constant 0 : index
      %get3A_49 = vector.load %arg9[%get3A_47, %get3A_48] : memref<1024x1xf32, #tpu.memory_space<vmem>>, vector<1024x1xf32>
      %get3A_50 = arith.constant 0 : index
      %get3A_51 = arith.constant 0 : index
      %get3A_52 = arith.constant 0 : index
      %get3A_53 = vector.load %arg11[%get3A_50, %get3A_51, %get3A_52] : memref<1x1024x128xf32, #tpu.memory_space<vmem>>, vector<1x1024x128xf32>
      %get3A_54 = vector.shape_cast %get3A_53 : vector<1x1024x128xf32> to vector<1024x128xf32>
      %mul3A_55 = vector.broadcast %get3A_49 : vector<1024x1xf32> to vector<1024x128xf32>
      %mul3A_56 = arith.mulf %mul3A_55, %get3A_54 : vector<1024x128xf32>
      %get3A_57 = arith.constant 0 : index
      %get3A_58 = arith.constant 0 : index
      %get3A_59 = vector.load %arg10[%get3A_57, %get3A_58] : memref<1x128xf32, #tpu.memory_space<vmem>>, vector<1x128xf32>
      %add3A_60 = vector.broadcast %get3A_59 : vector<1x128xf32> to vector<1024x128xf32>
      %add3A_61 = arith.addf %mul3A_56, %add3A_60 : vector<1024x128xf32>
      %max3A_62 = arith.constant 0.000000e+00 : f32
      %max3A_63 = vector.broadcast %max3A_62 : f32 to vector<1024x128xf32>
      %max3A_64 = arith.maximumf %add3A_61, %max3A_63 : vector<1024x128xf32>
      %swap3A = arith.constant 0 : index
      %swap3A_65 = arith.constant 0 : index
      %swap3A_66 = arith.constant 0 : index
      %swap3A_67 = vector.load %arg11[%swap3A, %swap3A_65, %swap3A_66] : memref<1x1024x128xf32, #tpu.memory_space<vmem>>, vector<1x1024x128xf32>
      %swap3A_68 = vector.shape_cast %swap3A_67 : vector<1x1024x128xf32> to vector<1024x128xf32>
      %swap3A_69 = vector.shape_cast %max3A_64 : vector<1024x128xf32> to vector<1x1024x128xf32>
      tpu.vector_store %arg11[%swap3A, %swap3A_65, %swap3A_66], %swap3A_69 {strides = array<i32>} : memref<1x1024x128xf32, #tpu.memory_space<vmem>>, vector<1x1024x128xf32>,
    } else {
    }
    return
  }
  func.func @transform_0(%arg0: i32, %arg1: i32, %arg2: i32) -> (i32, i32, i32) {
    %c0_i32 = arith.constant 0 : i32
    %c0_i32_0 = arith.constant 0 : i32
    return %arg0, %c0_i32, %arg2 : i32, i32, i32
  }
  func.func @transform_1(%arg0: i32, %arg1: i32, %arg2: i32) -> (i32, i32) {
    %c0_i32 = arith.constant 0 : i32
    %c0_i32_0 = arith.constant 0 : i32
    return %arg1, %c0_i32 : i32, i32
  }
  func.func @transform_2(%arg0: i32, %arg1: i32, %arg2: i32) -> (i32, i32) {
    %c0_i32 = arith.constant 0 : i32
    %c0_i32_0 = arith.constant 0 : i32
    return %arg1, %c0_i32 : i32, i32
  }
  func.func @transform_3(%arg0: i32, %arg1: i32, %arg2: i32) -> (i32, i32, i32) {
    %c0_i32 = arith.constant 0 : i32
    %c0_i32_0 = arith.constant 0 : i32
    %c0_i32_1 = arith.constant 0 : i32
    return %arg0, %c0_i32, %c0_i32_0 : i32, i32, i32
  }
  func.func @transform_4(%arg0: i32, %arg1: i32, %arg2: i32) -> (i32, i32) {
    %c0_i32 = arith.constant 0 : i32
    %c0_i32_0 = arith.constant 0 : i32
    %c0_i32_1 = arith.constant 0 : i32
    return %c0_i32, %c0_i32_0 : i32, i32
  }
  func.func @transform_5(%arg0: i32, %arg1: i32, %arg2: i32) -> (i32, i32, i32) {
    %c0_i32 = arith.constant 0 : i32
    %c0_i32_0 = arith.constant 0 : i32
    return %arg0, %arg2, %c0_i32 : i32, i32, i32
  }
  func.func @transform_6(%arg0: i32, %arg1: i32, %arg2: i32) -> (i32, i32) {
    %mul3A = arith.constant 2 : i32
    %mul3A_0 = arith.muli %arg0, %mul3A : i32
    %add3A = arith.addi %mul3A_0, %arg1 : i32
    %c0_i32 = arith.constant 0 : i32
    %c0_i32_1 = arith.constant 0 : i32
    return %add3A, %c0_i32 : i32, i32
  }
  func.func @transform_7(%arg0: i32, %arg1: i32, %arg2: i32) -> (i32, i32) {
    %c0_i32 = arith.constant 0 : i32
    %c0_i32_0 = arith.constant 0 : i32
    %c0_i32_1 = arith.constant 0 : i32
    return %c0_i32, %c0_i32_0 : i32, i32
  }
  func.func @transform_8(%arg0: i32, %arg1: i32, %arg2: i32) -> (i32, i32, i32) {
    %c0_i32 = arith.constant 0 : i32
    %c0_i32_0 = arith.constant 0 : i32
    return %arg0, %arg1, %c0_i32 : i32, i32, i32
  }
}

module attributes {stable_mosaic.version = 14 : i64} {
  func.func @body(%arg0: i32, %arg1: memref<2x1x1024x128xf32, #tpu.memory_space<vmem>>, %arg2: memref<1x1024x128xf32, #tpu.memory_space<vmem>>, %arg3: memref<1024x1xf32, #tpu.memory_space<vmem>>, %arg4: memref<1x128xf32, #tpu.memory_space<vmem>>, %arg5: memref<1x1024x128xf32, #tpu.memory_space<vmem>>) attributes {dimension_semantics = [#tpu.dimension_semantics<arbitrary>], iteration_bounds = array<i64: 2>, scalar_prefetch = 0 : i64, scratch_operands = 0 : i64, tpu.core_type = #tpu.core_type<tc>, window_params = [{transform_indices = @transform_0, window_bounds = array<i64: 2, 1, 1024, 128>}, {transform_indices = @transform_1, window_bounds = array<i64: 1, 1024, 128>}, {transform_indices = @transform_2, window_bounds = array<i64: 1024, 1>}, {pipeline_mode = #tpu.pipeline_mode<synchronous>, transform_indices = @transform_3, window_bounds = array<i64: 1, 128>}, {transform_indices = @transform_4, window_bounds = array<i64: 1, 1024, 128>}]} {
    %get3A = arith.constant 0 : index
    %get3A_0 = arith.constant 0 : index
    %get3A_1 = arith.constant 0 : index
    %get3A_2 = arith.constant 0 : index
    %get3A_3 = vector.load %arg1[%get3A, %get3A_0, %get3A_1, %get3A_2] : memref<2x1x1024x128xf32, #tpu.memory_space<vmem>>, vector<1x1x1024x128xf32>
    %get3A_4 = vector.shape_cast %get3A_3 : vector<1x1x1024x128xf32> to vector<1024x128xf32>
    %get3A_5 = arith.constant 1 : index
    %get3A_6 = arith.constant 0 : index
    %get3A_7 = arith.constant 0 : index
    %get3A_8 = arith.constant 0 : index
    %get3A_9 = vector.load %arg1[%get3A_5, %get3A_6, %get3A_7, %get3A_8] : memref<2x1x1024x128xf32, #tpu.memory_space<vmem>>, vector<1x1x1024x128xf32>
    %get3A_10 = vector.shape_cast %get3A_9 : vector<1x1x1024x128xf32> to vector<1024x128xf32>
    %add3A = arith.addf %get3A_4, %get3A_10 : vector<1024x128xf32>
    %get3A_11 = arith.constant 0 : index
    %get3A_12 = arith.constant 0 : index
    %get3A_13 = arith.constant 0 : index
    %get3A_14 = vector.load %arg2[%get3A_11, %get3A_12, %get3A_13] : memref<1x1024x128xf32, #tpu.memory_space<vmem>>, vector<1x1024x128xf32>
    %get3A_15 = vector.shape_cast %get3A_14 : vector<1x1024x128xf32> to vector<1024x128xf32>
    %add3A_16 = arith.addf %add3A, %get3A_15 : vector<1024x128xf32>
    %get3A_17 = arith.constant 0 : index
    %get3A_18 = arith.constant 0 : index
    %get3A_19 = vector.load %arg3[%get3A_17, %get3A_18] : memref<1024x1xf32, #tpu.memory_space<vmem>>, vector<1024x1xf32>
    %mul3A = vector.broadcast %get3A_19 : vector<1024x1xf32> to vector<1024x128xf32>
    %mul3A_20 = arith.mulf %mul3A, %add3A_16 : vector<1024x128xf32>
    %get3A_21 = arith.constant 0 : index
    %get3A_22 = arith.constant 0 : index
    %get3A_23 = vector.load %arg4[%get3A_21, %get3A_22] : memref<1x128xf32, #tpu.memory_space<vmem>>, vector<1x128xf32>
    %add3A_24 = vector.broadcast %get3A_23 : vector<1x128xf32> to vector<1024x128xf32>
    %add3A_25 = arith.addf %mul3A_20, %add3A_24 : vector<1024x128xf32>
    %swap3A = arith.constant 0 : index
    %swap3A_26 = arith.constant 0 : index
    %swap3A_27 = arith.constant 0 : index
    %swap3A_28 = vector.load %arg5[%swap3A, %swap3A_26, %swap3A_27] : memref<1x1024x128xf32, #tpu.memory_space<vmem>>, vector<1x1024x128xf32>
    %swap3A_29 = vector.shape_cast %swap3A_28 : vector<1x1024x128xf32> to vector<1024x128xf32>
    %swap3A_30 = vector.shape_cast %add3A_25 : vector<1024x128xf32> to vector<1x1024x128xf32>
    tpu.vector_store %arg5[%swap3A, %swap3A_26, %swap3A_27], %swap3A_30 {strides = array<i32>} : memref<1x1024x128xf32, #tpu.memory_space<vmem>>, vector<1x1024x128xf32>,
    return
  }
  func.func @transform_0(%arg0: i32) -> (i32, i32, i32, i32) {
    %c0_i32 = arith.constant 0 : i32
    %c0_i32_0 = arith.constant 0 : i32
    %c0_i32_1 = arith.constant 0 : i32
    %c0_i32_2 = arith.constant 0 : i32
    return %c0_i32, %c0_i32_0, %arg0, %c0_i32_1 : i32, i32, i32, i32
  }
  func.func @transform_1(%arg0: i32) -> (i32, i32, i32) {
    %c0_i32 = arith.constant 0 : i32
    %c0_i32_0 = arith.constant 0 : i32
    %c0_i32_1 = arith.constant 0 : i32
    return %c0_i32, %arg0, %c0_i32_0 : i32, i32, i32
  }
  func.func @transform_2(%arg0: i32) -> (i32, i32) {
    %c0_i32 = arith.constant 0 : i32
    %c0_i32_0 = arith.constant 0 : i32
    return %arg0, %c0_i32 : i32, i32
  }
  func.func @transform_3(%arg0: i32) -> (i32, i32) {
    %c0_i32 = arith.constant 0 : i32
    %c0_i32_0 = arith.constant 0 : i32
    %c0_i32_1 = arith.constant 0 : i32
    return %c0_i32, %c0_i32_0 : i32, i32
  }
  func.func @transform_4(%arg0: i32) -> (i32, i32, i32) {
    %c0_i32 = arith.constant 0 : i32
    %c0_i32_0 = arith.constant 0 : i32
    %c0_i32_1 = arith.constant 0 : i32
    return %c0_i32, %arg0, %c0_i32_0 : i32, i32, i32
  }
}

module attributes {stable_mosaic.version = 14 : i64} {
  func.func @body(%arg0: i32, %arg1: memref<512x128xf32, #tpu.memory_space<vmem>>, %arg2: memref<512x128xf32, #tpu.memory_space<vmem>>, %arg3: memref<1x128xf32, #tpu.memory_space<vmem>>, %arg4: memref<128x128xf32, #tpu.memory_space<vmem>>, %arg5: memref<1x128xf32, #tpu.memory_space<vmem>>, %arg6: memref<512x128xf32, #tpu.memory_space<vmem>>) attributes {dimension_semantics = [#tpu.dimension_semantics<arbitrary>], iteration_bounds = array<i64: 16>, scalar_prefetch = 0 : i64, scratch_operands = 0 : i64, tpu.core_type = #tpu.core_type<tc>, window_params = [{transform_indices = @transform_0, window_bounds = array<i64: 512, 128>}, {transform_indices = @transform_1, window_bounds = array<i64: 512, 128>}, {pipeline_mode = #tpu.pipeline_mode<synchronous>, transform_indices = @transform_2, window_bounds = array<i64: 1, 128>}, {pipeline_mode = #tpu.pipeline_mode<synchronous>, transform_indices = @transform_3, window_bounds = array<i64: 128, 128>}, {pipeline_mode = #tpu.pipeline_mode<synchronous>, transform_indices = @transform_4, window_bounds = array<i64: 1, 128>}, {transform_indices = @transform_5, window_bounds = array<i64: 512, 128>}]} {
    %lt3A = arith.constant 4 : i32
    %lt3A_0 = arith.cmpi slt, %arg0, %lt3A : i32
    %get3A = arith.constant 0 : index
    %get3A_1 = arith.constant 0 : index
    %get3A_2 = vector.load %arg1[%get3A, %get3A_1] : memref<512x128xf32, #tpu.memory_space<vmem>>, vector<512x128xf32>
    %get3A_3 = arith.constant 0 : index
    %get3A_4 = arith.constant 0 : index
    %get3A_5 = vector.load %arg2[%get3A_3, %get3A_4] : memref<512x128xf32, #tpu.memory_space<vmem>>, vector<512x128xf32>
    %get3A_6 = arith.constant 0 : index
    %get3A_7 = arith.constant 0 : index
    %get3A_8 = vector.load %arg3[%get3A_6, %get3A_7] : memref<1x128xf32, #tpu.memory_space<vmem>>, vector<1x128xf32>
    %add3A = vector.broadcast %get3A_8 : vector<1x128xf32> to vector<512x128xf32>
    %add3A_9 = arith.addf %get3A_5, %add3A : vector<512x128xf32>
    %select_n3A = arith.select %lt3A_0, %get3A_2, %add3A_9 : vector<512x128xf32>
    %get3A_10 = arith.constant 0 : index
    %get3A_11 = arith.constant 0 : index
    %get3A_12 = vector.load %arg4[%get3A_10, %get3A_11] : memref<128x128xf32, #tpu.memory_space<vmem>>, vector<128x128xf32>
    %dot_general3A = arith.constant dense<0.000000e+00> : vector<512x128xf32>
    %dot_general3A_13 = tpu.matmul %select_n3A, %get3A_12, %dot_general3A {dimension_numbers = #tpu.dot_dimension_numbers<[1], [0], [0], [1], [0, 0, 1, 1], [], []>, transpose_lhs_hint = false} : vector<512x128xf32>, vector<128x128xf32>, vector<512x128xf32> -> vector<512x128xf32>
    %get3A_14 = arith.constant 0 : index
    %get3A_15 = arith.constant 0 : index
    %get3A_16 = vector.load %arg5[%get3A_14, %get3A_15] : memref<1x128xf32, #tpu.memory_space<vmem>>, vector<1x128xf32>
    %add3A_17 = vector.broadcast %get3A_16 : vector<1x128xf32> to vector<512x128xf32>
    %add3A_18 = arith.addf %dot_general3A_13, %add3A_17 : vector<512x128xf32>
    %swap3A = arith.constant 0 : index
    %swap3A_19 = arith.constant 0 : index
    %swap3A_20 = vector.load %arg6[%swap3A, %swap3A_19] : memref<512x128xf32, #tpu.memory_space<vmem>>, vector<512x128xf32>
    tpu.vector_store %arg6[%swap3A, %swap3A_19], %add3A_18 {strides = array<i32>} : memref<512x128xf32, #tpu.memory_space<vmem>>, vector<512x128xf32>,
    return
  }
  func.func @transform_0(%arg0: i32) -> (i32, i32) {
    %jit3A = arith.constant 4 : i32
    %eq3A = arith.constant 0 : i32
    %eq3A_0 = arith.cmpi eq, %jit3A, %eq3A : i32
    %jit3A_1 = arith.constant 1 : i32
    %select_n3A = arith.select %eq3A_0, %jit3A_1, %jit3A : i32
    %rem3A = arith.remsi %arg0, %select_n3A : i32
    %ne3A = arith.constant 0 : i32
    %ne3A_2 = arith.cmpi ne, %rem3A, %ne3A : i32
    %lt3A = arith.constant 0 : i32
    %lt3A_3 = arith.cmpi slt, %rem3A, %lt3A : i32
    %lt3A_4 = arith.constant 0 : i32
    %lt3A_5 = arith.cmpi slt, %select_n3A, %lt3A_4 : i32
    %ne3A_6 = arith.xori %lt3A_3, %lt3A_5 : i1
    %and3A = arith.andi %ne3A_6, %ne3A_2 : i1
    %add3A = arith.addi %rem3A, %select_n3A : i32
    %select_n3A_7 = arith.select %and3A, %add3A, %rem3A : i32
    %c0_i32 = arith.constant 0 : i32
    %c0_i32_8 = arith.constant 0 : i32
    return %select_n3A_7, %c0_i32 : i32, i32
  }
  func.func @transform_1(%arg0: i32) -> (i32, i32) {
    %c0_i32 = arith.constant 0 : i32
    %c0_i32_0 = arith.constant 0 : i32
    return %arg0, %c0_i32 : i32, i32
  }
  func.func @transform_2(%arg0: i32) -> (i32, i32) {
    %c0_i32 = arith.constant 0 : i32
    %c0_i32_0 = arith.constant 0 : i32
    %c0_i32_1 = arith.constant 0 : i32
    return %c0_i32, %c0_i32_0 : i32, i32
  }
  func.func @transform_3(%arg0: i32) -> (i32, i32) {
    %c0_i32 = arith.constant 0 : i32
    %c0_i32_0 = arith.constant 0 : i32
    %c0_i32_1 = arith.constant 0 : i32
    return %c0_i32, %c0_i32_0 : i32, i32
  }
  func.func @transform_4(%arg0: i32) -> (i32, i32) {
    %c0_i32 = arith.constant 0 : i32
    %c0_i32_0 = arith.constant 0 : i32
    %c0_i32_1 = arith.constant 0 : i32
    return %c0_i32, %c0_i32_0 : i32, i32
  }
  func.func @transform_5(%arg0: i32) -> (i32, i32) {
    %c0_i32 = arith.constant 0 : i32
    %c0_i32_0 = arith.constant 0 : i32
    return %arg0, %c0_i32 : i32, i32
  }
}

</mosaic_0001>

<sc_bundles>
// kernel: kernel.18.cloned.1.call-start
scs
__scs_entry_jumppad:
0x0: {  	(pc) =	sbr.rel $0x88, $3  }
0x1: {  	(tag) =	ssettag $0x0;
	lr =	simm.s32 $0x1  }
0x2: {  	[smem:$0x3F93] =	sst lr;
	_ =	strace $0xD0000000  }
0x3: {  	_ = 	snop  }
0x4: {  	_ = 	snop  }
0x5: {  	_ = 	snop  }
0x6: {  	_ = 	snop  }
0x7: {  	_ = 	snop  }
__scs_overlays_trampoline_lowered:
0x8: {  	[smem:$0x3FA2] =	sst s0  }
0x9: {  	[smem:$0x3FA3] =	sst s1  }
0xa: {  	[smem:$0x3FA4] =	sst s2  }
0xb: {  	[smem:$0x3FA5] =	sst s3  }
0xc: {  	[smem:$0x3FA6] =	sst s4  }
0xd: {  	[smem:$0x3FA7] =	sst s5  }
0xe: {  	[smem:$0x3FA8] =	sst s6  }
0xf: {  	[smem:$0x3FA9] =	sst s7  }
0x10: {  	[smem:$0x3FAA] =	sst s8  }
0x11: {  	[smem:$0x3FAB] =	sst s9;
	s0 =	simm.s32 @!p0 $0x0  }
0x12: {  	s1 =	sld [smem:$0x3F91];
	s0 =	simm.s32 @p0 $0x1  }
0x13: {  	[smem:$0x3FAC] =	sst s0;
	s0 =	simm.s32 @!p1 $0x0  }
0x14: {  	s2 =	sld [smem:$0x3F90];
	s0 =	simm.s32 @p1 $0x1  }
0x15: {  	[smem:$0x3FAD] =	sst s0;
	s0 =	simm.s32 @!p2 $0x0  }
0x16: {  	s3 =	sld [smem:$0x3FDB];
	s0 =	simm.s32 @p2 $0x1  }
0x17: {  	s4 =	simm.s32 $0x1BF5;
	[smem:$0x3FAF] =	sst s0  }
0x18: {  	s0 =	sld [smem:$0x3F92];
	_ =	swait.ge [sflag:s4], $0x0  }
0x19: {  	s7 =	sld [smem:$0x3F93]  }
0x1a: {  	s8 =	sadd.s32 $0xFFFFE003, lr  }
0x1b: {  	s9 =	sadd.s32 $0xFFFFFEF7, lr;
	s5 =	simm.s32 $0xFFFFFFFF;
	p2 =	slt.u32 s8, $0xFFFFF086  }
0x1c: {  	p1 =	slt.u32 s9, $0xF7A;
	s5 =	simm.s32 @!p2 $0x0  }
0x1d: {  	s5 =	simm.s32 @p1 $0x1;
	p0 =	seq.s32 s7, s2  }
0x1e: {  	s7 =	smul.u32 @!p0 $0xF7A, s2;
	p2 =	seq.s32 @!p0 s5, $0x0  }
0x1f: {  	s9 =	smul.u32 $0xF7A, s1;
	s8 =	simm.s32 @!p0 $0x1BF5;
	p2 =	por !p2, p0  }
0x20: {  	[sflag:s8] =	ssyncset.s32 @!p0 $0xFFFFF086;
	s6 =	sadd.s32 @!p0 s3, s7;
	s7 =	simm.s32 @!p0 $0x108  }
0x21: {  	s3 =	sadd.s32 s3, s9;
	s6 =	sadd.s32 @!p0 $0x88, s6;
	s7 =	simm.s32 @p2 $0x1082  }
0x22: {  	[simem:s7], [sflag:s8] =	dma.local @!p0 [hbm:s6], $0xF7A  }
0x23: {  	s9 =	sor.u32 $0xD0000000, s2;
	s6 =	simm.s32 $0x108;
	_ =	swait.ge @!p0 [sflag:s8], $0x0  }
0x24: {  	s3 =	sadd.s32 $0x88, s3;
	s6 =	simm.s32 @!p1 $0x1082;
	[sflag:s4] =	ssyncset.s32 $0xFFFFF086  }
0x25: {  	[simem:s6], [sflag:s4] =	dma.local [hbm:s3], $0xF7A  }
0x26: {  	[smem:$0x3F93] =	sst s1;
	(tag) =	ssettag s2;
	_ =	strace s9  }
0x27: {  	s1 =	sld [smem:$0x3FA3]  }
0x28: {  	s2 =	sld [smem:$0x3FA4]  }
0x29: {  	s4 =	sld [smem:$0x3FA6]  }
0x2a: {  	p0 =	seq.s32 s5, $0x0;
	s5 =	sld [smem:$0x3FA7]  }
0x2b: {  	s6 =	sld [smem:$0x3FA8]  }
0x2c: {  	s7 =	sld [smem:$0x3FA9]  }
0x2d: {  	s3 =	simm.s32 $0x108;
	s8 =	sld [smem:$0x3FAA]  }
0x2e: {  	s3 =	simm.s32 @!p0 $0x1082;
	s9 =	sld [smem:$0x3FAB]  }
0x2f: {  	lr =	sadd.s32 s0, s3;
	s0 =	sld [smem:$0x3FA2]  }
0x30: {  	s3 =	sld [smem:$0x3FA5]  }
0x31: {  	[smem:$0x3FAE] =	sst s10  }
0x32: {  	s10 =	sld [smem:$0x3FAC];
	_ =	sdelay $0x3  }
0x33: {  	p0 =	seq.s32 s10, $0x1;
	s10 =	sld [smem:$0x3FAE];
	_ =	sdelay $0x3  }
0x34: {  	[smem:$0x3FAE] =	sst s10  }
0x35: {  	s10 =	sld [smem:$0x3FAD];
	_ =	sdelay $0x3  }
0x36: {  	p1 =	seq.s32 s10, $0x1;
	s10 =	sld [smem:$0x3FAE];
	_ =	sdelay $0x3  }
0x37: {  	[smem:$0x3FAE] =	sst s10  }
0x38: {  	s10 =	sld [smem:$0x3FAF]  }
0x39: {  	_ = 	snop;
	(pc) =	sbr.ind lr, $3  }
0x3a: {  	_ = 	snop  }
0x3b: {  	_ = 	snop  }
0x3c: {  	p2 =	seq.s32 s10, $0x1;
	s10 =	sld [smem:$0x3FAE]  }
0x3d: {  	_ =	shalt  }
0x3e: {  	_ =	shalt  }
0x3f: {  	_ =	shalt  }
0x40: {  	_ =	shalt  }
0x41: {  	_ =	shalt  }
0x42: {  	_ =	shalt  }
0x43: {  	_ =	shalt  }
0x44: {  	_ =	shalt  }
0x45: {  	_ =	shalt  }
0x46: {  	_ =	shalt  }
0x47: {  	_ =	shalt  }
0x48: {  	_ =	shalt  }
0x49: {  	_ =	shalt  }
0x4a: {  	_ =	shalt  }
0x4b: {  	_ =	shalt  }
0x4c: {  	_ =	shalt  }
0x4d: {  	_ =	shalt  }
0x4e: {  	_ =	shalt  }
0x4f: {  	_ =	shalt  }
0x50: {  	_ =	shalt  }
0x51: {  	_ =	shalt  }
0x52: {  	_ =	shalt  }
0x53: {  	_ =	shalt  }
0x54: {  	_ =	shalt  }
0x55: {  	_ =	shalt  }
0x56: {  	_ =	shalt  }
0x57: {  	_ =	shalt  }
0x58: {  	_ =	shalt  }
0x59: {  	_ =	shalt  }
0x5a: {  	_ =	shalt  }
0x5b: {  	_ =	shalt  }
0x5c: {  	_ =	shalt  }
0x5d: {  	_ =	shalt  }
0x5e: {  	_ =	shalt  }
0x5f: {  	_ =	shalt  }
0x60: {  	_ =	shalt  }
0x61: {  	_ =	shalt  }
0x62: {  	_ =	shalt  }
0x63: {  	_ =	shalt  }
0x64: {  	_ =	shalt  }
0x65: {  	_ =	shalt  }
0x66: {  	_ =	shalt  }
0x67: {  	_ =	shalt  }
0x68: {  	_ =	shalt  }
0x69: {  	_ =	shalt  }
0x6a: {  	_ =	shalt  }
0x6b: {  	_ =	shalt  }
0x6c: {  	_ =	shalt  }
0x6d: {  	_ =	shalt  }
0x6e: {  	_ =	shalt  }
0x6f: {  	_ =	shalt  }
0x70: {  	_ =	shalt  }
0x71: {  	_ =	shalt  }
0x72: {  	_ =	shalt  }
0x73: {  	_ =	shalt  }
0x74: {  	_ =	shalt  }
0x75: {  	_ =	shalt  }
0x76: {  	_ =	shalt  }
0x77: {  	_ =	shalt  }
0x78: {  	_ =	shalt  }
0x79: {  	_ =	shalt  }
0x7a: {  	_ =	shalt  }
0x7b: {  	_ =	shalt  }
0x7c: {  	_ =	shalt  }
0x7d: {  	_ =	shalt  }
0x7e: {  	_ =	shalt  }
0x7f: {  	_ =	shalt  }
0x80: {  	_ =	shalt  }
0x81: {  	_ =	shalt  }
0x82: {  	_ =	shalt  }
0x83: {  	_ =	shalt  }
0x84: {  	_ =	shalt  }
0x85: {  	_ =	shalt  }
0x86: {  	_ =	shalt  }
0x87: {  	_ =	shalt  }
.Lfunc_end0:
.L_simem_size_0:
called_computation_lowered:
.L_overlay_start_0:
0x88: {  	s2 =	sld [smem:$0x3FD9]  }
0x89: {  	s3 =	sld [smem:$0x3FFE];
	_ =	sdelay $0x1  }
0x8a: {  	s1 =	srdreg.scid  }
0x8b: {  	s0 =	sand.u32 $0x1, s1  }
0x8c: {  	s14 =	sshll.u32 s0, $0xA;
	s2 =	sadd.s32 s3, s2  }
0x8d: {  	s2 =	sadd.s32 s2, s14  }
0x8e: {  	[smem:$0x3FBA] =	sst s2  }
0x8f: {  	_ = 	snop  }
0x90: {  	s2 =	sld [smem:$0x3FD0];
	_ =	sdelay $0x2  }
0x91: {  	s15 =	simm.s32 $0xA;
	s4 =	simm.s32 $0x10  }
0x92: {  	[smem:s4], [sflag:s15] =	dma.local [hbm:s2], $0x1  }
0x93: {  	_ =	swait.eq [sflag:s15], $0x1  }
0x94: {  	[sflag:s15] =	ssyncset.done $0x0  }
0x95: {  	[sflag:s15] =	ssyncadd.s32 $0xFFFFFFFF  }
0x96: {  	s16 =	sld [smem:$0x10];
	(tm) =	ssettm $0x1  }
0x97: {  	s17 =	sld [smem:$0x3FFB];
	_ =	sdelay $0x3  }
0x98: {  	_ =	strace s17  }
0x99: {  	s3 =	sld [smem:$0x3FFC];
	_ =	sdelay $0x3  }
0x9a: {  	_ =	strace s3  }
0x9b: {  	s3 =	sld [smem:$0x3FFD];
	_ =	sdelay $0x3  }
0x9c: {  	_ =	strace s3  }
0x9d: {  	_ =	strace $0x8FFFFFFF  }
0x9e: {  	s18 =	sld [smem:$0x3FDB];
	_ =	sdelay $0x1  }
0x9f: {  	s19 =	simm.s32 $_scs_section_size  }
0xa0: {  	s5 =	simm.s32 $_size__tile_overlayer_lowered;
	s6 =	simm.s32 $_tile_overlayer_lowered  }
0xa1: {  	s22 =	simm.s32 $0x1BFF;
	s21 =	sshll.u32 s6, $0x1;
	s3 =	sadd.s32 s19, s18  }
0xa2: {  	s7 =	simm.s32 $0x0;
	s20 =	sshll.u32 s5, $0x1;
	s5 =	sadd.s32 s21, s3  }
0xa3: {  	[timem:s7], [sflag:s22] =	dma.local [hbm:s5], s20  }
0xa4: {  	_ =	swait.ge [sflag:s22], s20  }
0xa5: {  	s4 =	ssub.s32 $0x0, s20;
	[sflag:s22] =	ssyncset.done $0x0  }
0xa6: {  	[sflag:s22] =	ssyncadd.s32 s4;
	_ =	sdelay $0x1  }
0xa7: {  	s23 =	simm.s32 $0x1B8B  }
0xa8: {  	_ =	swait.ge [sflag:s23], $0x1  }
0xa9: {  	[sflag:s23] =	ssyncset.done $0x0  }
0xaa: {  	s25 =	simm.s32 $0x1B8E;
	s24 =	sld [smem:$0x3FFE];
	[sflag:s23] =	ssyncadd.s32 $0xFFFFFFFF  }
0xab: {  	s26 =	simm.s32 $execute0_lowered;
	[smem:$0x3FD2] =	sst s25  }
0xac: {  	s5 =	sshll.u32 s26, $0x1;
	_ =	strace $0x80000046;
	[dreg:$0x1] =	wrdreg $0xFFFFFFFF  }
0xad: {  	s28 =	simm.s32 $_size_execute0_lowered;
	s3 =	sadd.s32 s3, s5;
	[dreg:$0x0] =	wrdreg $0x0  }
0xae: {  	s5 =	sshll.u32 s28, $0x1;
	[dreg:$0x2] =	wrdreg s3  }
0xaf: {  	[dreg:$0x3] =	wrdreg s5  }
0xb0: {  	[dreg:$0x4] =	wrdreg $0xC0  }
0xb1: {  	_ =	task [dreg:s7], $0x5FFFF  }
0xb2: {  	[dreg:$0x1] =	wrdreg $0xFFFFFFFF  }
0xb3: {  	[dreg:$0x0] =	wrdreg $0x60  }
0xb4: {  	[dreg:$0x2] =	wrdreg s16  }
0xb5: {  	[dreg:$0x3] =	wrdreg s24  }
0xb6: {  	[dreg:$0x4] =	wrdreg $0x0  }
0xb7: {  	[dreg:$0x5] =	wrdreg $0x9  }
0xb8: {  	_ =	task.clear_ibuf [dreg:s7], $0x6FFFF;
	_ =	strace $0x90000046  }
0xb9: {  	s29 =	simm.s32 $0x9;
	_ =	strace $0x80000048  }
0xba: {  	_ =	swait.ge [sflag:s29], $0x1  }
0xbb: {  	[sflag:s29] =	ssyncadd.s32 $0xFFFFFFFF  }
0xbc: {  	_ =	strace $0x90000048  }
0xbd: {  	_ =	sfence  }
0xbe: {  	s30 =	sld [smem:$0x0];
	_ =	sdelay $0x2  }
0xbf: {  	s31 =	sshll.u32 s1, $0xD;
	s1 =	sshrl.u32 s1, $0x2  }
0xc0: {  	s3 =	sand.u32 $0x4000, s31;
	s1 =	sadd.s32 s1, s30  }
0xc1: {  	s0 =	sor.u32 s3, s0;
	s1 =	sshll.u32 s1, $0x11  }
0xc2: {  	s0 =	sor.u32 s1, s0  }
0xc3: {  	s0 =	sadd.s32 $0x8F2B, s0  }
0xc4: {  	[sflag:s0] =	ssyncadd.remote.s32 $0x1  }
0xc5: {  	_ =	sfence.sel $0xFFFF  }
0xc6: {  	[dreg:$0x0] =	wrdreg $0xFFFFFFFF;
	(pc) =	sbr.abs _section_cstart, $3  }
0xc7: {  	[dreg:$0x1] =	wrdreg $0xFFFFFFFF  }
0xc8: {  	_ =	task.clear_ibuf [dreg:s7], $0x2FFFF;
	_ =	strace $0x9FFFFFFF  }
0xc9: {  	(tm) =	ssettm $0x7FFFFFFF  }
tec
execute0_lowered:
.L_overlay_start_1:
0x0: {  	(tag) =	ssettag $0x1  }
0x1: {  	s1 =	rddreg [dreg:$0x0]  }
0x2: {  	s6 =	rddreg [dreg:$0x1]  }
0x3: {  	s2 =	rddreg [dreg:$0x2]  }
0x4: {  	s0 =	rddreg [dreg:$0x3];
	s3 =	simm.s32 $0x0;
	s4 =	srdreg.scid  }
0x5: {  	s13 =	simm.s32 $0x8000;
	s14 =	simm.s32 $0x80;
	s15 =	simm.s32 $0x8080  }
0x6: {  	s16 =	simm.s32 $0x0;
	[smem:$0x7FF] =	sst s3;
	s7 =	sand.u32 $0x1, s4  }
0x7: {  	s4 =	stileid.u32;
	_ =	strace $0x80000047;
	s5 =	sshll.u32 s7, $0xD  }
0x8: {  	s8 =	ssub.s32 $0x2, s7;
	s10 =	sshll.u32 s4, $0xB;
	s29 =	sshll.u32 s4, $0xE  }
0x9: {  	s30 =	sshll.u32 s4, $0x9;
	s7 =	sshll.u32 s7, $0xF;
	s31 =	sshll.u32 s4, $0x6  }
0xa: {  	s9 =	sadd.s32 s5, s6;
	s11 =	sshrl.u32 s8, $0x1;
	s5 =	sadd.s32 $0x9E00, s6  }
0xb: {  	s6 =	sadd.s32 s10, s6;
	s12 =	sadd.s32 s29, s2;
	s10 =	simm.s32 $0x1  }
0xc: {  	s8 =	ssub.s32 s8, s11;
	s6 =	sadd.s32 s7, s6;
	s9 =	sadd.s32 s30, s9  }
0xd: {  	s11 =	sor.u32 $0x1C01, s31;
	s12 =	sshrl.u32 s12, $0x3;
	s6 =	sadd.s32 $0xA600, s6  }
0xe: {  	s7 =	smax.u32 s8, $0x1;
	s8 =	sadd.s32 $0x1E00, s9;
	s9 =	simm.s32 $0x4000  }
.LBB2_1:
0xf: {  	[tilespmem:s9], [sflag:$0x1] =	stream.linear.gather [hbm4b:s1+s3], $0x4000, $0x38;
	[tilespmem:$0x8100] =	vst v63  }
0x10: {  	_ =	swait.ge [sflag:s10], $0x4000  }
0x11: {  	[sflag:s10] =	ssyncset.done $0x0  }
0x12: {  	[sflag:s10] =	ssyncadd.s32 $0xFFFFC000  }
0x13: {  	[spmem:s12], [sflag:s11] =	dma.local [hbm:s5], $0x800  }
0x14: {  	_ =	swait.ge [sflag:s10], $0x800  }
0x15: {  	[sflag:s10] =	ssyncset.done $0x0  }
0x16: {  	[sflag:s10] =	ssyncadd.s32 $0xFFFFF800  }
0x17: {  	s17 =	sadd.s32 $0x0, s8;
	[bflag:$0x0] =	sbarrier.arrive $0xFFFF  }
0x18: {  	[tilespmem:s13], [sflag:$0x1] =	stream.linear.gather [hbm4b:s17+s3], $0x100, $0x38;
	[tilespmem:$0x8100] =	vst v63  }
0x19: {  	_ =	swait.ge [sflag:s10], $0x100  }
0x1a: {  	[sflag:s10] =	ssyncset.done $0x0  }
0x1b: {  	[sflag:s10] =	ssyncadd.s32 $0xFFFFFF00  }
0x1c: {  	[spmem:s2] =	stream.indirect.scatter.add.f32 [tilespmem:s9], [sflag:$0x1], $0x80, s15, s14, $0xb8;
	[tilespmem:$0x8100] =	vst v63  }
0x1d: {  	_ =	swait.ge [sflag:s10], $0x4000  }
0x1e: {  	s18 =	simm.s32 $0x40;
	s17 =	simm.s32 $0x20;
	[sflag:s10] =	ssyncset.done $0x0  }
.LBB2_2:
0x1f: {  	s19 =	sadd.s32 s17, s8  }
0x20: {  	[sflag:s10] =	ssyncadd.s32 $0xFFFFC000;
	s17 =	smov.u32 s18;
	s20 =	sadd.s32 $0x20, s18  }
0x21: {  	[tilespmem:s13], [sflag:$0x1] =	stream.linear.gather [hbm4b:s19+s3], $0x100, $0x38;
	[tilespmem:$0x8100] =	vst v63  }
0x22: {  	p0 =	sne.s32 s18, $0x1E0;
	_ =	swait.ge [sflag:s10], $0x100  }
.Ltmp0:
0x23: {  	[sflag:s10] =	ssyncset.done $0x0;
	(pc) =	sbr.rel @p0 .LBB2_2-.Ltmp0, $4  }
0x24: {  	[sflag:s10] =	ssyncadd.s32 $0xFFFFFF00  }
0x25: {  	[spmem:s2] =	stream.indirect.scatter.add.f32 [tilespmem:s9], [sflag:$0x1], $0x80, s15, s14, $0xb8;
	[tilespmem:$0x8100] =	vst v63  }
0x26: {  	_ =	swait.ge [sflag:s10], $0x4000  }
0x27: {  	s18 =	smov.u32 s20;
	[sflag:s10] =	ssyncset.done $0x0  }
0x28: {  	s17 =	sadd.s32 s17, s8;
	[sflag:s10] =	ssyncadd.s32 $0xFFFFC000  }
0x29: {  	[tilespmem:s13], [sflag:$0x1] =	stream.linear.gather [hbm4b:s17+s3], $0x100, $0x38;
	[tilespmem:$0x8100] =	vst v63  }
0x2a: {  	_ =	swait.ge [sflag:s10], $0x100  }
0x2b: {  	[sflag:s10] =	ssyncset.done $0x0  }
0x2c: {  	[sflag:s10] =	ssyncadd.s32 $0xFFFFFF00  }
0x2d: {  	[spmem:s2] =	stream.indirect.scatter.add.f32 [tilespmem:s9], [sflag:$0x1], $0x80, s15, s14, $0xb8;
	[tilespmem:$0x8100] =	vst v63  }
0x2e: {  	_ =	swait.ge [sflag:s10], $0x4000  }
0x2f: {  	s16 =	sadd.s32 $0x1, s16;
	[sflag:s10] =	ssyncset.done $0x0  }
0x30: {  	p0 =	sne.s32 s16, s7;
	[sflag:s10] =	ssyncadd.s32 $0xFFFFC000  }
.Ltmp1:
0x31: {  	[bflag:$0x0] =	sbarrier.arrive $0xFFFF;
	(pc) =	sbr.rel @p0 .LBB2_1-.Ltmp1, $4  }
0x32: {  	[hbm:s6], [sflag:s11] =	dma.local [spmem:s12], $0x800  }
0x33: {  	_ =	swait.ge [sflag:s10], $0x800  }
0x34: {  	[sflag:s10] =	ssyncset.done $0x0  }
0x35: {  	[sflag:s10] =	ssyncadd.s32 $0xFFFFF800  }
0x36: {  	_ =	sfence.sel $0x180000  }
0x37: {  	[bflag:$0x0] =	sbarrier.arrive $0xFFFF  }
0x38: {  	p0 =	sne.s32 s4, $0x0;
	_ =	strace $0x90000047  }
0x39: {  	s0 =	sadd.s32 @!p0 $0x100000, s0;
	[bflag:$0x2] =	sbarrier.arrive $0xFFFF  }
0x3a: {  	[sflag:s0] =	ssyncadd.tile.s32 @!p0 $0x1;
	_ =	shalt  }
.Lfunc_end2:
_tile_overlayer_lowered:
.L_overlay_start_2:
0x3b: {  	(tag) =	ssettag $0x2  }
0x3c: {  	s0 =	rddreg [dreg:$0x0];
	s2 =	stileid.u32  }
0x3d: {  	s1 =	rddreg [dreg:$0x1];
	p0 =	sne.s32 s2, $0x0  }
0x3e: {  	s3 =	rddreg [dreg:$0x2];
	[bflag:$0x3] =	sbarrier.arrive $0xFFFF;
	s2 =	simm.s32 @!p0 $0x1C01  }
0x3f: {  	[timem:s3], [sflag:s2] =	dma.local @!p0 [hbm:s0], s1  }
0x40: {  	s0 =	simm.s32 @!p0 $0x1  }
0x41: {  	_ =	swait.ge @!p0 [sflag:s0], s1  }
0x42: {  	s1 =	ssub.s32 @!p0 $0x0, s1;
	[sflag:s0] =	ssyncset.done @!p0 $0x0  }
0x43: {  	[sflag:s0] =	ssyncadd.s32 @!p0 s1  }
0x44: {  	[bflag:$0x3] =	sbarrier.arrive $0xFFFF  }
0x45: {  	_ =	shalt  }

// kernel: kernel.21.cloned.1.call-start
scs
__scs_entry_jumppad:
0x0: {  	(pc) =	sbr.rel $0x88, $3  }
0x1: {  	(tag) =	ssettag $0x0;
	lr =	simm.s32 $0x1  }
0x2: {  	[smem:$0x3F93] =	sst lr;
	_ =	strace $0xD0000000  }
0x3: {  	_ = 	snop  }
0x4: {  	_ = 	snop  }
0x5: {  	_ = 	snop  }
0x6: {  	_ = 	snop  }
0x7: {  	_ = 	snop  }
__scs_overlays_trampoline_lowered:
0x8: {  	[smem:$0x3FA2] =	sst s0  }
0x9: {  	[smem:$0x3FA3] =	sst s1  }
0xa: {  	[smem:$0x3FA4] =	sst s2  }
0xb: {  	[smem:$0x3FA5] =	sst s3  }
0xc: {  	[smem:$0x3FA6] =	sst s4  }
0xd: {  	[smem:$0x3FA7] =	sst s5  }
0xe: {  	[smem:$0x3FA8] =	sst s6  }
0xf: {  	[smem:$0x3FA9] =	sst s7  }
0x10: {  	[smem:$0x3FAA] =	sst s8  }
0x11: {  	[smem:$0x3FAB] =	sst s9;
	s0 =	simm.s32 @!p0 $0x0  }
0x12: {  	s1 =	sld [smem:$0x3F91];
	s0 =	simm.s32 @p0 $0x1  }
0x13: {  	[smem:$0x3FAC] =	sst s0;
	s0 =	simm.s32 @!p1 $0x0  }
0x14: {  	s2 =	sld [smem:$0x3F90];
	s0 =	simm.s32 @p1 $0x1  }
0x15: {  	[smem:$0x3FAD] =	sst s0;
	s0 =	simm.s32 @!p2 $0x0  }
0x16: {  	s3 =	sld [smem:$0x3FDB];
	s0 =	simm.s32 @p2 $0x1  }
0x17: {  	s4 =	simm.s32 $0x1BF5;
	[smem:$0x3FAF] =	sst s0  }
0x18: {  	s0 =	sld [smem:$0x3F92];
	_ =	swait.ge [sflag:s4], $0x0  }
0x19: {  	s7 =	sld [smem:$0x3F93]  }
0x1a: {  	s8 =	sadd.s32 $0xFFFFE003, lr  }
0x1b: {  	s9 =	sadd.s32 $0xFFFFFEF7, lr;
	s5 =	simm.s32 $0xFFFFFFFF;
	p2 =	slt.u32 s8, $0xFFFFF086  }
0x1c: {  	p1 =	slt.u32 s9, $0xF7A;
	s5 =	simm.s32 @!p2 $0x0  }
0x1d: {  	s5 =	simm.s32 @p1 $0x1;
	p0 =	seq.s32 s7, s2  }
0x1e: {  	s7 =	smul.u32 @!p0 $0xF7A, s2;
	p2 =	seq.s32 @!p0 s5, $0x0  }
0x1f: {  	s9 =	smul.u32 $0xF7A, s1;
	s8 =	simm.s32 @!p0 $0x1BF5;
	p2 =	por !p2, p0  }
0x20: {  	[sflag:s8] =	ssyncset.s32 @!p0 $0xFFFFF086;
	s6 =	sadd.s32 @!p0 s3, s7;
	s7 =	simm.s32 @!p0 $0x108  }
0x21: {  	s3 =	sadd.s32 s3, s9;
	s6 =	sadd.s32 @!p0 $0x88, s6;
	s7 =	simm.s32 @p2 $0x1082  }
0x22: {  	[simem:s7], [sflag:s8] =	dma.local @!p0 [hbm:s6], $0xF7A  }
0x23: {  	s9 =	sor.u32 $0xD0000000, s2;
	s6 =	simm.s32 $0x108;
	_ =	swait.ge @!p0 [sflag:s8], $0x0  }
0x24: {  	s3 =	sadd.s32 $0x88, s3;
	s6 =	simm.s32 @!p1 $0x1082;
	[sflag:s4] =	ssyncset.s32 $0xFFFFF086  }
0x25: {  	[simem:s6], [sflag:s4] =	dma.local [hbm:s3], $0xF7A  }
0x26: {  	[smem:$0x3F93] =	sst s1;
	(tag) =	ssettag s2;
	_ =	strace s9  }
0x27: {  	s1 =	sld [smem:$0x3FA3]  }
0x28: {  	s2 =	sld [smem:$0x3FA4]  }
0x29: {  	s4 =	sld [smem:$0x3FA6]  }
0x2a: {  	p0 =	seq.s32 s5, $0x0;
	s5 =	sld [smem:$0x3FA7]  }
0x2b: {  	s6 =	sld [smem:$0x3FA8]  }
0x2c: {  	s7 =	sld [smem:$0x3FA9]  }
0x2d: {  	s3 =	simm.s32 $0x108;
	s8 =	sld [smem:$0x3FAA]  }
0x2e: {  	s3 =	simm.s32 @!p0 $0x1082;
	s9 =	sld [smem:$0x3FAB]  }
0x2f: {  	lr =	sadd.s32 s0, s3;
	s0 =	sld [smem:$0x3FA2]  }
0x30: {  	s3 =	sld [smem:$0x3FA5]  }
0x31: {  	[smem:$0x3FAE] =	sst s10  }
0x32: {  	s10 =	sld [smem:$0x3FAC];
	_ =	sdelay $0x3  }
0x33: {  	p0 =	seq.s32 s10, $0x1;
	s10 =	sld [smem:$0x3FAE];
	_ =	sdelay $0x3  }
0x34: {  	[smem:$0x3FAE] =	sst s10  }
0x35: {  	s10 =	sld [smem:$0x3FAD];
	_ =	sdelay $0x3  }
0x36: {  	p1 =	seq.s32 s10, $0x1;
	s10 =	sld [smem:$0x3FAE];
	_ =	sdelay $0x3  }
0x37: {  	[smem:$0x3FAE] =	sst s10  }
0x38: {  	s10 =	sld [smem:$0x3FAF]  }
0x39: {  	_ = 	snop;
	(pc) =	sbr.ind lr, $3  }
0x3a: {  	_ = 	snop  }
0x3b: {  	_ = 	snop  }
0x3c: {  	p2 =	seq.s32 s10, $0x1;
	s10 =	sld [smem:$0x3FAE]  }
0x3d: {  	_ =	shalt  }
0x3e: {  	_ =	shalt  }
0x3f: {  	_ =	shalt  }
0x40: {  	_ =	shalt  }
0x41: {  	_ =	shalt  }
0x42: {  	_ =	shalt  }
0x43: {  	_ =	shalt  }
0x44: {  	_ =	shalt  }
0x45: {  	_ =	shalt  }
0x46: {  	_ =	shalt  }
0x47: {  	_ =	shalt  }
0x48: {  	_ =	shalt  }
0x49: {  	_ =	shalt  }
0x4a: {  	_ =	shalt  }
0x4b: {  	_ =	shalt  }
0x4c: {  	_ =	shalt  }
0x4d: {  	_ =	shalt  }
0x4e: {  	_ =	shalt  }
0x4f: {  	_ =	shalt  }
0x50: {  	_ =	shalt  }
0x51: {  	_ =	shalt  }
0x52: {  	_ =	shalt  }
0x53: {  	_ =	shalt  }
0x54: {  	_ =	shalt  }
0x55: {  	_ =	shalt  }
0x56: {  	_ =	shalt  }
0x57: {  	_ =	shalt  }
0x58: {  	_ =	shalt  }
0x59: {  	_ =	shalt  }
0x5a: {  	_ =	shalt  }
0x5b: {  	_ =	shalt  }
0x5c: {  	_ =	shalt  }
0x5d: {  	_ =	shalt  }
0x5e: {  	_ =	shalt  }
0x5f: {  	_ =	shalt  }
0x60: {  	_ =	shalt  }
0x61: {  	_ =	shalt  }
0x62: {  	_ =	shalt  }
0x63: {  	_ =	shalt  }
0x64: {  	_ =	shalt  }
0x65: {  	_ =	shalt  }
0x66: {  	_ =	shalt  }
0x67: {  	_ =	shalt  }
0x68: {  	_ =	shalt  }
0x69: {  	_ =	shalt  }
0x6a: {  	_ =	shalt  }
0x6b: {  	_ =	shalt  }
0x6c: {  	_ =	shalt  }
0x6d: {  	_ =	shalt  }
0x6e: {  	_ =	shalt  }
0x6f: {  	_ =	shalt  }
0x70: {  	_ =	shalt  }
0x71: {  	_ =	shalt  }
0x72: {  	_ =	shalt  }
0x73: {  	_ =	shalt  }
0x74: {  	_ =	shalt  }
0x75: {  	_ =	shalt  }
0x76: {  	_ =	shalt  }
0x77: {  	_ =	shalt  }
0x78: {  	_ =	shalt  }
0x79: {  	_ =	shalt  }
0x7a: {  	_ =	shalt  }
0x7b: {  	_ =	shalt  }
0x7c: {  	_ =	shalt  }
0x7d: {  	_ =	shalt  }
0x7e: {  	_ =	shalt  }
0x7f: {  	_ =	shalt  }
0x80: {  	_ =	shalt  }
0x81: {  	_ =	shalt  }
0x82: {  	_ =	shalt  }
0x83: {  	_ =	shalt  }
0x84: {  	_ =	shalt  }
0x85: {  	_ =	shalt  }
0x86: {  	_ =	shalt  }
0x87: {  	_ =	shalt  }
.Lfunc_end0:
.L_simem_size_0:
called_computation.1_lowered:
.L_overlay_start_0:
0x88: {  	s2 =	sld [smem:$0x3FD9]  }
0x89: {  	s3 =	sld [smem:$0x3FFE];
	_ =	sdelay $0x1  }
0x8a: {  	s1 =	srdreg.scid  }
0x8b: {  	s0 =	sand.u32 $0x1, s1  }
0x8c: {  	s16 =	sshll.u32 s0, $0xA;
	s2 =	sadd.s32 s3, s2  }
0x8d: {  	s2 =	sadd.s32 s2, s16  }
0x8e: {  	[smem:$0x3FBA] =	sst s2  }
0x8f: {  	_ = 	snop  }
0x90: {  	(tm) =	ssettm $0x1  }
0x91: {  	s17 =	sld [smem:$0x3FFB];
	_ =	sdelay $0x3  }
0x92: {  	_ =	strace s17  }
0x93: {  	s2 =	sld [smem:$0x3FFC];
	_ =	sdelay $0x3  }
0x94: {  	_ =	strace s2  }
0x95: {  	s2 =	sld [smem:$0x3FFD];
	_ =	sdelay $0x3  }
0x96: {  	_ =	strace s2  }
0x97: {  	_ =	strace $0x8FFFFFFF  }
0x98: {  	s18 =	sld [smem:$0x3FDB];
	_ =	sdelay $0x1  }
0x99: {  	s19 =	simm.s32 $_scs_section_size  }
0x9a: {  	s4 =	simm.s32 $_size__tile_overlayer_lowered;
	s5 =	simm.s32 $_tile_overlayer_lowered  }
0x9b: {  	s22 =	simm.s32 $0x1BFF;
	s21 =	sshll.u32 s5, $0x1;
	s2 =	sadd.s32 s19, s18  }
0x9c: {  	s6 =	simm.s32 $0x0;
	s20 =	sshll.u32 s4, $0x1;
	s4 =	sadd.s32 s21, s2  }
0x9d: {  	[timem:s6], [sflag:s22] =	dma.local [hbm:s4], s20  }
0x9e: {  	_ =	swait.ge [sflag:s22], s20  }
0x9f: {  	s3 =	ssub.s32 $0x0, s20;
	[sflag:s22] =	ssyncset.done $0x0  }
0xa0: {  	[sflag:s22] =	ssyncadd.s32 s3;
	_ =	sdelay $0x1  }
0xa1: {  	s23 =	simm.s32 $0x1B8B  }
0xa2: {  	_ =	swait.ge [sflag:s23], $0x1  }
0xa3: {  	[sflag:s23] =	ssyncset.done $0x0  }
0xa4: {  	s25 =	simm.s32 $0x1B8E;
	s24 =	sld [smem:$0x3FFE];
	[sflag:s23] =	ssyncadd.s32 $0xFFFFFFFF  }
0xa5: {  	s26 =	simm.s32 $execute0_lowered;
	[smem:$0x3FD2] =	sst s25  }
0xa6: {  	s4 =	sshll.u32 s26, $0x1;
	_ =	strace $0x80000049;
	[dreg:$0x1] =	wrdreg $0xFFFFFFFF  }
0xa7: {  	s28 =	simm.s32 $_size_execute0_lowered;
	s2 =	sadd.s32 s2, s4;
	[dreg:$0x0] =	wrdreg $0x0  }
0xa8: {  	s4 =	sshll.u32 s28, $0x1;
	[dreg:$0x2] =	wrdreg s2  }
0xa9: {  	[dreg:$0x3] =	wrdreg s4  }
0xaa: {  	[dreg:$0x4] =	wrdreg $0xC0  }
0xab: {  	_ =	task [dreg:s6], $0x5FFFF  }
0xac: {  	[dreg:$0x1] =	wrdreg $0xFFFFFFFF  }
0xad: {  	[dreg:$0x0] =	wrdreg $0x60  }
0xae: {  	[dreg:$0x2] =	wrdreg s24  }
0xaf: {  	[dreg:$0x3] =	wrdreg $0x0  }
0xb0: {  	[dreg:$0x4] =	wrdreg $0x9  }
0xb1: {  	_ =	task.clear_ibuf [dreg:s6], $0x5FFFF;
	_ =	strace $0x90000049  }
0xb2: {  	s29 =	simm.s32 $0x9;
	_ =	strace $0x8000004B  }
0xb3: {  	_ =	swait.ge [sflag:s29], $0x1  }
0xb4: {  	[sflag:s29] =	ssyncadd.s32 $0xFFFFFFFF  }
0xb5: {  	_ =	strace $0x9000004B  }
0xb6: {  	_ =	sfence  }
0xb7: {  	s30 =	sld [smem:$0x0];
	_ =	sdelay $0x2  }
0xb8: {  	s31 =	sshll.u32 s1, $0xD;
	s1 =	sshrl.u32 s1, $0x2  }
0xb9: {  	s3 =	sand.u32 $0x4000, s31;
	s1 =	sadd.s32 s1, s30  }
0xba: {  	s0 =	sor.u32 s3, s0;
	s1 =	sshll.u32 s1, $0x11  }
0xbb: {  	s0 =	sor.u32 s1, s0  }
0xbc: {  	s0 =	sadd.s32 $0x8F2B, s0  }
0xbd: {  	[sflag:s0] =	ssyncadd.remote.s32 $0x1  }
0xbe: {  	_ =	sfence.sel $0xFFFF  }
0xbf: {  	[dreg:$0x0] =	wrdreg $0xFFFFFFFF;
	(pc) =	sbr.abs _section_cstart, $3  }
0xc0: {  	[dreg:$0x1] =	wrdreg $0xFFFFFFFF  }
0xc1: {  	_ =	task.clear_ibuf [dreg:s6], $0x2FFFF;
	_ =	strace $0x9FFFFFFF  }
0xc2: {  	(tm) =	ssettm $0x7FFFFFFF  }
0xc3: {  	_ =	shalt  }
tec
execute0_lowered:
.L_overlay_start_1:
0x0: {  	(tag) =	ssettag $0x1  }
0x1: {  	s0 =	rddreg [dreg:$0x0]  }
0x2: {  	s1 =	rddreg [dreg:$0x1];
	s3 =	simm.s32 $0x0  }
0x3: {  	s2 =	srdreg.scid;
	s11 =	stileid.u32;
	s30 =	simm.s32 $0x3  }
0x4: {  	s31 =	simm.s32 $0xC000;
	[smem:$0x7FF] =	sst s3;
	s2 =	sand.u32 $0x1, s2  }
0x5: {  	s4 =	sadd.s32 $0x2A600, s0;
	s5 =	sshll.u32 s11, $0xB;
	s9 =	sadd.s32 $0x1A600, s0  }
0x6: {  	s12 =	sshll.u32 s11, $0xC;
	s13 =	sshll.u32 s11, $0xE;
	s11 =	sshll.u32 s11, $0x6  }
0x7: {  	s16 =	sadd.s32 $0x1E600, s0;
	s18 =	sadd.s32 $0x22600, s0;
	_ =	strace $0x8000004A  }
0x8: {  	s6 =	sshll.u32 s2, $0x11;
	s7 =	ssub.s32 $0x2, s2;
	s2 =	sshll.u32 s2, $0x10  }
0x9: {  	s14 =	sadd.s32 s13, s1;
	s6 =	sor.u32 s5, s6;
	s5 =	sadd.s32 $0x9E00, s0  }
0xa: {  	s8 =	sshrl.u32 s7, $0x1;
	s2 =	sor.u32 s12, s2;
	[dreg:$0x3] =	wrdreg s14  }
0xb: {  	s6 =	sadd.s32 s6, s0;
	s10 =	ssub.s32 s7, s8;
	s7 =	sor.u32 $0x1C03, s11  }
0xc: {  	s15 =	sshrl.u32 s2, $0x3;
	s0 =	sadd.s32 $0x26600, s0;
	s12 =	sadd.s32 $0x4A600, s6  }
0xd: {  	s25 =	sor.u32 $0x200, s2;
	s13 =	sadd.s32 s15, s16;
	[dreg:$0x4] =	wrdreg s12  }
0xe: {  	s26 =	sor.u32 $0x20200, s2;
	s17 =	sadd.s32 $0x52600, s6;
	[dreg:$0x5] =	wrdreg s13  }
0xf: {  	s2 =	sor.u32 $0x60200, s2;
	s14 =	sadd.s32 s15, s18;
	[dreg:$0x6] =	wrdreg s17  }
0x10: {  	s11 =	simm.s32 $0xC080;
	s19 =	sadd.s32 $0x5A600, s6;
	[dreg:$0x7] =	wrdreg s14  }
0x11: {  	s8 =	sadd.s32 s15, s9;
	s20 =	sadd.s32 s15, s0;
	[dreg:$0x8] =	wrdreg s19  }
0x12: {  	s6 =	sadd.s32 $0x62600, s6;
	s21 =	sor.u32 $0x1E0, s15;
	[dreg:$0x9] =	wrdreg s20  }
0x13: {  	s10 =	smax.u32 s10, $0x1;
	s2 =	sshrl.u32 s2, $0x3;
	[dreg:$0xa] =	wrdreg s6  }
0x14: {  	[dreg:$0xb] =	wrdreg s10;
	s0 =	sadd.s32 s21, s0;
	s22 =	sadd.s32 s9, s21  }
0x15: {  	s23 =	sadd.s32 s21, s16;
	s24 =	sadd.s32 s21, s18;
	s21 =	sadd.s32 $0x20, s8  }
0x16: {  	s6 =	sshrl.u32 s26, $0x3;
	s26 =	sadd.s32 $0x8020, s8;
	[dreg:$0xc] =	wrdreg s0  }
0x17: {  	s29 =	sadd.s32 $0xC020, s8;
	s10 =	simm.s32 $0x1;
	[dreg:$0xd] =	wrdreg s22  }
0x18: {  	s12 =	simm.s32 $0x2;
	s13 =	simm.s32 $0xC180;
	[dreg:$0xe] =	wrdreg s23  }
0x19: {  	s14 =	simm.s32 $0x0;
	[dreg:$0xf] =	wrdreg s24;
	s0 =	sshrl.u32 s25, $0x3  }
0x1a: {  	s23 =	sadd.s32 s6, s9;
	s24 =	sadd.s32 s2, s9;
	s25 =	sadd.s32 $0x4020, s8  }
0x1b: {  	s2 =	simm.s32 $0x4000;
	s6 =	simm.s32 $0xC100;
	s22 =	sadd.s32 s0, s9  }
0x1c: {  	s0 =	simm.s32 $0x80;
	s9 =	simm.s32 $0x8000;
	s28 =	sadd.s32 $0x8000, s22  }
.LBB2_1:
0x1d: {  	s15 =	rddreg [dreg:$0x3]  }
0x1e: {  	s15 =	sshrl.u32 s15, $0x3  }
0x1f: {  	[spmem:s15], [sflag:s7] =	dma.local [hbm:s5], $0x800  }
0x20: {  	_ =	swait.ge [sflag:s30], $0x800  }
0x21: {  	[sflag:s30] =	ssyncset.done $0x0  }
0x22: {  	[sflag:s30] =	ssyncadd.s32 $0xFFFFF800  }
0x23: {  	[bflag:$0x0] =	sbarrier.arrive $0xFFFF  }
0x24: {  	[tilespmem:s31], [sflag:$0x3] =	stream.linear.gather [hbm4b:s8+s3], $0x100, $0x38;
	[tilespmem:$0xC200] =	vst v63  }
0x25: {  	_ =	swait.ge [sflag:s30], $0x100  }
0x26: {  	[sflag:s30] =	ssyncset.done $0x0  }
0x27: {  	[sflag:s30] =	ssyncadd.s32 $0xFFFFFF00  }
0x28: {  	[tilespmem:s2], [sflag:$0x1] =	stream.indirect.gather [hbm4b:s4+s0], $0x80, s31, s0, $0xb8;
	[tilespmem:$0xC200] =	vst v63  }
0x29: {  	s16 =	sadd.s32 $0x0, s21  }
0x2a: {  	[tilespmem:s6], [sflag:$0x3] =	stream.linear.gather [hbm4b:s16+s3], $0x100, $0x38;
	[tilespmem:$0xC200] =	vst v63  }
0x2b: {  	_ =	swait.ge [sflag:s30], $0x100  }
0x2c: {  	[sflag:s30] =	ssyncset.done $0x0  }
0x2d: {  	[sflag:s30] =	ssyncadd.s32 $0xFFFFFF00  }
0x2e: {  	[tilespmem:s9], [sflag:$0x2] =	stream.indirect.gather [hbm4b:s4+s0], $0x80, s6, s0, $0xb8;
	[tilespmem:$0xC200] =	vst v63  }
0x2f: {  	_ =	swait.ge [sflag:s10], $0x4000  }
0x30: {  	[sflag:s10] =	ssyncset.done $0x0  }
0x31: {  	[sflag:s10] =	ssyncadd.s32 $0xFFFFC000  }
0x32: {  	[spmem:s1] =	stream.indirect.scatter.add.f32 [tilespmem:s2], [sflag:$0x3], $0x80, s11, s0, $0xb8;
	[tilespmem:$0xC200] =	vst v63  }
0x33: {  	_ =	swait.ge [sflag:s30], $0x4000  }
0x34: {  	[sflag:s30] =	ssyncset.done $0x0  }
0x35: {  	s20 =	sadd.s32 $0x0, s22;
	[sflag:s30] =	ssyncadd.s32 $0xFFFFC000  }
0x36: {  	[tilespmem:s31], [sflag:$0x3] =	stream.linear.gather [hbm4b:s20+s3], $0x100, $0x38;
	[tilespmem:$0xC200] =	vst v63  }
0x37: {  	_ =	swait.ge [sflag:s30], $0x100  }
0x38: {  	[sflag:s30] =	ssyncset.done $0x0  }
0x39: {  	[sflag:s30] =	ssyncadd.s32 $0xFFFFFF00  }
0x3a: {  	[tilespmem:s2], [sflag:$0x1] =	stream.indirect.gather [hbm4b:s4+s0], $0x80, s31, s0, $0xb8;
	[tilespmem:$0xC200] =	vst v63  }
0x3b: {  	_ =	swait.ge [sflag:s12], $0x4000  }
0x3c: {  	[sflag:s12] =	ssyncset.done $0x0  }
0x3d: {  	[sflag:s12] =	ssyncadd.s32 $0xFFFFC000  }
0x3e: {  	[spmem:s1] =	stream.indirect.scatter.add.f32 [tilespmem:s9], [sflag:$0x3], $0x80, s13, s0, $0xb8;
	[tilespmem:$0xC200] =	vst v63  }
0x3f: {  	_ =	swait.ge [sflag:s30], $0x4000  }
0x40: {  	s17 =	simm.s32 $0x80;
	s16 =	simm.s32 $0x40;
	[sflag:s30] =	ssyncset.done $0x0  }
.LBB2_2:
0x41: {  	s18 =	sadd.s32 s16, s21  }
0x42: {  	[sflag:s30] =	ssyncadd.s32 $0xFFFFC000;
	s19 =	smov.u32 s17;
	s20 =	sadd.s32 $0x40, s17  }
0x43: {  	[tilespmem:s6], [sflag:$0x3] =	stream.linear.gather [hbm4b:s18+s3], $0x100, $0x38;
	[tilespmem:$0xC200] =	vst v63  }
0x44: {  	p0 =	sne.s32 s17, $0x180;
	_ =	swait.ge [sflag:s30], $0x100  }
0x45: {  	[sflag:s30] =	ssyncset.done $0x0  }
0x46: {  	[sflag:s30] =	ssyncadd.s32 $0xFFFFFF00  }
0x47: {  	[tilespmem:s9], [sflag:$0x2] =	stream.indirect.gather [hbm4b:s4+s0], $0x80, s6, s0, $0xb8;
	[tilespmem:$0xC200] =	vst v63  }
0x48: {  	_ =	swait.ge [sflag:s10], $0x4000  }
0x49: {  	[sflag:s10] =	ssyncset.done $0x0  }
0x4a: {  	[sflag:s10] =	ssyncadd.s32 $0xFFFFC000  }
0x4b: {  	[spmem:s1] =	stream.indirect.scatter.add.f32 [tilespmem:s2], [sflag:$0x3], $0x80, s11, s0, $0xb8;
	[tilespmem:$0xC200] =	vst v63  }
0x4c: {  	_ =	swait.ge [sflag:s30], $0x4000  }
0x4d: {  	[sflag:s30] =	ssyncset.done $0x0  }
0x4e: {  	s17 =	sadd.s32 s16, s22;
	s16 =	smov.u32 s19;
	[sflag:s30] =	ssyncadd.s32 $0xFFFFC000  }
0x4f: {  	[tilespmem:s31], [sflag:$0x3] =	stream.linear.gather [hbm4b:s17+s3], $0x100, $0x38;
	[tilespmem:$0xC200] =	vst v63  }
0x50: {  	_ =	swait.ge [sflag:s30], $0x100  }
0x51: {  	[sflag:s30] =	ssyncset.done $0x0  }
0x52: {  	[sflag:s30] =	ssyncadd.s32 $0xFFFFFF00  }
0x53: {  	[tilespmem:s2], [sflag:$0x1] =	stream.indirect.gather [hbm4b:s4+s0], $0x80, s31, s0, $0xb8;
	[tilespmem:$0xC200] =	vst v63  }
0x54: {  	_ =	swait.ge [sflag:s12], $0x4000  }
.Ltmp0:
0x55: {  	[sflag:s12] =	ssyncset.done $0x0;
	(pc) =	sbr.rel @p0 .LBB2_2-.Ltmp0, $4  }
0x56: {  	[sflag:s12] =	ssyncadd.s32 $0xFFFFC000  }
0x57: {  	[spmem:s1] =	stream.indirect.scatter.add.f32 [tilespmem:s9], [sflag:$0x3], $0x80, s13, s0, $0xb8;
	[tilespmem:$0xC200] =	vst v63  }
0x58: {  	_ =	swait.ge [sflag:s30], $0x4000  }
0x59: {  	s17 =	smov.u32 s20;
	[sflag:s30] =	ssyncset.done $0x0  }
0x5a: {  	s17 =	sadd.s32 s16, s21;
	[sflag:s30] =	ssyncadd.s32 $0xFFFFC000  }
0x5b: {  	[tilespmem:s6], [sflag:$0x3] =	stream.linear.gather [hbm4b:s17+s3], $0x100, $0x38;
	[tilespmem:$0xC200] =	vst v63  }
0x5c: {  	_ =	swait.ge [sflag:s30], $0x100  }
0x5d: {  	[sflag:s30] =	ssyncset.done $0x0  }
0x5e: {  	[sflag:s30] =	ssyncadd.s32 $0xFFFFFF00  }
0x5f: {  	[tilespmem:s9], [sflag:$0x2] =	stream.indirect.gather [hbm4b:s4+s0], $0x80, s6, s0, $0xb8;
	[tilespmem:$0xC200] =	vst v63  }
0x60: {  	_ =	swait.ge [sflag:s10], $0x4000  }
0x61: {  	[sflag:s10] =	ssyncset.done $0x0  }
0x62: {  	[sflag:s10] =	ssyncadd.s32 $0xFFFFC000  }
0x63: {  	[spmem:s1] =	stream.indirect.scatter.add.f32 [tilespmem:s2], [sflag:$0x3], $0x80, s11, s0, $0xb8;
	[tilespmem:$0xC200] =	vst v63  }
0x64: {  	_ =	swait.ge [sflag:s30], $0x4000  }
0x65: {  	[sflag:s30] =	ssyncset.done $0x0  }
0x66: {  	s18 =	sadd.s32 s16, s22;
	[sflag:s30] =	ssyncadd.s32 $0xFFFFC000  }
0x67: {  	[tilespmem:s31], [sflag:$0x3] =	stream.linear.gather [hbm4b:s18+s3], $0x100, $0x38;
	[tilespmem:$0xC200] =	vst v63  }
0x68: {  	_ =	swait.ge [sflag:s30], $0x100  }
0x69: {  	[sflag:s30] =	ssyncset.done $0x0  }
0x6a: {  	[sflag:s30] =	ssyncadd.s32 $0xFFFFFF00  }
0x6b: {  	[tilespmem:s2], [sflag:$0x1] =	stream.indirect.gather [hbm4b:s4+s0], $0x80, s31, s0, $0xb8;
	[tilespmem:$0xC200] =	vst v63  }
0x6c: {  	_ =	swait.ge [sflag:s12], $0x4000  }
0x6d: {  	[sflag:s12] =	ssyncset.done $0x0  }
0x6e: {  	[sflag:s12] =	ssyncadd.s32 $0xFFFFC000  }
0x6f: {  	[spmem:s1] =	stream.indirect.scatter.add.f32 [tilespmem:s9], [sflag:$0x3], $0x80, s13, s0, $0xb8;
	[tilespmem:$0xC200] =	vst v63  }
0x70: {  	_ =	swait.ge [sflag:s30], $0x4000  }
0x71: {  	[sflag:s30] =	ssyncset.done $0x0  }
0x72: {  	s16 =	simm.s32 $0x0;
	s19 =	rddreg [dreg:$0xd];
	[sflag:s30] =	ssyncadd.s32 $0xFFFFC000  }
0x73: {  	[tilespmem:s6], [sflag:$0x3] =	stream.linear.gather [hbm4b:s19+s16], $0x100, $0x38;
	[tilespmem:$0xC200] =	vst v63  }
0x74: {  	_ =	swait.ge [sflag:s30], $0x100  }
0x75: {  	[sflag:s30] =	ssyncset.done $0x0  }
0x76: {  	[sflag:s30] =	ssyncadd.s32 $0xFFFFFF00  }
0x77: {  	[tilespmem:s9], [sflag:$0x2] =	stream.indirect.gather [hbm4b:s4+s0], $0x80, s6, s0, $0xb8;
	[tilespmem:$0xC200] =	vst v63  }
0x78: {  	_ =	swait.ge [sflag:s10], $0x4000  }
0x79: {  	[sflag:s10] =	ssyncset.done $0x0  }
0x7a: {  	[sflag:s10] =	ssyncadd.s32 $0xFFFFC000  }
0x7b: {  	[spmem:s1] =	stream.indirect.scatter.add.f32 [tilespmem:s2], [sflag:$0x3], $0x80, s11, s0, $0xb8;
	[tilespmem:$0xC200] =	vst v63  }
0x7c: {  	_ =	swait.ge [sflag:s30], $0x4000  }
0x7d: {  	[sflag:s30] =	ssyncset.done $0x0  }
0x7e: {  	[sflag:s30] =	ssyncadd.s32 $0xFFFFC000  }
0x7f: {  	_ =	swait.ge [sflag:s12], $0x4000  }
0x80: {  	[sflag:s12] =	ssyncset.done $0x0  }
0x81: {  	[sflag:s12] =	ssyncadd.s32 $0xFFFFC000  }
0x82: {  	[spmem:s1] =	stream.indirect.scatter.add.f32 [tilespmem:s9], [sflag:$0x3], $0x80, s13, s0, $0xb8;
	[tilespmem:$0xC200] =	vst v63  }
0x83: {  	_ =	swait.ge [sflag:s30], $0x4000  }
0x84: {  	[sflag:s30] =	ssyncset.done $0x0  }
0x85: {  	[sflag:s30] =	ssyncadd.s32 $0xFFFFC000  }
0x86: {  	[bflag:$0x0] =	sbarrier.arrive $0xFFFF  }
0x87: {  	s20 =	rddreg [dreg:$0x4]  }
0x88: {  	[hbm:s20], [sflag:s7] =	dma.local [spmem:s15], $0x800  }
0x89: {  	_ =	swait.ge [sflag:s30], $0x800  }
0x8a: {  	[sflag:s30] =	ssyncset.done $0x0  }
0x8b: {  	[sflag:s30] =	ssyncadd.s32 $0xFFFFF800  }
0x8c: {  	[spmem:s15], [sflag:s7] =	dma.local [hbm:s5], $0x800  }
0x8d: {  	_ =	swait.ge [sflag:s30], $0x800  }
0x8e: {  	[sflag:s30] =	ssyncset.done $0x0  }
0x8f: {  	[sflag:s30] =	ssyncadd.s32 $0xFFFFF800  }
0x90: {  	[bflag:$0x0] =	sbarrier.arrive $0xFFFF  }
0x91: {  	s18 =	rddreg [dreg:$0x5]  }
0x92: {  	[tilespmem:s31], [sflag:$0x3] =	stream.linear.gather [hbm4b:s18+s16], $0x100, $0x38;
	[tilespmem:$0xC200] =	vst v63  }
0x93: {  	_ =	swait.ge [sflag:s30], $0x100  }
0x94: {  	[sflag:s30] =	ssyncset.done $0x0  }
0x95: {  	[sflag:s30] =	ssyncadd.s32 $0xFFFFFF00  }
0x96: {  	[tilespmem:s2], [sflag:$0x1] =	stream.indirect.gather [hbm4b:s4+s0], $0x80, s31, s0, $0xb8;
	[tilespmem:$0xC200] =	vst v63  }
0x97: {  	s19 =	sadd.s32 $0x0, s25  }
0x98: {  	[tilespmem:s6], [sflag:$0x3] =	stream.linear.gather [hbm4b:s19+s3], $0x100, $0x38;
	[tilespmem:$0xC200] =	vst v63  }
0x99: {  	_ =	swait.ge [sflag:s30], $0x100  }
0x9a: {  	[sflag:s30] =	ssyncset.done $0x0  }
0x9b: {  	[sflag:s30] =	ssyncadd.s32 $0xFFFFFF00  }
0x9c: {  	[tilespmem:s9], [sflag:$0x2] =	stream.indirect.gather [hbm4b:s4+s0], $0x80, s6, s0, $0xb8;
	[tilespmem:$0xC200] =	vst v63  }
0x9d: {  	_ =	swait.ge [sflag:s10], $0x4000  }
0x9e: {  	[sflag:s10] =	ssyncset.done $0x0  }
0x9f: {  	[sflag:s10] =	ssyncadd.s32 $0xFFFFC000  }
0xa0: {  	[spmem:s1] =	stream.indirect.scatter.add.f32 [tilespmem:s2], [sflag:$0x3], $0x80, s11, s0, $0xb8;
	[tilespmem:$0xC200] =	vst v63  }
0xa1: {  	_ =	swait.ge [sflag:s30], $0x4000  }
0xa2: {  	[sflag:s30] =	ssyncset.done $0x0  }
0xa3: {  	s20 =	sadd.s32 $0x0, s23;
	[sflag:s30] =	ssyncadd.s32 $0xFFFFC000  }
0xa4: {  	[tilespmem:s31], [sflag:$0x3] =	stream.linear.gather [hbm4b:s20+s3], $0x100, $0x38;
	[tilespmem:$0xC200] =	vst v63  }
0xa5: {  	_ =	swait.ge [sflag:s30], $0x100  }
0xa6: {  	[sflag:s30] =	ssyncset.done $0x0  }
0xa7: {  	[sflag:s30] =	ssyncadd.s32 $0xFFFFFF00  }
0xa8: {  	[tilespmem:s2], [sflag:$0x1] =	stream.indirect.gather [hbm4b:s4+s0], $0x80, s31, s0, $0xb8;
	[tilespmem:$0xC200] =	vst v63  }
0xa9: {  	_ =	swait.ge [sflag:s12], $0x4000  }
0xaa: {  	[sflag:s12] =	ssyncset.done $0x0  }
0xab: {  	[sflag:s12] =	ssyncadd.s32 $0xFFFFC000  }
0xac: {  	[spmem:s1] =	stream.indirect.scatter.add.f32 [tilespmem:s9], [sflag:$0x3], $0x80, s13, s0, $0xb8;
	[tilespmem:$0xC200] =	vst v63  }
0xad: {  	_ =	swait.ge [sflag:s30], $0x4000  }
0xae: {  	s17 =	simm.s32 $0x80;
	s16 =	simm.s32 $0x40;
	[sflag:s30] =	ssyncset.done $0x0  }
.LBB2_4:
0xaf: {  	s18 =	sadd.s32 s16, s25  }
0xb0: {  	[sflag:s30] =	ssyncadd.s32 $0xFFFFC000;
	s19 =	smov.u32 s17;
	s20 =	sadd.s32 $0x40, s17  }
0xb1: {  	[tilespmem:s6], [sflag:$0x3] =	stream.linear.gather [hbm4b:s18+s3], $0x100, $0x38;
	[tilespmem:$0xC200] =	vst v63  }
0xb2: {  	p0 =	sne.s32 s17, $0x180;
	_ =	swait.ge [sflag:s30], $0x100  }
0xb3: {  	[sflag:s30] =	ssyncset.done $0x0  }
0xb4: {  	[sflag:s30] =	ssyncadd.s32 $0xFFFFFF00  }
0xb5: {  	[tilespmem:s9], [sflag:$0x2] =	stream.indirect.gather [hbm4b:s4+s0], $0x80, s6, s0, $0xb8;
	[tilespmem:$0xC200] =	vst v63  }
0xb6: {  	_ =	swait.ge [sflag:s10], $0x4000  }
0xb7: {  	[sflag:s10] =	ssyncset.done $0x0  }
0xb8: {  	[sflag:s10] =	ssyncadd.s32 $0xFFFFC000  }
0xb9: {  	[spmem:s1] =	stream.indirect.scatter.add.f32 [tilespmem:s2], [sflag:$0x3], $0x80, s11, s0, $0xb8;
	[tilespmem:$0xC200] =	vst v63  }
0xba: {  	_ =	swait.ge [sflag:s30], $0x4000  }
0xbb: {  	[sflag:s30] =	ssyncset.done $0x0  }
0xbc: {  	s17 =	sadd.s32 s16, s23;
	s16 =	smov.u32 s19;
	[sflag:s30] =	ssyncadd.s32 $0xFFFFC000  }
0xbd: {  	[tilespmem:s31], [sflag:$0x3] =	stream.linear.gather [hbm4b:s17+s3], $0x100, $0x38;
	[tilespmem:$0xC200] =	vst v63  }
0xbe: {  	_ =	swait.ge [sflag:s30], $0x100  }
0xbf: {  	[sflag:s30] =	ssyncset.done $0x0  }
0xc0: {  	[sflag:s30] =	ssyncadd.s32 $0xFFFFFF00  }
0xc1: {  	[tilespmem:s2], [sflag:$0x1] =	stream.indirect.gather [hbm4b:s4+s0], $0x80, s31, s0, $0xb8;
	[tilespmem:$0xC200] =	vst v63  }
0xc2: {  	_ =	swait.ge [sflag:s12], $0x4000  }
.Ltmp1:
0xc3: {  	[sflag:s12] =	ssyncset.done $0x0;
	(pc) =	sbr.rel @p0 .LBB2_4-.Ltmp1, $4  }
0xc4: {  	[sflag:s12] =	ssyncadd.s32 $0xFFFFC000  }
0xc5: {  	[spmem:s1] =	stream.indirect.scatter.add.f32 [tilespmem:s9], [sflag:$0x3], $0x80, s13, s0, $0xb8;
	[tilespmem:$0xC200] =	vst v63  }
0xc6: {  	_ =	swait.ge [sflag:s30], $0x4000  }
0xc7: {  	s17 =	smov.u32 s20;
	[sflag:s30] =	ssyncset.done $0x0  }
0xc8: {  	s17 =	sadd.s32 s16, s25;
	[sflag:s30] =	ssyncadd.s32 $0xFFFFC000  }
0xc9: {  	[tilespmem:s6], [sflag:$0x3] =	stream.linear.gather [hbm4b:s17+s3], $0x100, $0x38;
	[tilespmem:$0xC200] =	vst v63  }
0xca: {  	_ =	swait.ge [sflag:s30], $0x100  }
0xcb: {  	[sflag:s30] =	ssyncset.done $0x0  }
0xcc: {  	[sflag:s30] =	ssyncadd.s32 $0xFFFFFF00  }
0xcd: {  	[tilespmem:s9], [sflag:$0x2] =	stream.indirect.gather [hbm4b:s4+s0], $0x80, s6, s0, $0xb8;
	[tilespmem:$0xC200] =	vst v63  }
0xce: {  	_ =	swait.ge [sflag:s10], $0x4000  }
0xcf: {  	[sflag:s10] =	ssyncset.done $0x0  }
0xd0: {  	[sflag:s10] =	ssyncadd.s32 $0xFFFFC000  }
0xd1: {  	[spmem:s1] =	stream.indirect.scatter.add.f32 [tilespmem:s2], [sflag:$0x3], $0x80, s11, s0, $0xb8;
	[tilespmem:$0xC200] =	vst v63  }
0xd2: {  	_ =	swait.ge [sflag:s30], $0x4000  }
0xd3: {  	[sflag:s30] =	ssyncset.done $0x0  }
0xd4: {  	s18 =	sadd.s32 s16, s23;
	[sflag:s30] =	ssyncadd.s32 $0xFFFFC000  }
0xd5: {  	[tilespmem:s31], [sflag:$0x3] =	stream.linear.gather [hbm4b:s18+s3], $0x100, $0x38;
	[tilespmem:$0xC200] =	vst v63  }
0xd6: {  	_ =	swait.ge [sflag:s30], $0x100  }
0xd7: {  	[sflag:s30] =	ssyncset.done $0x0  }
0xd8: {  	[sflag:s30] =	ssyncadd.s32 $0xFFFFFF00  }
0xd9: {  	[tilespmem:s2], [sflag:$0x1] =	stream.indirect.gather [hbm4b:s4+s0], $0x80, s31, s0, $0xb8;
	[tilespmem:$0xC200] =	vst v63  }
0xda: {  	_ =	swait.ge [sflag:s12], $0x4000  }
0xdb: {  	[sflag:s12] =	ssyncset.done $0x0  }
0xdc: {  	[sflag:s12] =	ssyncadd.s32 $0xFFFFC000  }
0xdd: {  	[spmem:s1] =	stream.indirect.scatter.add.f32 [tilespmem:s9], [sflag:$0x3], $0x80, s13, s0, $0xb8;
	[tilespmem:$0xC200] =	vst v63  }
0xde: {  	_ =	swait.ge [sflag:s30], $0x4000  }
0xdf: {  	[sflag:s30] =	ssyncset.done $0x0  }
0xe0: {  	s16 =	simm.s32 $0x0;
	s19 =	rddreg [dreg:$0xe];
	[sflag:s30] =	ssyncadd.s32 $0xFFFFC000  }
0xe1: {  	[tilespmem:s6], [sflag:$0x3] =	stream.linear.gather [hbm4b:s19+s16], $0x100, $0x38;
	[tilespmem:$0xC200] =	vst v63  }
0xe2: {  	_ =	swait.ge [sflag:s30], $0x100  }
0xe3: {  	[sflag:s30] =	ssyncset.done $0x0  }
0xe4: {  	[sflag:s30] =	ssyncadd.s32 $0xFFFFFF00  }
0xe5: {  	[tilespmem:s9], [sflag:$0x2] =	stream.indirect.gather [hbm4b:s4+s0], $0x80, s6, s0, $0xb8;
	[tilespmem:$0xC200] =	vst v63  }
0xe6: {  	_ =	swait.ge [sflag:s10], $0x4000  }
0xe7: {  	[sflag:s10] =	ssyncset.done $0x0  }
0xe8: {  	[sflag:s10] =	ssyncadd.s32 $0xFFFFC000  }
0xe9: {  	[spmem:s1] =	stream.indirect.scatter.add.f32 [tilespmem:s2], [sflag:$0x3], $0x80, s11, s0, $0xb8;
	[tilespmem:$0xC200] =	vst v63  }
0xea: {  	_ =	swait.ge [sflag:s30], $0x4000  }
0xeb: {  	[sflag:s30] =	ssyncset.done $0x0  }
0xec: {  	[sflag:s30] =	ssyncadd.s32 $0xFFFFC000  }
0xed: {  	_ =	swait.ge [sflag:s12], $0x4000  }
0xee: {  	[sflag:s12] =	ssyncset.done $0x0  }
0xef: {  	[sflag:s12] =	ssyncadd.s32 $0xFFFFC000  }
0xf0: {  	[spmem:s1] =	stream.indirect.scatter.add.f32 [tilespmem:s9], [sflag:$0x3], $0x80, s13, s0, $0xb8;
	[tilespmem:$0xC200] =	vst v63  }
0xf1: {  	_ =	swait.ge [sflag:s30], $0x4000  }
0xf2: {  	[sflag:s30] =	ssyncset.done $0x0  }
0xf3: {  	[sflag:s30] =	ssyncadd.s32 $0xFFFFC000  }
0xf4: {  	[bflag:$0x0] =	sbarrier.arrive $0xFFFF  }
0xf5: {  	s20 =	rddreg [dreg:$0x6]  }
0xf6: {  	[hbm:s20], [sflag:s7] =	dma.local [spmem:s15], $0x800  }
0xf7: {  	_ =	swait.ge [sflag:s30], $0x800  }
0xf8: {  	[sflag:s30] =	ssyncset.done $0x0  }
0xf9: {  	[sflag:s30] =	ssyncadd.s32 $0xFFFFF800  }
0xfa: {  	[spmem:s15], [sflag:s7] =	dma.local [hbm:s5], $0x800  }
0xfb: {  	_ =	swait.ge [sflag:s30], $0x800  }
0xfc: {  	[sflag:s30] =	ssyncset.done $0x0  }
0xfd: {  	[sflag:s30] =	ssyncadd.s32 $0xFFFFF800  }
0xfe: {  	[bflag:$0x0] =	sbarrier.arrive $0xFFFF  }
0xff: {  	s18 =	rddreg [dreg:$0x7]  }
0x100: {  	[tilespmem:s31], [sflag:$0x3] =	stream.linear.gather [hbm4b:s18+s16], $0x100, $0x38;
	[tilespmem:$0xC200] =	vst v63  }
0x101: {  	_ =	swait.ge [sflag:s30], $0x100  }
0x102: {  	[sflag:s30] =	ssyncset.done $0x0  }
0x103: {  	[sflag:s30] =	ssyncadd.s32 $0xFFFFFF00  }
0x104: {  	[tilespmem:s2], [sflag:$0x1] =	stream.indirect.gather [hbm4b:s4+s0], $0x80, s31, s0, $0xb8;
	[tilespmem:$0xC200] =	vst v63  }
0x105: {  	s19 =	sadd.s32 $0x0, s26  }
0x106: {  	[tilespmem:s6], [sflag:$0x3] =	stream.linear.gather [hbm4b:s19+s3], $0x100, $0x38;
	[tilespmem:$0xC200] =	vst v63  }
0x107: {  	_ =	swait.ge [sflag:s30], $0x100  }
0x108: {  	[sflag:s30] =	ssyncset.done $0x0  }
0x109: {  	[sflag:s30] =	ssyncadd.s32 $0xFFFFFF00  }
0x10a: {  	[tilespmem:s9], [sflag:$0x2] =	stream.indirect.gather [hbm4b:s4+s0], $0x80, s6, s0, $0xb8;
	[tilespmem:$0xC200] =	vst v63  }
0x10b: {  	_ =	swait.ge [sflag:s10], $0x4000  }
0x10c: {  	[sflag:s10] =	ssyncset.done $0x0  }
0x10d: {  	[sflag:s10] =	ssyncadd.s32 $0xFFFFC000  }
0x10e: {  	[spmem:s1] =	stream.indirect.scatter.add.f32 [tilespmem:s2], [sflag:$0x3], $0x80, s11, s0, $0xb8;
	[tilespmem:$0xC200] =	vst v63  }
0x10f: {  	_ =	swait.ge [sflag:s30], $0x4000  }
0x110: {  	[sflag:s30] =	ssyncset.done $0x0  }
0x111: {  	s20 =	sadd.s32 $0x0, s28;
	[sflag:s30] =	ssyncadd.s32 $0xFFFFC000  }
0x112: {  	[tilespmem:s31], [sflag:$0x3] =	stream.linear.gather [hbm4b:s20+s3], $0x100, $0x38;
	[tilespmem:$0xC200] =	vst v63  }
0x113: {  	_ =	swait.ge [sflag:s30], $0x100  }
0x114: {  	[sflag:s30] =	ssyncset.done $0x0  }
0x115: {  	[sflag:s30] =	ssyncadd.s32 $0xFFFFFF00  }
0x116: {  	[tilespmem:s2], [sflag:$0x1] =	stream.indirect.gather [hbm4b:s4+s0], $0x80, s31, s0, $0xb8;
	[tilespmem:$0xC200] =	vst v63  }
0x117: {  	_ =	swait.ge [sflag:s12], $0x4000  }
0x118: {  	[sflag:s12] =	ssyncset.done $0x0  }
0x119: {  	[sflag:s12] =	ssyncadd.s32 $0xFFFFC000  }
0x11a: {  	[spmem:s1] =	stream.indirect.scatter.add.f32 [tilespmem:s9], [sflag:$0x3], $0x80, s13, s0, $0xb8;
	[tilespmem:$0xC200] =	vst v63  }
0x11b: {  	_ =	swait.ge [sflag:s30], $0x4000  }
0x11c: {  	s17 =	simm.s32 $0x80;
	s16 =	simm.s32 $0x40;
	[sflag:s30] =	ssyncset.done $0x0  }
.LBB2_6:
0x11d: {  	s18 =	sadd.s32 s16, s26  }
0x11e: {  	[sflag:s30] =	ssyncadd.s32 $0xFFFFC000;
	s19 =	smov.u32 s17;
	s20 =	sadd.s32 $0x40, s17  }
0x11f: {  	[tilespmem:s6], [sflag:$0x3] =	stream.linear.gather [hbm4b:s18+s3], $0x100, $0x38;
	[tilespmem:$0xC200] =	vst v63  }
0x120: {  	p0 =	sne.s32 s17, $0x180;
	_ =	swait.ge [sflag:s30], $0x100  }
0x121: {  	[sflag:s30] =	ssyncset.done $0x0  }
0x122: {  	[sflag:s30] =	ssyncadd.s32 $0xFFFFFF00  }
0x123: {  	[tilespmem:s9], [sflag:$0x2] =	stream.indirect.gather [hbm4b:s4+s0], $0x80, s6, s0, $0xb8;
	[tilespmem:$0xC200] =	vst v63  }
0x124: {  	_ =	swait.ge [sflag:s10], $0x4000  }
0x125: {  	[sflag:s10] =	ssyncset.done $0x0  }
0x126: {  	[sflag:s10] =	ssyncadd.s32 $0xFFFFC000  }
0x127: {  	[spmem:s1] =	stream.indirect.scatter.add.f32 [tilespmem:s2], [sflag:$0x3], $0x80, s11, s0, $0xb8;
	[tilespmem:$0xC200] =	vst v63  }
0x128: {  	_ =	swait.ge [sflag:s30], $0x4000  }
0x129: {  	[sflag:s30] =	ssyncset.done $0x0  }
0x12a: {  	s17 =	sadd.s32 s16, s28;
	s16 =	smov.u32 s19;
	[sflag:s30] =	ssyncadd.s32 $0xFFFFC000  }
0x12b: {  	[tilespmem:s31], [sflag:$0x3] =	stream.linear.gather [hbm4b:s17+s3], $0x100, $0x38;
	[tilespmem:$0xC200] =	vst v63  }
0x12c: {  	_ =	swait.ge [sflag:s30], $0x100  }
0x12d: {  	[sflag:s30] =	ssyncset.done $0x0  }
0x12e: {  	[sflag:s30] =	ssyncadd.s32 $0xFFFFFF00  }
0x12f: {  	[tilespmem:s2], [sflag:$0x1] =	stream.indirect.gather [hbm4b:s4+s0], $0x80, s31, s0, $0xb8;
	[tilespmem:$0xC200] =	vst v63  }
0x130: {  	_ =	swait.ge [sflag:s12], $0x4000  }
.Ltmp2:
0x131: {  	[sflag:s12] =	ssyncset.done $0x0;
	(pc) =	sbr.rel @p0 .LBB2_6-.Ltmp2, $4  }
0x132: {  	[sflag:s12] =	ssyncadd.s32 $0xFFFFC000  }
0x133: {  	[spmem:s1] =	stream.indirect.scatter.add.f32 [tilespmem:s9], [sflag:$0x3], $0x80, s13, s0, $0xb8;
	[tilespmem:$0xC200] =	vst v63  }
0x134: {  	_ =	swait.ge [sflag:s30], $0x4000  }
0x135: {  	s17 =	smov.u32 s20;
	[sflag:s30] =	ssyncset.done $0x0  }
0x136: {  	s17 =	sadd.s32 s16, s26;
	[sflag:s30] =	ssyncadd.s32 $0xFFFFC000  }
0x137: {  	[tilespmem:s6], [sflag:$0x3] =	stream.linear.gather [hbm4b:s17+s3], $0x100, $0x38;
	[tilespmem:$0xC200] =	vst v63  }
0x138: {  	_ =	swait.ge [sflag:s30], $0x100  }
0x139: {  	[sflag:s30] =	ssyncset.done $0x0  }
0x13a: {  	[sflag:s30] =	ssyncadd.s32 $0xFFFFFF00  }
0x13b: {  	[tilespmem:s9], [sflag:$0x2] =	stream.indirect.gather [hbm4b:s4+s0], $0x80, s6, s0, $0xb8;
	[tilespmem:$0xC200] =	vst v63  }
0x13c: {  	_ =	swait.ge [sflag:s10], $0x4000  }
0x13d: {  	[sflag:s10] =	ssyncset.done $0x0  }
0x13e: {  	[sflag:s10] =	ssyncadd.s32 $0xFFFFC000  }
0x13f: {  	[spmem:s1] =	stream.indirect.scatter.add.f32 [tilespmem:s2], [sflag:$0x3], $0x80, s11, s0, $0xb8;
	[tilespmem:$0xC200] =	vst v63  }
0x140: {  	_ =	swait.ge [sflag:s30], $0x4000  }
0x141: {  	[sflag:s30] =	ssyncset.done $0x0  }
0x142: {  	s18 =	sadd.s32 s16, s28;
	[sflag:s30] =	ssyncadd.s32 $0xFFFFC000  }
0x143: {  	[tilespmem:s31], [sflag:$0x3] =	stream.linear.gather [hbm4b:s18+s3], $0x100, $0x38;
	[tilespmem:$0xC200] =	vst v63  }
0x144: {  	_ =	swait.ge [sflag:s30], $0x100  }
0x145: {  	[sflag:s30] =	ssyncset.done $0x0  }
0x146: {  	[sflag:s30] =	ssyncadd.s32 $0xFFFFFF00  }
0x147: {  	[tilespmem:s2], [sflag:$0x1] =	stream.indirect.gather [hbm4b:s4+s0], $0x80, s31, s0, $0xb8;
	[tilespmem:$0xC200] =	vst v63  }
0x148: {  	_ =	swait.ge [sflag:s12], $0x4000  }
0x149: {  	[sflag:s12] =	ssyncset.done $0x0  }
0x14a: {  	[sflag:s12] =	ssyncadd.s32 $0xFFFFC000  }
0x14b: {  	[spmem:s1] =	stream.indirect.scatter.add.f32 [tilespmem:s9], [sflag:$0x3], $0x80, s13, s0, $0xb8;
	[tilespmem:$0xC200] =	vst v63  }
0x14c: {  	_ =	swait.ge [sflag:s30], $0x4000  }
0x14d: {  	[sflag:s30] =	ssyncset.done $0x0  }
0x14e: {  	s16 =	simm.s32 $0x0;
	s19 =	rddreg [dreg:$0xf];
	[sflag:s30] =	ssyncadd.s32 $0xFFFFC000  }
0x14f: {  	[tilespmem:s6], [sflag:$0x3] =	stream.linear.gather [hbm4b:s19+s16], $0x100, $0x38;
	[tilespmem:$0xC200] =	vst v63  }
0x150: {  	_ =	swait.ge [sflag:s30], $0x100  }
0x151: {  	[sflag:s30] =	ssyncset.done $0x0  }
0x152: {  	[sflag:s30] =	ssyncadd.s32 $0xFFFFFF00  }
0x153: {  	[tilespmem:s9], [sflag:$0x2] =	stream.indirect.gather [hbm4b:s4+s0], $0x80, s6, s0, $0xb8;
	[tilespmem:$0xC200] =	vst v63  }
0x154: {  	_ =	swait.ge [sflag:s10], $0x4000  }
0x155: {  	[sflag:s10] =	ssyncset.done $0x0  }
0x156: {  	[sflag:s10] =	ssyncadd.s32 $0xFFFFC000  }
0x157: {  	[spmem:s1] =	stream.indirect.scatter.add.f32 [tilespmem:s2], [sflag:$0x3], $0x80, s11, s0, $0xb8;
	[tilespmem:$0xC200] =	vst v63  }
0x158: {  	_ =	swait.ge [sflag:s30], $0x4000  }
0x159: {  	[sflag:s30] =	ssyncset.done $0x0  }
0x15a: {  	[sflag:s30] =	ssyncadd.s32 $0xFFFFC000  }
0x15b: {  	_ =	swait.ge [sflag:s12], $0x4000  }
0x15c: {  	[sflag:s12] =	ssyncset.done $0x0  }
0x15d: {  	[sflag:s12] =	ssyncadd.s32 $0xFFFFC000  }
0x15e: {  	[spmem:s1] =	stream.indirect.scatter.add.f32 [tilespmem:s9], [sflag:$0x3], $0x80, s13, s0, $0xb8;
	[tilespmem:$0xC200] =	vst v63  }
0x15f: {  	_ =	swait.ge [sflag:s30], $0x4000  }
0x160: {  	[sflag:s30] =	ssyncset.done $0x0  }
0x161: {  	[sflag:s30] =	ssyncadd.s32 $0xFFFFC000  }
0x162: {  	[bflag:$0x0] =	sbarrier.arrive $0xFFFF  }
0x163: {  	s20 =	rddreg [dreg:$0x8]  }
0x164: {  	[hbm:s20], [sflag:s7] =	dma.local [spmem:s15], $0x800  }
0x165: {  	_ =	swait.ge [sflag:s30], $0x800  }
0x166: {  	[sflag:s30] =	ssyncset.done $0x0  }
0x167: {  	[sflag:s30] =	ssyncadd.s32 $0xFFFFF800  }
0x168: {  	[spmem:s15], [sflag:s7] =	dma.local [hbm:s5], $0x800  }
0x169: {  	_ =	swait.ge [sflag:s30], $0x800  }
0x16a: {  	[sflag:s30] =	ssyncset.done $0x0  }
0x16b: {  	[sflag:s30] =	ssyncadd.s32 $0xFFFFF800  }
0x16c: {  	[bflag:$0x0] =	sbarrier.arrive $0xFFFF  }
0x16d: {  	s18 =	rddreg [dreg:$0x9]  }
0x16e: {  	[tilespmem:s31], [sflag:$0x3] =	stream.linear.gather [hbm4b:s18+s16], $0x100, $0x38;
	[tilespmem:$0xC200] =	vst v63  }
0x16f: {  	_ =	swait.ge [sflag:s30], $0x100  }
0x170: {  	[sflag:s30] =	ssyncset.done $0x0  }
0x171: {  	[sflag:s30] =	ssyncadd.s32 $0xFFFFFF00  }
0x172: {  	[tilespmem:s2], [sflag:$0x1] =	stream.indirect.gather [hbm4b:s4+s0], $0x80, s31, s0, $0xb8;
	[tilespmem:$0xC200] =	vst v63  }
0x173: {  	s19 =	sadd.s32 $0x0, s29  }
0x174: {  	[tilespmem:s6], [sflag:$0x3] =	stream.linear.gather [hbm4b:s19+s3], $0x100, $0x38;
	[tilespmem:$0xC200] =	vst v63  }
0x175: {  	_ =	swait.ge [sflag:s30], $0x100  }
0x176: {  	[sflag:s30] =	ssyncset.done $0x0  }
0x177: {  	[sflag:s30] =	ssyncadd.s32 $0xFFFFFF00  }
0x178: {  	[tilespmem:s9], [sflag:$0x2] =	stream.indirect.gather [hbm4b:s4+s0], $0x80, s6, s0, $0xb8;
	[tilespmem:$0xC200] =	vst v63  }
0x179: {  	_ =	swait.ge [sflag:s10], $0x4000  }
0x17a: {  	[sflag:s10] =	ssyncset.done $0x0  }
0x17b: {  	[sflag:s10] =	ssyncadd.s32 $0xFFFFC000  }
0x17c: {  	[spmem:s1] =	stream.indirect.scatter.add.f32 [tilespmem:s2], [sflag:$0x3], $0x80, s11, s0, $0xb8;
	[tilespmem:$0xC200] =	vst v63  }
0x17d: {  	_ =	swait.ge [sflag:s30], $0x4000  }
0x17e: {  	[sflag:s30] =	ssyncset.done $0x0  }
0x17f: {  	s20 =	sadd.s32 $0x0, s24;
	[sflag:s30] =	ssyncadd.s32 $0xFFFFC000  }
0x180: {  	[tilespmem:s31], [sflag:$0x3] =	stream.linear.gather [hbm4b:s20+s3], $0x100, $0x38;
	[tilespmem:$0xC200] =	vst v63  }
0x181: {  	_ =	swait.ge [sflag:s30], $0x100  }
0x182: {  	[sflag:s30] =	ssyncset.done $0x0  }
0x183: {  	[sflag:s30] =	ssyncadd.s32 $0xFFFFFF00  }
0x184: {  	[tilespmem:s2], [sflag:$0x1] =	stream.indirect.gather [hbm4b:s4+s0], $0x80, s31, s0, $0xb8;
	[tilespmem:$0xC200] =	vst v63  }
0x185: {  	_ =	swait.ge [sflag:s12], $0x4000  }
0x186: {  	[sflag:s12] =	ssyncset.done $0x0  }
0x187: {  	[sflag:s12] =	ssyncadd.s32 $0xFFFFC000  }
0x188: {  	[spmem:s1] =	stream.indirect.scatter.add.f32 [tilespmem:s9], [sflag:$0x3], $0x80, s13, s0, $0xb8;
	[tilespmem:$0xC200] =	vst v63  }
0x189: {  	_ =	swait.ge [sflag:s30], $0x4000  }
0x18a: {  	s17 =	simm.s32 $0x80;
	s16 =	simm.s32 $0x40;
	[sflag:s30] =	ssyncset.done $0x0  }
.LBB2_8:
0x18b: {  	s18 =	sadd.s32 s16, s29  }
0x18c: {  	[sflag:s30] =	ssyncadd.s32 $0xFFFFC000;
	s19 =	smov.u32 s17;
	s20 =	sadd.s32 $0x40, s17  }
0x18d: {  	[tilespmem:s6], [sflag:$0x3] =	stream.linear.gather [hbm4b:s18+s3], $0x100, $0x38;
	[tilespmem:$0xC200] =	vst v63  }
0x18e: {  	p0 =	sne.s32 s17, $0x180;
	_ =	swait.ge [sflag:s30], $0x100  }
0x18f: {  	[sflag:s30] =	ssyncset.done $0x0  }
0x190: {  	[sflag:s30] =	ssyncadd.s32 $0xFFFFFF00  }
0x191: {  	[tilespmem:s9], [sflag:$0x2] =	stream.indirect.gather [hbm4b:s4+s0], $0x80, s6, s0, $0xb8;
	[tilespmem:$0xC200] =	vst v63  }
0x192: {  	_ =	swait.ge [sflag:s10], $0x4000  }
0x193: {  	[sflag:s10] =	ssyncset.done $0x0  }
0x194: {  	[sflag:s10] =	ssyncadd.s32 $0xFFFFC000  }
0x195: {  	[spmem:s1] =	stream.indirect.scatter.add.f32 [tilespmem:s2], [sflag:$0x3], $0x80, s11, s0, $0xb8;
	[tilespmem:$0xC200] =	vst v63  }
0x196: {  	_ =	swait.ge [sflag:s30], $0x4000  }
0x197: {  	[sflag:s30] =	ssyncset.done $0x0  }
0x198: {  	s17 =	sadd.s32 s16, s24;
	s16 =	smov.u32 s19;
	[sflag:s30] =	ssyncadd.s32 $0xFFFFC000  }
0x199: {  	[tilespmem:s31], [sflag:$0x3] =	stream.linear.gather [hbm4b:s17+s3], $0x100, $0x38;
	[tilespmem:$0xC200] =	vst v63  }
0x19a: {  	_ =	swait.ge [sflag:s30], $0x100  }
0x19b: {  	[sflag:s30] =	ssyncset.done $0x0  }
0x19c: {  	[sflag:s30] =	ssyncadd.s32 $0xFFFFFF00  }
0x19d: {  	[tilespmem:s2], [sflag:$0x1] =	stream.indirect.gather [hbm4b:s4+s0], $0x80, s31, s0, $0xb8;
	[tilespmem:$0xC200] =	vst v63  }
0x19e: {  	_ =	swait.ge [sflag:s12], $0x4000  }
.Ltmp3:
0x19f: {  	[sflag:s12] =	ssyncset.done $0x0;
	(pc) =	sbr.rel @p0 .LBB2_8-.Ltmp3, $4  }
0x1a0: {  	[sflag:s12] =	ssyncadd.s32 $0xFFFFC000  }
0x1a1: {  	[spmem:s1] =	stream.indirect.scatter.add.f32 [tilespmem:s9], [sflag:$0x3], $0x80, s13, s0, $0xb8;
	[tilespmem:$0xC200] =	vst v63  }
0x1a2: {  	_ =	swait.ge [sflag:s30], $0x4000  }
0x1a3: {  	s17 =	smov.u32 s20;
	[sflag:s30] =	ssyncset.done $0x0  }
0x1a4: {  	s17 =	sadd.s32 s16, s29;
	[sflag:s30] =	ssyncadd.s32 $0xFFFFC000  }
0x1a5: {  	[tilespmem:s6], [sflag:$0x3] =	stream.linear.gather [hbm4b:s17+s3], $0x100, $0x38;
	[tilespmem:$0xC200] =	vst v63  }
0x1a6: {  	_ =	swait.ge [sflag:s30], $0x100  }
0x1a7: {  	[sflag:s30] =	ssyncset.done $0x0  }
0x1a8: {  	[sflag:s30] =	ssyncadd.s32 $0xFFFFFF00  }
0x1a9: {  	[tilespmem:s9], [sflag:$0x2] =	stream.indirect.gather [hbm4b:s4+s0], $0x80, s6, s0, $0xb8;
	[tilespmem:$0xC200] =	vst v63  }
0x1aa: {  	_ =	swait.ge [sflag:s10], $0x4000  }
0x1ab: {  	[sflag:s10] =	ssyncset.done $0x0  }
0x1ac: {  	[sflag:s10] =	ssyncadd.s32 $0xFFFFC000  }
0x1ad: {  	[spmem:s1] =	stream.indirect.scatter.add.f32 [tilespmem:s2], [sflag:$0x3], $0x80, s11, s0, $0xb8;
	[tilespmem:$0xC200] =	vst v63  }
0x1ae: {  	_ =	swait.ge [sflag:s30], $0x4000  }
0x1af: {  	[sflag:s30] =	ssyncset.done $0x0  }
0x1b0: {  	s17 =	sadd.s32 s16, s24;
	[sflag:s30] =	ssyncadd.s32 $0xFFFFC000  }
0x1b1: {  	[tilespmem:s31], [sflag:$0x3] =	stream.linear.gather [hbm4b:s17+s3], $0x100, $0x38;
	[tilespmem:$0xC200] =	vst v63  }
0x1b2: {  	_ =	swait.ge [sflag:s30], $0x100  }
0x1b3: {  	[sflag:s30] =	ssyncset.done $0x0  }
0x1b4: {  	[sflag:s30] =	ssyncadd.s32 $0xFFFFFF00  }
0x1b5: {  	[tilespmem:s2], [sflag:$0x1] =	stream.indirect.gather [hbm4b:s4+s0], $0x80, s31, s0, $0xb8;
	[tilespmem:$0xC200] =	vst v63  }
0x1b6: {  	_ =	swait.ge [sflag:s12], $0x4000  }
0x1b7: {  	[sflag:s12] =	ssyncset.done $0x0  }
0x1b8: {  	[sflag:s12] =	ssyncadd.s32 $0xFFFFC000  }
0x1b9: {  	[spmem:s1] =	stream.indirect.scatter.add.f32 [tilespmem:s9], [sflag:$0x3], $0x80, s13, s0, $0xb8;
	[tilespmem:$0xC200] =	vst v63  }
0x1ba: {  	_ =	swait.ge [sflag:s30], $0x4000  }
0x1bb: {  	[sflag:s30] =	ssyncset.done $0x0  }
0x1bc: {  	s18 =	rddreg [dreg:$0xc];
	[sflag:s30] =	ssyncadd.s32 $0xFFFFC000  }
0x1bd: {  	[tilespmem:s6], [sflag:$0x3] =	stream.linear.gather [hbm4b:s18+s3], $0x100, $0x38;
	[tilespmem:$0xC200] =	vst v63  }
0x1be: {  	_ =	swait.ge [sflag:s30], $0x100  }
0x1bf: {  	[sflag:s30] =	ssyncset.done $0x0  }
0x1c0: {  	[sflag:s30] =	ssyncadd.s32 $0xFFFFFF00  }
0x1c1: {  	[tilespmem:s9], [sflag:$0x2] =	stream.indirect.gather [hbm4b:s4+s0], $0x80, s6, s0, $0xb8;
	[tilespmem:$0xC200] =	vst v63  }
0x1c2: {  	_ =	swait.ge [sflag:s10], $0x4000  }
0x1c3: {  	[sflag:s10] =	ssyncset.done $0x0  }
0x1c4: {  	[sflag:s10] =	ssyncadd.s32 $0xFFFFC000  }
0x1c5: {  	[spmem:s1] =	stream.indirect.scatter.add.f32 [tilespmem:s2], [sflag:$0x3], $0x80, s11, s0, $0xb8;
	[tilespmem:$0xC200] =	vst v63  }
0x1c6: {  	_ =	swait.ge [sflag:s30], $0x4000  }
0x1c7: {  	[sflag:s30] =	ssyncset.done $0x0  }
0x1c8: {  	[sflag:s30] =	ssyncadd.s32 $0xFFFFC000  }
0x1c9: {  	_ =	swait.ge [sflag:s12], $0x4000  }
0x1ca: {  	[sflag:s12] =	ssyncset.done $0x0  }
0x1cb: {  	[sflag:s12] =	ssyncadd.s32 $0xFFFFC000  }
0x1cc: {  	[spmem:s1] =	stream.indirect.scatter.add.f32 [tilespmem:s9], [sflag:$0x3], $0x80, s13, s0, $0xb8;
	[tilespmem:$0xC200] =	vst v63  }
0x1cd: {  	_ =	swait.ge [sflag:s30], $0x4000  }
0x1ce: {  	[sflag:s30] =	ssyncset.done $0x0  }
0x1cf: {  	[sflag:s30] =	ssyncadd.s32 $0xFFFFC000  }
0x1d0: {  	[bflag:$0x0] =	sbarrier.arrive $0xFFFF  }
0x1d1: {  	s19 =	rddreg [dreg:$0xa]  }
0x1d2: {  	[hbm:s19], [sflag:s7] =	dma.local [spmem:s15], $0x800  }
0x1d3: {  	_ =	swait.ge [sflag:s30], $0x800  }
0x1d4: {  	s14 =	sadd.s32 $0x1, s14;
	s20 =	rddreg [dreg:$0xb]  }
0x1d5: {  	p0 =	sne.s32 s14, s20  }
.Ltmp4:
0x1d6: {  	_ = 	snop;
	(pc) =	sbr.rel @p0 .LBB2_1-.Ltmp4, $3  }
0x1d7: {  	_ =	sdelay $0x1  }
0x1d8: {  	[sflag:s30] =	ssyncset.done $0x0  }
0x1d9: {  	[sflag:s30] =	ssyncadd.s32 $0xFFFFF800  }
0x1da: {  	_ =	sfence.sel $0x180000  }
0x1db: {  	[bflag:$0x0] =	sbarrier.arrive $0xFFFF  }
0x1dc: {  	_ =	strace $0x9000004A  }
0x1dd: {  	s0 =	stileid.u32;
	[bflag:$0x2] =	sbarrier.arrive $0xFFFF  }
0x1de: {  	p0 =	sne.s32 s0, $0x0;
	s0 =	rddreg [dreg:$0x2]  }
0x1df: {  	s0 =	sadd.s32 @!p0 $0x100000, s0  }
0x1e0: {  	[sflag:s0] =	ssyncadd.tile.s32 @!p0 $0x1;
	_ =	shalt  }
.Lfunc_end2:
_tile_overlayer_lowered:
.L_overlay_start_2:
0x1e1: {  	(tag) =	ssettag $0x2  }
0x1e2: {  	s0 =	rddreg [dreg:$0x0];
	s2 =	stileid.u32  }
0x1e3: {  	s1 =	rddreg [dreg:$0x1];
	p0 =	sne.s32 s2, $0x0  }
0x1e4: {  	s3 =	rddreg [dreg:$0x2];
	[bflag:$0x3] =	sbarrier.arrive $0xFFFF;
	s2 =	simm.s32 @!p0 $0x1C03  }
0x1e5: {  	[timem:s3], [sflag:s2] =	dma.local @!p0 [hbm:s0], s1  }
0x1e6: {  	s0 =	simm.s32 @!p0 $0x3  }
0x1e7: {  	_ =	swait.ge @!p0 [sflag:s0], s1  }
0x1e8: {  	s1 =	ssub.s32 @!p0 $0x0, s1;
	[sflag:s0] =	ssyncset.done @!p0 $0x0  }
0x1e9: {  	[sflag:s0] =	ssyncadd.s32 @!p0 s1  }
0x1ea: {  	[bflag:$0x3] =	sbarrier.arrive $0xFFFF  }
0x1eb: {  	_ =	shalt  }

// kernel: kernel.24.cloned.1.call-start
scs
__scs_entry_jumppad:
0x0: {  	(pc) =	sbr.rel $0x88, $3  }
0x1: {  	(tag) =	ssettag $0x0;
	lr =	simm.s32 $0x1  }
0x2: {  	[smem:$0x3F93] =	sst lr;
	_ =	strace $0xD0000000  }
0x3: {  	_ = 	snop  }
0x4: {  	_ = 	snop  }
0x5: {  	_ = 	snop  }
0x6: {  	_ = 	snop  }
0x7: {  	_ = 	snop  }
__scs_overlays_trampoline_lowered:
0x8: {  	[smem:$0x3FA2] =	sst s0  }
0x9: {  	[smem:$0x3FA3] =	sst s1  }
0xa: {  	[smem:$0x3FA4] =	sst s2  }
0xb: {  	[smem:$0x3FA5] =	sst s3  }
0xc: {  	[smem:$0x3FA6] =	sst s4  }
0xd: {  	[smem:$0x3FA7] =	sst s5  }
0xe: {  	[smem:$0x3FA8] =	sst s6  }
0xf: {  	[smem:$0x3FA9] =	sst s7  }
0x10: {  	[smem:$0x3FAA] =	sst s8  }
0x11: {  	[smem:$0x3FAB] =	sst s9;
	s0 =	simm.s32 @!p0 $0x0  }
0x12: {  	s1 =	sld [smem:$0x3F91];
	s0 =	simm.s32 @p0 $0x1  }
0x13: {  	[smem:$0x3FAC] =	sst s0;
	s0 =	simm.s32 @!p1 $0x0  }
0x14: {  	s2 =	sld [smem:$0x3F90];
	s0 =	simm.s32 @p1 $0x1  }
0x15: {  	[smem:$0x3FAD] =	sst s0;
	s0 =	simm.s32 @!p2 $0x0  }
0x16: {  	s3 =	sld [smem:$0x3FDB];
	s0 =	simm.s32 @p2 $0x1  }
0x17: {  	s4 =	simm.s32 $0x1BF5;
	[smem:$0x3FAF] =	sst s0  }
0x18: {  	s0 =	sld [smem:$0x3F92];
	_ =	swait.ge [sflag:s4], $0x0  }
0x19: {  	s7 =	sld [smem:$0x3F93]  }
0x1a: {  	s8 =	sadd.s32 $0xFFFFE003, lr  }
0x1b: {  	s9 =	sadd.s32 $0xFFFFFEF7, lr;
	s5 =	simm.s32 $0xFFFFFFFF;
	p2 =	slt.u32 s8, $0xFFFFF086  }
0x1c: {  	p1 =	slt.u32 s9, $0xF7A;
	s5 =	simm.s32 @!p2 $0x0  }
0x1d: {  	s5 =	simm.s32 @p1 $0x1;
	p0 =	seq.s32 s7, s2  }
0x1e: {  	s7 =	smul.u32 @!p0 $0xF7A, s2;
	p2 =	seq.s32 @!p0 s5, $0x0  }
0x1f: {  	s9 =	smul.u32 $0xF7A, s1;
	s8 =	simm.s32 @!p0 $0x1BF5;
	p2 =	por !p2, p0  }
0x20: {  	[sflag:s8] =	ssyncset.s32 @!p0 $0xFFFFF086;
	s6 =	sadd.s32 @!p0 s3, s7;
	s7 =	simm.s32 @!p0 $0x108  }
0x21: {  	s3 =	sadd.s32 s3, s9;
	s6 =	sadd.s32 @!p0 $0x88, s6;
	s7 =	simm.s32 @p2 $0x1082  }
0x22: {  	[simem:s7], [sflag:s8] =	dma.local @!p0 [hbm:s6], $0xF7A  }
0x23: {  	s9 =	sor.u32 $0xD0000000, s2;
	s6 =	simm.s32 $0x108;
	_ =	swait.ge @!p0 [sflag:s8], $0x0  }
0x24: {  	s3 =	sadd.s32 $0x88, s3;
	s6 =	simm.s32 @!p1 $0x1082;
	[sflag:s4] =	ssyncset.s32 $0xFFFFF086  }
0x25: {  	[simem:s6], [sflag:s4] =	dma.local [hbm:s3], $0xF7A  }
0x26: {  	[smem:$0x3F93] =	sst s1;
	(tag) =	ssettag s2;
	_ =	strace s9  }
0x27: {  	s1 =	sld [smem:$0x3FA3]  }
0x28: {  	s2 =	sld [smem:$0x3FA4]  }
0x29: {  	s4 =	sld [smem:$0x3FA6]  }
0x2a: {  	p0 =	seq.s32 s5, $0x0;
	s5 =	sld [smem:$0x3FA7]  }
0x2b: {  	s6 =	sld [smem:$0x3FA8]  }
0x2c: {  	s7 =	sld [smem:$0x3FA9]  }
0x2d: {  	s3 =	simm.s32 $0x108;
	s8 =	sld [smem:$0x3FAA]  }
0x2e: {  	s3 =	simm.s32 @!p0 $0x1082;
	s9 =	sld [smem:$0x3FAB]  }
0x2f: {  	lr =	sadd.s32 s0, s3;
	s0 =	sld [smem:$0x3FA2]  }
0x30: {  	s3 =	sld [smem:$0x3FA5]  }
0x31: {  	[smem:$0x3FAE] =	sst s10  }
0x32: {  	s10 =	sld [smem:$0x3FAC];
	_ =	sdelay $0x3  }
0x33: {  	p0 =	seq.s32 s10, $0x1;
	s10 =	sld [smem:$0x3FAE];
	_ =	sdelay $0x3  }
0x34: {  	[smem:$0x3FAE] =	sst s10  }
0x35: {  	s10 =	sld [smem:$0x3FAD];
	_ =	sdelay $0x3  }
0x36: {  	p1 =	seq.s32 s10, $0x1;
	s10 =	sld [smem:$0x3FAE];
	_ =	sdelay $0x3  }
0x37: {  	[smem:$0x3FAE] =	sst s10  }
0x38: {  	s10 =	sld [smem:$0x3FAF]  }
0x39: {  	_ = 	snop;
	(pc) =	sbr.ind lr, $3  }
0x3a: {  	_ = 	snop  }
0x3b: {  	_ = 	snop  }
0x3c: {  	p2 =	seq.s32 s10, $0x1;
	s10 =	sld [smem:$0x3FAE]  }
0x3d: {  	_ =	shalt  }
0x3e: {  	_ =	shalt  }
0x3f: {  	_ =	shalt  }
0x40: {  	_ =	shalt  }
0x41: {  	_ =	shalt  }
0x42: {  	_ =	shalt  }
0x43: {  	_ =	shalt  }
0x44: {  	_ =	shalt  }
0x45: {  	_ =	shalt  }
0x46: {  	_ =	shalt  }
0x47: {  	_ =	shalt  }
0x48: {  	_ =	shalt  }
0x49: {  	_ =	shalt  }
0x4a: {  	_ =	shalt  }
0x4b: {  	_ =	shalt  }
0x4c: {  	_ =	shalt  }
0x4d: {  	_ =	shalt  }
0x4e: {  	_ =	shalt  }
0x4f: {  	_ =	shalt  }
0x50: {  	_ =	shalt  }
0x51: {  	_ =	shalt  }
0x52: {  	_ =	shalt  }
0x53: {  	_ =	shalt  }
0x54: {  	_ =	shalt  }
0x55: {  	_ =	shalt  }
0x56: {  	_ =	shalt  }
0x57: {  	_ =	shalt  }
0x58: {  	_ =	shalt  }
0x59: {  	_ =	shalt  }
0x5a: {  	_ =	shalt  }
0x5b: {  	_ =	shalt  }
0x5c: {  	_ =	shalt  }
0x5d: {  	_ =	shalt  }
0x5e: {  	_ =	shalt  }
0x5f: {  	_ =	shalt  }
0x60: {  	_ =	shalt  }
0x61: {  	_ =	shalt  }
0x62: {  	_ =	shalt  }
0x63: {  	_ =	shalt  }
0x64: {  	_ =	shalt  }
0x65: {  	_ =	shalt  }
0x66: {  	_ =	shalt  }
0x67: {  	_ =	shalt  }
0x68: {  	_ =	shalt  }
0x69: {  	_ =	shalt  }
0x6a: {  	_ =	shalt  }
0x6b: {  	_ =	shalt  }
0x6c: {  	_ =	shalt  }
0x6d: {  	_ =	shalt  }
0x6e: {  	_ =	shalt  }
0x6f: {  	_ =	shalt  }
0x70: {  	_ =	shalt  }
0x71: {  	_ =	shalt  }
0x72: {  	_ =	shalt  }
0x73: {  	_ =	shalt  }
0x74: {  	_ =	shalt  }
0x75: {  	_ =	shalt  }
0x76: {  	_ =	shalt  }
0x77: {  	_ =	shalt  }
0x78: {  	_ =	shalt  }
0x79: {  	_ =	shalt  }
0x7a: {  	_ =	shalt  }
0x7b: {  	_ =	shalt  }
0x7c: {  	_ =	shalt  }
0x7d: {  	_ =	shalt  }
0x7e: {  	_ =	shalt  }
0x7f: {  	_ =	shalt  }
0x80: {  	_ =	shalt  }
0x81: {  	_ =	shalt  }
0x82: {  	_ =	shalt  }
0x83: {  	_ =	shalt  }
0x84: {  	_ =	shalt  }
0x85: {  	_ =	shalt  }
0x86: {  	_ =	shalt  }
0x87: {  	_ =	shalt  }
.Lfunc_end0:
.L_simem_size_0:
called_computation.2_lowered:
.L_overlay_start_0:
0x88: {  	s2 =	sld [smem:$0x3FD9]  }
0x89: {  	s3 =	sld [smem:$0x3FFE];
	_ =	sdelay $0x1  }
0x8a: {  	s1 =	srdreg.scid  }
0x8b: {  	s0 =	sand.u32 $0x1, s1  }
0x8c: {  	s16 =	sshll.u32 s0, $0xA;
	s2 =	sadd.s32 s3, s2  }
0x8d: {  	s2 =	sadd.s32 s2, s16  }
0x8e: {  	[smem:$0x3FBA] =	sst s2  }
0x8f: {  	_ = 	snop  }
0x90: {  	(tm) =	ssettm $0x1  }
0x91: {  	s17 =	sld [smem:$0x3FFB];
	_ =	sdelay $0x3  }
0x92: {  	_ =	strace s17  }
0x93: {  	s2 =	sld [smem:$0x3FFC];
	_ =	sdelay $0x3  }
0x94: {  	_ =	strace s2  }
0x95: {  	s2 =	sld [smem:$0x3FFD];
	_ =	sdelay $0x3  }
0x96: {  	_ =	strace s2  }
0x97: {  	_ =	strace $0x8FFFFFFF  }
0x98: {  	s18 =	sld [smem:$0x3FDB];
	_ =	sdelay $0x1  }
0x99: {  	s19 =	simm.s32 $_scs_section_size  }
0x9a: {  	s4 =	simm.s32 $_size__tile_overlayer_lowered;
	s5 =	simm.s32 $_tile_overlayer_lowered  }
0x9b: {  	s22 =	simm.s32 $0x1BFF;
	s21 =	sshll.u32 s5, $0x1;
	s2 =	sadd.s32 s19, s18  }
0x9c: {  	s6 =	simm.s32 $0x0;
	s20 =	sshll.u32 s4, $0x1;
	s4 =	sadd.s32 s21, s2  }
0x9d: {  	[timem:s6], [sflag:s22] =	dma.local [hbm:s4], s20  }
0x9e: {  	_ =	swait.ge [sflag:s22], s20  }
0x9f: {  	s3 =	ssub.s32 $0x0, s20;
	[sflag:s22] =	ssyncset.done $0x0  }
0xa0: {  	[sflag:s22] =	ssyncadd.s32 s3;
	_ =	sdelay $0x1  }
0xa1: {  	s23 =	simm.s32 $0x1B8B  }
0xa2: {  	_ =	swait.ge [sflag:s23], $0x1  }
0xa3: {  	[sflag:s23] =	ssyncset.done $0x0  }
0xa4: {  	s25 =	simm.s32 $0x1B8E;
	s24 =	sld [smem:$0x3FFE];
	[sflag:s23] =	ssyncadd.s32 $0xFFFFFFFF  }
0xa5: {  	s26 =	simm.s32 $execute0_lowered;
	[smem:$0x3FD2] =	sst s25  }
0xa6: {  	s4 =	sshll.u32 s26, $0x1;
	_ =	strace $0x8000004C;
	[dreg:$0x1] =	wrdreg $0xFFFFFFFF  }
0xa7: {  	s28 =	simm.s32 $_size_execute0_lowered;
	s2 =	sadd.s32 s2, s4;
	[dreg:$0x0] =	wrdreg $0x0  }
0xa8: {  	s4 =	sshll.u32 s28, $0x1;
	[dreg:$0x2] =	wrdreg s2  }
0xa9: {  	[dreg:$0x3] =	wrdreg s4  }
0xaa: {  	[dreg:$0x4] =	wrdreg $0xC0  }
0xab: {  	_ =	task [dreg:s6], $0x5FFFF  }
0xac: {  	[dreg:$0x1] =	wrdreg $0xFFFFFFFF  }
0xad: {  	[dreg:$0x0] =	wrdreg $0x60  }
0xae: {  	[dreg:$0x2] =	wrdreg s24  }
0xaf: {  	[dreg:$0x3] =	wrdreg $0x0  }
0xb0: {  	[dreg:$0x4] =	wrdreg $0x9  }
0xb1: {  	_ =	task.clear_ibuf [dreg:s6], $0x5FFFF;
	_ =	strace $0x9000004C  }
0xb2: {  	s29 =	simm.s32 $0x9;
	_ =	strace $0x8000004E  }
0xb3: {  	_ =	swait.ge [sflag:s29], $0x1  }
0xb4: {  	[sflag:s29] =	ssyncadd.s32 $0xFFFFFFFF  }
0xb5: {  	_ =	strace $0x9000004E  }
0xb6: {  	_ =	sfence  }
0xb7: {  	s30 =	sld [smem:$0x0];
	_ =	sdelay $0x2  }
0xb8: {  	s31 =	sshll.u32 s1, $0xD;
	s1 =	sshrl.u32 s1, $0x2  }
0xb9: {  	s3 =	sand.u32 $0x4000, s31;
	s1 =	sadd.s32 s1, s30  }
0xba: {  	s0 =	sor.u32 s3, s0;
	s1 =	sshll.u32 s1, $0x11  }
0xbb: {  	s0 =	sor.u32 s1, s0  }
0xbc: {  	s0 =	sadd.s32 $0x8F2B, s0  }
0xbd: {  	[sflag:s0] =	ssyncadd.remote.s32 $0x1  }
0xbe: {  	_ =	sfence.sel $0xFFFF  }
0xbf: {  	[dreg:$0x0] =	wrdreg $0xFFFFFFFF;
	(pc) =	sbr.abs _section_cstart, $3  }
0xc0: {  	[dreg:$0x1] =	wrdreg $0xFFFFFFFF  }
0xc1: {  	_ =	task.clear_ibuf [dreg:s6], $0x2FFFF;
	_ =	strace $0x9FFFFFFF  }
0xc2: {  	(tm) =	ssettm $0x7FFFFFFF  }
0xc3: {  	_ =	shalt  }
tec
execute0_lowered:
.L_overlay_start_1:
0x0: {  	(tag) =	ssettag $0x1  }
0x1: {  	s6 =	rddreg [dreg:$0x0]  }
0x2: {  	s1 =	rddreg [dreg:$0x1]  }
0x3: {  	s0 =	rddreg [dreg:$0x2];
	s2 =	simm.s32 $0x0;
	s3 =	srdreg.scid  }
0x4: {  	s15 =	simm.s32 $0xC000;
	s16 =	simm.s32 $0x80;
	s17 =	simm.s32 $0x4000  }
0x5: {  	s18 =	simm.s32 $0xC100;
	s19 =	simm.s32 $0x8000;
	s20 =	simm.s32 $0x1  }
0x6: {  	s21 =	simm.s32 $0xC080;
	s22 =	simm.s32 $0x2;
	s23 =	simm.s32 $0xC180  }
0x7: {  	s24 =	simm.s32 $0x0;
	[smem:$0x7FF] =	sst s2;
	s7 =	sand.u32 $0x1, s3  }
0x8: {  	s4 =	sadd.s32 $0xA600, s6;
	s3 =	stileid.u32;
	s12 =	sadd.s32 $0x5E00, s6  }
0x9: {  	s5 =	sadd.s32 $0x9E00, s6;
	_ =	strace $0x8000004D;
	s8 =	ssub.s32 $0x2, s7  }
0xa: {  	s9 =	sshll.u32 s3, $0xB;
	s26 =	sshll.u32 s3, $0xE;
	s28 =	sshll.u32 s7, $0x10  }
0xb: {  	s11 =	sshll.u32 s3, $0xC;
	s29 =	sshll.u32 s3, $0x6;
	s14 =	sshll.u32 s7, $0xF  }
0xc: {  	s10 =	sshrl.u32 s8, $0x1;
	s9 =	sadd.s32 s9, s6;
	s13 =	sadd.s32 s26, s1  }
0xd: {  	s6 =	sor.u32 $0x1C03, s29;
	s10 =	ssub.s32 s8, s10;
	s8 =	sor.u32 s11, s28  }
0xe: {  	s9 =	sadd.s32 s14, s9;
	s13 =	sshrl.u32 s13, $0x3;
	s14 =	simm.s32 $0x3  }
0xf: {  	s11 =	sshrl.u32 s8, $0x3;
	s30 =	sor.u32 $0x200, s8;
	s8 =	sadd.s32 $0x12600, s9  }
0x10: {  	s9 =	smax.u32 s10, $0x1;
	s7 =	sadd.s32 s11, s12;
	s31 =	sshrl.u32 s30, $0x3  }
0x11: {  	s10 =	sadd.s32 $0x1E0, s7;
	s11 =	sadd.s32 $0x20, s7;
	s12 =	sadd.s32 s31, s12  }
.LBB2_1:
0x12: {  	[spmem:s13], [sflag:s6] =	dma.local [hbm:s5], $0x800  }
0x13: {  	_ =	swait.ge [sflag:s14], $0x800  }
0x14: {  	[sflag:s14] =	ssyncset.done $0x0  }
0x15: {  	[sflag:s14] =	ssyncadd.s32 $0xFFFFF800  }
0x16: {  	[bflag:$0x0] =	sbarrier.arrive $0xFFFF  }
0x17: {  	[tilespmem:s15], [sflag:$0x3] =	stream.linear.gather [hbm4b:s7+s2], $0x100, $0x38;
	[tilespmem:$0xC200] =	vst v63  }
0x18: {  	_ =	swait.ge [sflag:s14], $0x100  }
0x19: {  	[sflag:s14] =	ssyncset.done $0x0  }
0x1a: {  	[sflag:s14] =	ssyncadd.s32 $0xFFFFFF00  }
0x1b: {  	[tilespmem:s17], [sflag:$0x1] =	stream.indirect.gather [hbm4b:s4+s16], $0x80, s15, s16, $0xb8;
	[tilespmem:$0xC200] =	vst v63  }
0x1c: {  	s25 =	sadd.s32 $0x0, s11  }
0x1d: {  	[tilespmem:s18], [sflag:$0x3] =	stream.linear.gather [hbm4b:s25+s2], $0x100, $0x38;
	[tilespmem:$0xC200] =	vst v63  }
0x1e: {  	_ =	swait.ge [sflag:s14], $0x100  }
0x1f: {  	[sflag:s14] =	ssyncset.done $0x0  }
0x20: {  	[sflag:s14] =	ssyncadd.s32 $0xFFFFFF00  }
0x21: {  	[tilespmem:s19], [sflag:$0x2] =	stream.indirect.gather [hbm4b:s4+s16], $0x80, s18, s16, $0xb8;
	[tilespmem:$0xC200] =	vst v63  }
0x22: {  	_ =	swait.ge [sflag:s20], $0x4000  }
0x23: {  	[sflag:s20] =	ssyncset.done $0x0  }
0x24: {  	[sflag:s20] =	ssyncadd.s32 $0xFFFFC000  }
0x25: {  	[spmem:s1] =	stream.indirect.scatter.add.f32 [tilespmem:s17], [sflag:$0x3], $0x80, s21, s16, $0xb8;
	[tilespmem:$0xC200] =	vst v63  }
0x26: {  	_ =	swait.ge [sflag:s14], $0x4000  }
0x27: {  	[sflag:s14] =	ssyncset.done $0x0  }
0x28: {  	s31 =	sadd.s32 $0x0, s12;
	[sflag:s14] =	ssyncadd.s32 $0xFFFFC000  }
0x29: {  	[tilespmem:s15], [sflag:$0x3] =	stream.linear.gather [hbm4b:s31+s2], $0x100, $0x38;
	[tilespmem:$0xC200] =	vst v63  }
0x2a: {  	_ =	swait.ge [sflag:s14], $0x100  }
0x2b: {  	[sflag:s14] =	ssyncset.done $0x0  }
0x2c: {  	[sflag:s14] =	ssyncadd.s32 $0xFFFFFF00  }
0x2d: {  	[tilespmem:s17], [sflag:$0x1] =	stream.indirect.gather [hbm4b:s4+s16], $0x80, s15, s16, $0xb8;
	[tilespmem:$0xC200] =	vst v63  }
0x2e: {  	_ =	swait.ge [sflag:s22], $0x4000  }
0x2f: {  	[sflag:s22] =	ssyncset.done $0x0  }
0x30: {  	[sflag:s22] =	ssyncadd.s32 $0xFFFFC000  }
0x31: {  	[spmem:s1] =	stream.indirect.scatter.add.f32 [tilespmem:s19], [sflag:$0x3], $0x80, s23, s16, $0xb8;
	[tilespmem:$0xC200] =	vst v63  }
0x32: {  	_ =	swait.ge [sflag:s14], $0x4000  }
0x33: {  	s26 =	simm.s32 $0x80;
	s25 =	simm.s32 $0x40;
	[sflag:s14] =	ssyncset.done $0x0  }
.LBB2_2:
0x34: {  	s28 =	sadd.s32 s25, s11  }
0x35: {  	[sflag:s14] =	ssyncadd.s32 $0xFFFFC000;
	s29 =	smov.u32 s26;
	s30 =	sadd.s32 $0x40, s26  }
0x36: {  	[tilespmem:s18], [sflag:$0x3] =	stream.linear.gather [hbm4b:s28+s2], $0x100, $0x38;
	[tilespmem:$0xC200] =	vst v63  }
0x37: {  	p0 =	sne.s32 s26, $0x180;
	_ =	swait.ge [sflag:s14], $0x100  }
0x38: {  	[sflag:s14] =	ssyncset.done $0x0  }
0x39: {  	[sflag:s14] =	ssyncadd.s32 $0xFFFFFF00  }
0x3a: {  	[tilespmem:s19], [sflag:$0x2] =	stream.indirect.gather [hbm4b:s4+s16], $0x80, s18, s16, $0xb8;
	[tilespmem:$0xC200] =	vst v63  }
0x3b: {  	_ =	swait.ge [sflag:s20], $0x4000  }
0x3c: {  	[sflag:s20] =	ssyncset.done $0x0  }
0x3d: {  	[sflag:s20] =	ssyncadd.s32 $0xFFFFC000  }
0x3e: {  	[spmem:s1] =	stream.indirect.scatter.add.f32 [tilespmem:s17], [sflag:$0x3], $0x80, s21, s16, $0xb8;
	[tilespmem:$0xC200] =	vst v63  }
0x3f: {  	_ =	swait.ge [sflag:s14], $0x4000  }
0x40: {  	[sflag:s14] =	ssyncset.done $0x0  }
0x41: {  	s26 =	sadd.s32 s25, s12;
	s25 =	smov.u32 s29;
	[sflag:s14] =	ssyncadd.s32 $0xFFFFC000  }
0x42: {  	[tilespmem:s15], [sflag:$0x3] =	stream.linear.gather [hbm4b:s26+s2], $0x100, $0x38;
	[tilespmem:$0xC200] =	vst v63  }
0x43: {  	_ =	swait.ge [sflag:s14], $0x100  }
0x44: {  	[sflag:s14] =	ssyncset.done $0x0  }
0x45: {  	[sflag:s14] =	ssyncadd.s32 $0xFFFFFF00  }
0x46: {  	[tilespmem:s17], [sflag:$0x1] =	stream.indirect.gather [hbm4b:s4+s16], $0x80, s15, s16, $0xb8;
	[tilespmem:$0xC200] =	vst v63  }
0x47: {  	_ =	swait.ge [sflag:s22], $0x4000  }
.Ltmp0:
0x48: {  	[sflag:s22] =	ssyncset.done $0x0;
	(pc) =	sbr.rel @p0 .LBB2_2-.Ltmp0, $4  }
0x49: {  	[sflag:s22] =	ssyncadd.s32 $0xFFFFC000  }
0x4a: {  	[spmem:s1] =	stream.indirect.scatter.add.f32 [tilespmem:s19], [sflag:$0x3], $0x80, s23, s16, $0xb8;
	[tilespmem:$0xC200] =	vst v63  }
0x4b: {  	_ =	swait.ge [sflag:s14], $0x4000  }
0x4c: {  	s26 =	smov.u32 s30;
	[sflag:s14] =	ssyncset.done $0x0  }
0x4d: {  	s26 =	sadd.s32 s25, s11;
	[sflag:s14] =	ssyncadd.s32 $0xFFFFC000  }
0x4e: {  	[tilespmem:s18], [sflag:$0x3] =	stream.linear.gather [hbm4b:s26+s2], $0x100, $0x38;
	[tilespmem:$0xC200] =	vst v63  }
0x4f: {  	_ =	swait.ge [sflag:s14], $0x100  }
0x50: {  	[sflag:s14] =	ssyncset.done $0x0  }
0x51: {  	[sflag:s14] =	ssyncadd.s32 $0xFFFFFF00  }
0x52: {  	[tilespmem:s19], [sflag:$0x2] =	stream.indirect.gather [hbm4b:s4+s16], $0x80, s18, s16, $0xb8;
	[tilespmem:$0xC200] =	vst v63  }
0x53: {  	_ =	swait.ge [sflag:s20], $0x4000  }
0x54: {  	[sflag:s20] =	ssyncset.done $0x0  }
0x55: {  	[sflag:s20] =	ssyncadd.s32 $0xFFFFC000  }
0x56: {  	[spmem:s1] =	stream.indirect.scatter.add.f32 [tilespmem:s17], [sflag:$0x3], $0x80, s21, s16, $0xb8;
	[tilespmem:$0xC200] =	vst v63  }
0x57: {  	_ =	swait.ge [sflag:s14], $0x4000  }
0x58: {  	[sflag:s14] =	ssyncset.done $0x0  }
0x59: {  	s31 =	sadd.s32 s25, s12;
	[sflag:s14] =	ssyncadd.s32 $0xFFFFC000  }
0x5a: {  	[tilespmem:s15], [sflag:$0x3] =	stream.linear.gather [hbm4b:s31+s2], $0x100, $0x38;
	[tilespmem:$0xC200] =	vst v63  }
0x5b: {  	_ =	swait.ge [sflag:s14], $0x100  }
0x5c: {  	[sflag:s14] =	ssyncset.done $0x0  }
0x5d: {  	[sflag:s14] =	ssyncadd.s32 $0xFFFFFF00  }
0x5e: {  	[tilespmem:s17], [sflag:$0x1] =	stream.indirect.gather [hbm4b:s4+s16], $0x80, s15, s16, $0xb8;
	[tilespmem:$0xC200] =	vst v63  }
0x5f: {  	_ =	swait.ge [sflag:s22], $0x4000  }
0x60: {  	[sflag:s22] =	ssyncset.done $0x0  }
0x61: {  	[sflag:s22] =	ssyncadd.s32 $0xFFFFC000  }
0x62: {  	[spmem:s1] =	stream.indirect.scatter.add.f32 [tilespmem:s19], [sflag:$0x3], $0x80, s23, s16, $0xb8;
	[tilespmem:$0xC200] =	vst v63  }
0x63: {  	_ =	swait.ge [sflag:s14], $0x4000  }
0x64: {  	[sflag:s14] =	ssyncset.done $0x0  }
0x65: {  	[sflag:s14] =	ssyncadd.s32 $0xFFFFC000  }
0x66: {  	[tilespmem:s18], [sflag:$0x3] =	stream.linear.gather [hbm4b:s10+s2], $0x100, $0x38;
	[tilespmem:$0xC200] =	vst v63  }
0x67: {  	_ =	swait.ge [sflag:s14], $0x100  }
0x68: {  	[sflag:s14] =	ssyncset.done $0x0  }
0x69: {  	[sflag:s14] =	ssyncadd.s32 $0xFFFFFF00  }
0x6a: {  	[tilespmem:s19], [sflag:$0x2] =	stream.indirect.gather [hbm4b:s4+s16], $0x80, s18, s16, $0xb8;
	[tilespmem:$0xC200] =	vst v63  }
0x6b: {  	_ =	swait.ge [sflag:s20], $0x4000  }
0x6c: {  	[sflag:s20] =	ssyncset.done $0x0  }
0x6d: {  	[sflag:s20] =	ssyncadd.s32 $0xFFFFC000  }
0x6e: {  	[spmem:s1] =	stream.indirect.scatter.add.f32 [tilespmem:s17], [sflag:$0x3], $0x80, s21, s16, $0xb8;
	[tilespmem:$0xC200] =	vst v63  }
0x6f: {  	_ =	swait.ge [sflag:s14], $0x4000  }
0x70: {  	[sflag:s14] =	ssyncset.done $0x0  }
0x71: {  	[sflag:s14] =	ssyncadd.s32 $0xFFFFC000  }
0x72: {  	_ =	swait.ge [sflag:s22], $0x4000  }
0x73: {  	[sflag:s22] =	ssyncset.done $0x0  }
0x74: {  	[sflag:s22] =	ssyncadd.s32 $0xFFFFC000  }
0x75: {  	[spmem:s1] =	stream.indirect.scatter.add.f32 [tilespmem:s19], [sflag:$0x3], $0x80, s23, s16, $0xb8;
	[tilespmem:$0xC200] =	vst v63  }
0x76: {  	_ =	swait.ge [sflag:s14], $0x4000  }
0x77: {  	s24 =	sadd.s32 $0x1, s24;
	[sflag:s14] =	ssyncset.done $0x0  }
0x78: {  	p0 =	sne.s32 s24, s9;
	[sflag:s14] =	ssyncadd.s32 $0xFFFFC000  }
.Ltmp1:
0x79: {  	[bflag:$0x0] =	sbarrier.arrive $0xFFFF;
	(pc) =	sbr.rel @p0 .LBB2_1-.Ltmp1, $4  }
0x7a: {  	[hbm:s8], [sflag:s6] =	dma.local [spmem:s13], $0x800  }
0x7b: {  	_ =	swait.ge [sflag:s14], $0x800  }
0x7c: {  	[sflag:s14] =	ssyncset.done $0x0  }
0x7d: {  	[sflag:s14] =	ssyncadd.s32 $0xFFFFF800  }
0x7e: {  	_ =	sfence.sel $0x180000  }
0x7f: {  	[bflag:$0x0] =	sbarrier.arrive $0xFFFF  }
0x80: {  	p0 =	sne.s32 s3, $0x0;
	_ =	strace $0x9000004D  }
0x81: {  	s0 =	sadd.s32 @!p0 $0x100000, s0;
	[bflag:$0x2] =	sbarrier.arrive $0xFFFF  }
0x82: {  	[sflag:s0] =	ssyncadd.tile.s32 @!p0 $0x1;
	_ =	shalt  }
.Lfunc_end2:
_tile_overlayer_lowered:
.L_overlay_start_2:
0x83: {  	(tag) =	ssettag $0x2  }
0x84: {  	s0 =	rddreg [dreg:$0x0];
	s2 =	stileid.u32  }
0x85: {  	s1 =	rddreg [dreg:$0x1];
	p0 =	sne.s32 s2, $0x0  }
0x86: {  	s3 =	rddreg [dreg:$0x2];
	[bflag:$0x3] =	sbarrier.arrive $0xFFFF;
	s2 =	simm.s32 @!p0 $0x1C03  }
0x87: {  	[timem:s3], [sflag:s2] =	dma.local @!p0 [hbm:s0], s1  }
0x88: {  	s0 =	simm.s32 @!p0 $0x3  }
0x89: {  	_ =	swait.ge @!p0 [sflag:s0], s1  }
0x8a: {  	s1 =	ssub.s32 @!p0 $0x0, s1;
	[sflag:s0] =	ssyncset.done @!p0 $0x0  }
0x8b: {  	[sflag:s0] =	ssyncadd.s32 @!p0 s1  }
0x8c: {  	[bflag:$0x3] =	sbarrier.arrive $0xFFFF  }
0x8d: {  	_ =	shalt  }

</sc_bundles>
